<compile_context>
chip_gen: v7x
topology: tpu7x:2x2x1
jax: 0.10.2.dev20260603
libtpu: 0.0.44.dev20260713+nightly
codegen_flags: <defaults>
</compile_context>

<pallas_src>
import functools

import jax
import jax.numpy as jnp
from jax import lax
from jax.experimental import pallas as pl
from jax.experimental.pallas import tpu as pltpu
from jax.experimental.pallas import tpu_sc as plsc

D = 128
C = 128
NSLOT = 7
NFLY = 5

_info = plsc.get_sparse_core_info()
_NC, _NS = _info.num_cores, _info.num_subcores
NW = _NC * _NS
NPAIR = NW // 2

_mesh = plsc.VectorSubcoreMesh(core_axis_name="c", subcore_axis_name="s")


def _make_gather(b_len: int, s_len: int):
    n_total = b_len * s_len
    assert n_total % (NPAIR * C) == 0
    rpw = n_total // NPAIR
    nch = rpw // C
    assert s_len % rpw == 0

    @functools.partial(
        pl.kernel,
        mesh=_mesh,
        out_type=[
            jax.ShapeDtypeStruct((n_total, D), jnp.float32),
            jax.ShapeDtypeStruct((n_total, D), jnp.float32),
        ],
        scratch_types=[
            pltpu.VMEM((rpw,), jnp.int32),
            pltpu.VMEM((NSLOT, C, D), jnp.float32),
            pltpu.SemaphoreType.DMA,
            pltpu.SemaphoreType.DMA,
        ],
    )
    def gather_kernel(idx_hbm, cos_hbm, sin_hbm, cos_out, sin_out,
                      idx_v, buf, gsem, wsem):
        cid = lax.axis_index("c")
        sid = lax.axis_index("s")
        pair = cid * (_NS // 2) + sid // 2
        tsel = sid % 2
        base = pair * rpw
        ppr = s_len // rpw
        pltpu.sync_copy(
            idx_hbm.at[pair // ppr, pl.ds((pair % ppr) * rpw, rpw)], idx_v)

        def run_pipeline(tbl_hbm, out_hbm):
            def fire_gather(ch):
                return pltpu.async_copy(
                    tbl_hbm.at[idx_v.at[pl.ds(ch * C, C)]],
                    buf.at[ch % NSLOT], gsem)

            def fire_write(ch):
                return pltpu.async_copy(
                    buf.at[ch % NSLOT], out_hbm.at[pl.ds(base + ch * C, C)],
                    wsem)

            g = [None] * nch
            w = [None] * nch
            for ch in range(min(NFLY, nch)):
                g[ch] = fire_gather(ch)
            for ch in range(nch):
                nxt = ch + NFLY
                if nxt < nch:
                    prev = nxt - NSLOT
                    if prev >= 0:
                        w[prev].wait()
                    g[nxt] = fire_gather(nxt)
                g[ch].wait()
                w[ch] = fire_write(ch)
            for ch in range(max(0, nch - NSLOT), nch):
                if w[ch] is not None:
                    w[ch].wait()

        @pl.when(tsel == 0)
        def _():
            run_pipeline(cos_hbm, cos_out)

        @pl.when(tsel == 1)
        def _():
            run_pipeline(sin_hbm, sin_out)

    return gather_kernel


def kernel(position_ids, cos_emb, sin_emb):
    b, s = position_ids.shape
    g = _make_gather(b, s)
    cos_flat, sin_flat = g(position_ids.astype(jnp.int32), cos_emb, sin_emb)
    return (cos_flat.reshape(b, s, D), sin_flat.reshape(b, s, D))

# --- scband reference (transcript-rebuilt; emitter-appended) ---
"""Pipeline reference for scband-rotary-embedding-provider-43911745634332 (READ-ONLY COPY).

The authoritative reference and input builder live on the scoring server;
editing this copy changes nothing except your own understanding.
"""

import jax, jax.numpy as jnp
import numpy as np

ROPE_BASE = 10000
HEAD_DIM = 128
MAX_POSITION_IDS = 32768
B, S = 4, 8192


def _build_cos_sin_half(rope_base, head_dim, max_position_ids):
    power = np.arange(0, head_dim, 2, dtype=np.int64).astype(np.float32) / head_dim
    inv_freq = 1.0 / (rope_base ** power)
    position_ids = np.arange(0, max_position_ids, dtype=np.float32)
    # arguments = (inv_freq[:, None] @ position_ids[None, :]).T -> [max_pos, head_dim//2]
    arguments = np.outer(position_ids, inv_freq)
    emb = np.concatenate([arguments, arguments], axis=-1)  # style == 'half'
    cos = np.cos(emb).astype(np.float32)
    sin = np.sin(emb).astype(np.float32)
    return cos, sin


def setup_inputs(seed: int = 0) -> dict:
    key = jax.random.key(seed)
    position_ids = jax.random.randint(key, (B, S), 0, MAX_POSITION_IDS, dtype=jnp.int64 if jax.config.jax_enable_x64 else jnp.int32)
    cos_np, sin_np = _build_cos_sin_half(ROPE_BASE, HEAD_DIM, MAX_POSITION_IDS)
    cos_emb = jnp.asarray(cos_np, dtype=jnp.float32)
    sin_emb = jnp.asarray(sin_np, dtype=jnp.float32)
    return {"position_ids": position_ids, "cos_emb": cos_emb, "sin_emb": sin_emb}


def reference(position_ids, cos_emb, sin_emb):
    # forward: gather cached cos/sin rows at given positions
    cos = jnp.take(cos_emb, position_ids, axis=0)
    sin = jnp.take(sin_emb, position_ids, axis=0)
    return (cos, sin)

if __name__ == "__main__":
    import jax
    _d = setup_inputs()
    print(jax.jit(kernel)(*tuple(_d.values())))

</pallas_src>

<mosaic_0001>
#map = affine_map<(d0, d1) -> (0, 0)>
module attributes {stable_mosaic.version = 14 : i64} {
  func.func @gather_kernel(%arg0: i32, %arg1: i32, %arg2: memref<4x8192xi32, #tpu.memory_space<hbm>>, %arg3: memref<32768x128xf32, #tpu.memory_space<hbm>>, %arg4: memref<32768x128xf32, #tpu.memory_space<hbm>>, %arg5: memref<32768x128xf32, #tpu.memory_space<hbm>>, %arg6: memref<32768x128xf32, #tpu.memory_space<hbm>>, %arg7: memref<2048xi32, #tpu.memory_space<vmem>>, %arg8: memref<7x128x128xf32, #tpu.memory_space<vmem>>, %arg9: memref<!tpu.dma_semaphore, #tpu.memory_space<semaphore_mem>>, %arg10: memref<!tpu.dma_semaphore, #tpu.memory_space<semaphore_mem>>) attributes {dimension_semantics = [#tpu.dimension_semantics<core_parallel>, #tpu.dimension_semantics<subcore_parallel>], iteration_bounds = array<i64: 2, 16>, scalar_prefetch = 0 : i64, scratch_operands = 4 : i64, tpu.core_type = #tpu.core_type<sc_vector_subcore>, window_params = [{transform_indices = #map}, {transform_indices = #map}, {transform_indices = #map}, {transform_indices = #map}, {transform_indices = #map}]} {
    %mul3A = arith.constant 8 : i32
    %mul3A_0 = arith.muli %arg0, %mul3A : i32
    %jit3A = arith.constant 2 : i32
    %div3A = arith.divsi %arg1, %jit3A : i32
    %sign3A = arith.constant 0 : i32
    %sign3A_1 = arith.cmpi sgt, %arg1, %sign3A : i32
    %sign3A_2 = arith.extui %sign3A_1 : i1 to i32
    %sign3A_3 = arith.constant 0 : i32
    %sign3A_4 = arith.cmpi slt, %arg1, %sign3A_3 : i32
    %sign3A_5 = arith.extui %sign3A_4 : i1 to i32
    %sign3A_6 = arith.subi %sign3A_2, %sign3A_5 : i32
    %sign3A_7 = arith.constant 0 : i32
    %sign3A_8 = arith.cmpi sgt, %jit3A, %sign3A_7 : i32
    %sign3A_9 = arith.extui %sign3A_8 : i1 to i32
    %sign3A_10 = arith.constant 0 : i32
    %sign3A_11 = arith.cmpi slt, %jit3A, %sign3A_10 : i32
    %sign3A_12 = arith.extui %sign3A_11 : i1 to i32
    %sign3A_13 = arith.subi %sign3A_9, %sign3A_12 : i32
    %ne3A = arith.cmpi ne, %sign3A_6, %sign3A_13 : i32
    %rem3A = arith.remsi %arg1, %jit3A : i32
    %ne3A_14 = arith.constant 0 : i32
    %ne3A_15 = arith.cmpi ne, %rem3A, %ne3A_14 : i32
    %and3A = arith.andi %ne3A, %ne3A_15 : i1
    %sub3A = arith.constant 1 : i32
    %sub3A_16 = arith.subi %div3A, %sub3A : i32
    %select_n3A = arith.select %and3A, %sub3A_16, %div3A : i32
    %add3A = arith.addi %mul3A_0, %select_n3A : i32
    %jit3A_17 = arith.constant 2 : i32
    %eq3A = arith.constant 0 : i32
    %eq3A_18 = arith.cmpi eq, %jit3A_17, %eq3A : i32
    %jit3A_19 = arith.constant 1 : i32
    %select_n3A_20 = arith.select %eq3A_18, %jit3A_19, %jit3A_17 : i32
    %rem3A_21 = arith.remsi %arg1, %select_n3A_20 : i32
    %ne3A_22 = arith.constant 0 : i32
    %ne3A_23 = arith.cmpi ne, %rem3A_21, %ne3A_22 : i32
    %lt3A = arith.constant 0 : i32
    %lt3A_24 = arith.cmpi slt, %rem3A_21, %lt3A : i32
    %lt3A_25 = arith.constant 0 : i32
    %lt3A_26 = arith.cmpi slt, %select_n3A_20, %lt3A_25 : i32
    %ne3A_27 = arith.xori %lt3A_24, %lt3A_26 : i1
    %and3A_28 = arith.andi %ne3A_27, %ne3A_23 : i1
    %add3A_29 = arith.addi %rem3A_21, %select_n3A_20 : i32
    %select_n3A_30 = arith.select %and3A_28, %add3A_29, %rem3A_21 : i32
    %mul3A_31 = arith.constant 2048 : i32
    %mul3A_32 = arith.muli %add3A, %mul3A_31 : i32
    %jit3A_33 = arith.constant 4 : i32
    %div3A_34 = arith.divsi %add3A, %jit3A_33 : i32
    %sign3A_35 = arith.constant 0 : i32
    %sign3A_36 = arith.cmpi sgt, %add3A, %sign3A_35 : i32
    %sign3A_37 = arith.extui %sign3A_36 : i1 to i32
    %sign3A_38 = arith.constant 0 : i32
    %sign3A_39 = arith.cmpi slt, %add3A, %sign3A_38 : i32
    %sign3A_40 = arith.extui %sign3A_39 : i1 to i32
    %sign3A_41 = arith.subi %sign3A_37, %sign3A_40 : i32
    %sign3A_42 = arith.constant 0 : i32
    %sign3A_43 = arith.cmpi sgt, %jit3A_33, %sign3A_42 : i32
    %sign3A_44 = arith.extui %sign3A_43 : i1 to i32
    %sign3A_45 = arith.constant 0 : i32
    %sign3A_46 = arith.cmpi slt, %jit3A_33, %sign3A_45 : i32
    %sign3A_47 = arith.extui %sign3A_46 : i1 to i32
    %sign3A_48 = arith.subi %sign3A_44, %sign3A_47 : i32
    %ne3A_49 = arith.cmpi ne, %sign3A_41, %sign3A_48 : i32
    %rem3A_50 = arith.remsi %add3A, %jit3A_33 : i32
    %ne3A_51 = arith.constant 0 : i32
    %ne3A_52 = arith.cmpi ne, %rem3A_50, %ne3A_51 : i32
    %and3A_53 = arith.andi %ne3A_49, %ne3A_52 : i1
    %sub3A_54 = arith.constant 1 : i32
    %sub3A_55 = arith.subi %div3A_34, %sub3A_54 : i32
    %select_n3A_56 = arith.select %and3A_53, %sub3A_55, %div3A_34 : i32
    %jit3A_57 = arith.constant 4 : i32
    %eq3A_58 = arith.constant 0 : i32
    %eq3A_59 = arith.cmpi eq, %jit3A_57, %eq3A_58 : i32
    %jit3A_60 = arith.constant 1 : i32
    %select_n3A_61 = arith.select %eq3A_59, %jit3A_60, %jit3A_57 : i32
    %rem3A_62 = arith.remsi %add3A, %select_n3A_61 : i32
    %ne3A_63 = arith.constant 0 : i32
    %ne3A_64 = arith.cmpi ne, %rem3A_62, %ne3A_63 : i32
    %lt3A_65 = arith.constant 0 : i32
    %lt3A_66 = arith.cmpi slt, %rem3A_62, %lt3A_65 : i32
    %lt3A_67 = arith.constant 0 : i32
    %lt3A_68 = arith.cmpi slt, %select_n3A_61, %lt3A_67 : i32
    %ne3A_69 = arith.xori %lt3A_66, %lt3A_68 : i1
    %and3A_70 = arith.andi %ne3A_69, %ne3A_64 : i1
    %add3A_71 = arith.addi %rem3A_62, %select_n3A_61 : i32
    %select_n3A_72 = arith.select %and3A_70, %add3A_71, %rem3A_62 : i32
    %mul3A_73 = arith.constant 2048 : i32
    %mul3A_74 = arith.muli %select_n3A_72, %mul3A_73 : i32
    "tpu.region"() ({
      %run_scoped3A = tpu.sem_alloc : memref<!tpu.dma_semaphore, #tpu.memory_space<semaphore_mem>>
      %dma_start3A = tpu.memref_slice %arg2[%select_n3A_56, %mul3A_74] : memref<4x8192xi32, #tpu.memory_space<hbm>> -> memref<1x2048xi32, #tpu.memory_space<hbm>>
      %dma_start3A_83 = tpu.memref_squeeze %dma_start3A : memref<1x2048xi32, #tpu.memory_space<hbm>> -> memref<2048xi32, #tpu.memory_space<hbm>>
      %dma_start3A_84 = tpu.memref_slice %arg2[%select_n3A_56, %mul3A_74] : memref<4x8192xi32, #tpu.memory_space<hbm>> -> memref<1x2048xi32, #tpu.memory_space<hbm>>
      %dma_start3A_85 = tpu.memref_squeeze %dma_start3A_84 : memref<1x2048xi32, #tpu.memory_space<hbm>> -> memref<2048xi32, #tpu.memory_space<hbm>>
      tpu.enqueue_dma source(%dma_start3A_85 : memref<2048xi32, #tpu.memory_space<hbm>>) target(%arg7 : memref<2048xi32, #tpu.memory_space<vmem>>) target_semaphore(%run_scoped3A : memref<!tpu.dma_semaphore, #tpu.memory_space<semaphore_mem>>)
      %dma_wait3A = tpu.memref_slice %arg2[%select_n3A_56, %mul3A_74] : memref<4x8192xi32, #tpu.memory_space<hbm>> -> memref<1x2048xi32, #tpu.memory_space<hbm>>
      %dma_wait3A_86 = tpu.memref_squeeze %dma_wait3A : memref<1x2048xi32, #tpu.memory_space<hbm>> -> memref<2048xi32, #tpu.memory_space<hbm>>
      %dma_wait3A_87 = tpu.memref_slice %arg2[%select_n3A_56, %mul3A_74] : memref<4x8192xi32, #tpu.memory_space<hbm>> -> memref<1x2048xi32, #tpu.memory_space<hbm>>
      %dma_wait3A_88 = tpu.memref_squeeze %dma_wait3A_87 : memref<1x2048xi32, #tpu.memory_space<hbm>> -> memref<2048xi32, #tpu.memory_space<hbm>>
      tpu.wait_dma2 semaphore(%run_scoped3A : memref<!tpu.dma_semaphore, #tpu.memory_space<semaphore_mem>>) src(%dma_wait3A_88 : memref<2048xi32, #tpu.memory_space<hbm>>) dst(%arg7 : memref<2048xi32, #tpu.memory_space<vmem>>)
      tpu.yield
    }) : () -> ()
    %eq3A_75 = arith.constant 0 : i32
    %eq3A_76 = arith.cmpi eq, %select_n3A_30, %eq3A_75 : i32
    %convert_element_type3A = arith.extui %eq3A_76 : i1 to i32
    %cond3A = arith.constant 0 : i32
    %cond3A_77 = arith.cmpi ne, %convert_element_type3A, %cond3A : i32
    scf.if %cond3A_77 {
      %dma_start3A = arith.constant 0 : i32
      %dma_start3A_83 = arith.constant 0 : i32
      %dma_start3A_84 = arith.constant 0 : i32
      %dma_start3A_85 = tpu.memref_slice %arg8[%dma_start3A, %dma_start3A_83, %dma_start3A_84] : memref<7x128x128xf32, #tpu.memory_space<vmem>> -> memref<1x128x128xf32, #tpu.memory_space<vmem>>
      %dma_start3A_86 = tpu.memref_squeeze %dma_start3A_85 : memref<1x128x128xf32, #tpu.memory_space<vmem>> -> memref<128x128xf32, #tpu.memory_space<vmem>>
      %dma_start3A_87 = arith.constant 0 : i32
      %dma_start3A_88 = tpu.memref_slice %arg7[%dma_start3A_87] : memref<2048xi32, #tpu.memory_space<vmem>> -> memref<128xi32, #tpu.memory_space<vmem>>
      %dma_start3A_89 = arith.constant 0 : i32
      %dma_start3A_90 = arith.constant 0 : i32
      %dma_start3A_91 = tpu.memref_slice %arg3[%dma_start3A_89, %dma_start3A_90] : memref<32768x128xf32, #tpu.memory_space<hbm>> -> memref<32768x128xf32, #tpu.memory_space<hbm>>
      tpu.enqueue_indirect_dma source(%dma_start3A_91 : memref<32768x128xf32, #tpu.memory_space<hbm>>) target(%dma_start3A_86 : memref<128x128xf32, #tpu.memory_space<vmem>>) offsets(%dma_start3A_88 : memref<128xi32, #tpu.memory_space<vmem>>) semaphore(%arg9 : memref<!tpu.dma_semaphore, #tpu.memory_space<semaphore_mem>>)
      %dma_start3A_92 = arith.constant 1 : i32
      %dma_start3A_93 = arith.constant 0 : i32
      %dma_start3A_94 = arith.constant 0 : i32
      %dma_start3A_95 = tpu.memref_slice %arg8[%dma_start3A_92, %dma_start3A_93, %dma_start3A_94] : memref<7x128x128xf32, #tpu.memory_space<vmem>> -> memref<1x128x128xf32, #tpu.memory_space<vmem>>
      %dma_start3A_96 = tpu.memref_squeeze %dma_start3A_95 : memref<1x128x128xf32, #tpu.memory_space<vmem>> -> memref<128x128xf32, #tpu.memory_space<vmem>>
      %dma_start3A_97 = arith.constant 128 : i32
      %dma_start3A_98 = tpu.memref_slice %arg7[%dma_start3A_97] : memref<2048xi32, #tpu.memory_space<vmem>> -> memref<128xi32, #tpu.memory_space<vmem>>
      %dma_start3A_99 = arith.constant 0 : i32
      %dma_start3A_100 = arith.constant 0 : i32
      %dma_start3A_101 = tpu.memref_slice %arg3[%dma_start3A_99, %dma_start3A_100] : memref<32768x128xf32, #tpu.memory_space<hbm>> -> memref<32768x128xf32, #tpu.memory_space<hbm>>
      tpu.enqueue_indirect_dma source(%dma_start3A_101 : memref<32768x128xf32, #tpu.memory_space<hbm>>) target(%dma_start3A_96 : memref<128x128xf32, #tpu.memory_space<vmem>>) offsets(%dma_start3A_98 : memref<128xi32, #tpu.memory_space<vmem>>) semaphore(%arg9 : memref<!tpu.dma_semaphore, #tpu.memory_space<semaphore_mem>>)
      %dma_start3A_102 = arith.constant 2 : i32
      %dma_start3A_103 = arith.constant 0 : i32
      %dma_start3A_104 = arith.constant 0 : i32
      %dma_start3A_105 = tpu.memref_slice %arg8[%dma_start3A_102, %dma_start3A_103, %dma_start3A_104] : memref<7x128x128xf32, #tpu.memory_space<vmem>> -> memref<1x128x128xf32, #tpu.memory_space<vmem>>
      %dma_start3A_106 = tpu.memref_squeeze %dma_start3A_105 : memref<1x128x128xf32, #tpu.memory_space<vmem>> -> memref<128x128xf32, #tpu.memory_space<vmem>>
      %dma_start3A_107 = arith.constant 256 : i32
      %dma_start3A_108 = tpu.memref_slice %arg7[%dma_start3A_107] : memref<2048xi32, #tpu.memory_space<vmem>> -> memref<128xi32, #tpu.memory_space<vmem>>
      %dma_start3A_109 = arith.constant 0 : i32
      %dma_start3A_110 = arith.constant 0 : i32
      %dma_start3A_111 = tpu.memref_slice %arg3[%dma_start3A_109, %dma_start3A_110] : memref<32768x128xf32, #tpu.memory_space<hbm>> -> memref<32768x128xf32, #tpu.memory_space<hbm>>
      tpu.enqueue_indirect_dma source(%dma_start3A_111 : memref<32768x128xf32, #tpu.memory_space<hbm>>) target(%dma_start3A_106 : memref<128x128xf32, #tpu.memory_space<vmem>>) offsets(%dma_start3A_108 : memref<128xi32, #tpu.memory_space<vmem>>) semaphore(%arg9 : memref<!tpu.dma_semaphore, #tpu.memory_space<semaphore_mem>>)
      %dma_start3A_112 = arith.constant 3 : i32
      %dma_start3A_113 = arith.constant 0 : i32
      %dma_start3A_114 = arith.constant 0 : i32
      %dma_start3A_115 = tpu.memref_slice %arg8[%dma_start3A_112, %dma_start3A_113, %dma_start3A_114] : memref<7x128x128xf32, #tpu.memory_space<vmem>> -> memref<1x128x128xf32, #tpu.memory_space<vmem>>
      %dma_start3A_116 = tpu.memref_squeeze %dma_start3A_115 : memref<1x128x128xf32, #tpu.memory_space<vmem>> -> memref<128x128xf32, #tpu.memory_space<vmem>>
      %dma_start3A_117 = arith.constant 384 : i32
      %dma_start3A_118 = tpu.memref_slice %arg7[%dma_start3A_117] : memref<2048xi32, #tpu.memory_space<vmem>> -> memref<128xi32, #tpu.memory_space<vmem>>
      %dma_start3A_119 = arith.constant 0 : i32
      %dma_start3A_120 = arith.constant 0 : i32
      %dma_start3A_121 = tpu.memref_slice %arg3[%dma_start3A_119, %dma_start3A_120] : memref<32768x128xf32, #tpu.memory_space<hbm>> -> memref<32768x128xf32, #tpu.memory_space<hbm>>
      tpu.enqueue_indirect_dma source(%dma_start3A_121 : memref<32768x128xf32, #tpu.memory_space<hbm>>) target(%dma_start3A_116 : memref<128x128xf32, #tpu.memory_space<vmem>>) offsets(%dma_start3A_118 : memref<128xi32, #tpu.memory_space<vmem>>) semaphore(%arg9 : memref<!tpu.dma_semaphore, #tpu.memory_space<semaphore_mem>>)
      %dma_start3A_122 = arith.constant 4 : i32
      %dma_start3A_123 = arith.constant 0 : i32
      %dma_start3A_124 = arith.constant 0 : i32
      %dma_start3A_125 = tpu.memref_slice %arg8[%dma_start3A_122, %dma_start3A_123, %dma_start3A_124] : memref<7x128x128xf32, #tpu.memory_space<vmem>> -> memref<1x128x128xf32, #tpu.memory_space<vmem>>
      %dma_start3A_126 = tpu.memref_squeeze %dma_start3A_125 : memref<1x128x128xf32, #tpu.memory_space<vmem>> -> memref<128x128xf32, #tpu.memory_space<vmem>>
      %dma_start3A_127 = arith.constant 512 : i32
      %dma_start3A_128 = tpu.memref_slice %arg7[%dma_start3A_127] : memref<2048xi32, #tpu.memory_space<vmem>> -> memref<128xi32, #tpu.memory_space<vmem>>
      %dma_start3A_129 = arith.constant 0 : i32
      %dma_start3A_130 = arith.constant 0 : i32
      %dma_start3A_131 = tpu.memref_slice %arg3[%dma_start3A_129, %dma_start3A_130] : memref<32768x128xf32, #tpu.memory_space<hbm>> -> memref<32768x128xf32, #tpu.memory_space<hbm>>
      tpu.enqueue_indirect_dma source(%dma_start3A_131 : memref<32768x128xf32, #tpu.memory_space<hbm>>) target(%dma_start3A_126 : memref<128x128xf32, #tpu.memory_space<vmem>>) offsets(%dma_start3A_128 : memref<128xi32, #tpu.memory_space<vmem>>) semaphore(%arg9 : memref<!tpu.dma_semaphore, #tpu.memory_space<semaphore_mem>>)
      %dma_start3A_132 = arith.constant 5 : i32
      %dma_start3A_133 = arith.constant 0 : i32
      %dma_start3A_134 = arith.constant 0 : i32
      %dma_start3A_135 = tpu.memref_slice %arg8[%dma_start3A_132, %dma_start3A_133, %dma_start3A_134] : memref<7x128x128xf32, #tpu.memory_space<vmem>> -> memref<1x128x128xf32, #tpu.memory_space<vmem>>
      %dma_start3A_136 = tpu.memref_squeeze %dma_start3A_135 : memref<1x128x128xf32, #tpu.memory_space<vmem>> -> memref<128x128xf32, #tpu.memory_space<vmem>>
      %dma_start3A_137 = arith.constant 640 : i32
      %dma_start3A_138 = tpu.memref_slice %arg7[%dma_start3A_137] : memref<2048xi32, #tpu.memory_space<vmem>> -> memref<128xi32, #tpu.memory_space<vmem>>
      %dma_start3A_139 = arith.constant 0 : i32
      %dma_start3A_140 = arith.constant 0 : i32
      %dma_start3A_141 = tpu.memref_slice %arg3[%dma_start3A_139, %dma_start3A_140] : memref<32768x128xf32, #tpu.memory_space<hbm>> -> memref<32768x128xf32, #tpu.memory_space<hbm>>
      tpu.enqueue_indirect_dma source(%dma_start3A_141 : memref<32768x128xf32, #tpu.memory_space<hbm>>) target(%dma_start3A_136 : memref<128x128xf32, #tpu.memory_space<vmem>>) offsets(%dma_start3A_138 : memref<128xi32, #tpu.memory_space<vmem>>) semaphore(%arg9 : memref<!tpu.dma_semaphore, #tpu.memory_space<semaphore_mem>>)
      %dma_wait3A = arith.constant 0 : i32
      %dma_wait3A_142 = arith.constant 0 : i32
      %dma_wait3A_143 = arith.constant 0 : i32
      %dma_wait3A_144 = tpu.memref_slice %arg8[%dma_wait3A, %dma_wait3A_142, %dma_wait3A_143] : memref<7x128x128xf32, #tpu.memory_space<vmem>> -> memref<1x128x128xf32, #tpu.memory_space<vmem>>
      %dma_wait3A_145 = tpu.memref_squeeze %dma_wait3A_144 : memref<1x128x128xf32, #tpu.memory_space<vmem>> -> memref<128x128xf32, #tpu.memory_space<vmem>>
      %dma_wait3A_146 = arith.constant 0 : i32
      %dma_wait3A_147 = tpu.memref_slice %arg7[%dma_wait3A_146] : memref<2048xi32, #tpu.memory_space<vmem>> -> memref<128xi32, #tpu.memory_space<vmem>>
      %dma_wait3A_148 = arith.constant 0 : i32
      %dma_wait3A_149 = arith.constant 0 : i32
      %dma_wait3A_150 = tpu.memref_slice %arg3[%dma_wait3A_148, %dma_wait3A_149] : memref<32768x128xf32, #tpu.memory_space<hbm>> -> memref<32768x128xf32, #tpu.memory_space<hbm>>
      tpu.wait_indirect_dma semaphore(%arg9 : memref<!tpu.dma_semaphore, #tpu.memory_space<semaphore_mem>>) src(%dma_wait3A_150 : memref<32768x128xf32, #tpu.memory_space<hbm>>) dst(%dma_wait3A_145 : memref<128x128xf32, #tpu.memory_space<vmem>>)
      %add3A_151 = arith.constant 0 : i32
      %add3A_152 = arith.addi %mul3A_32, %add3A_151 : i32
      %dma_start3A_153 = arith.constant 0 : i32
      %dma_start3A_154 = arith.constant 0 : i32
      %dma_start3A_155 = arith.constant 0 : i32
      %dma_start3A_156 = tpu.memref_slice %arg8[%dma_start3A_153, %dma_start3A_154, %dma_start3A_155] : memref<7x128x128xf32, #tpu.memory_space<vmem>> -> memref<1x128x128xf32, #tpu.memory_space<vmem>>
      %dma_start3A_157 = tpu.memref_squeeze %dma_start3A_156 : memref<1x128x128xf32, #tpu.memory_space<vmem>> -> memref<128x128xf32, #tpu.memory_space<vmem>>
      %dma_start3A_158 = arith.constant 0 : i32
      %dma_start3A_159 = tpu.memref_slice %arg5[%add3A_152, %dma_start3A_158] : memref<32768x128xf32, #tpu.memory_space<hbm>> -> memref<128x128xf32, #tpu.memory_space<hbm>>
      %dma_start3A_160 = arith.constant 0 : i32
      %dma_start3A_161 = tpu.memref_slice %arg5[%add3A_152, %dma_start3A_160] : memref<32768x128xf32, #tpu.memory_space<hbm>> -> memref<128x128xf32, #tpu.memory_space<hbm>>
      %dma_start3A_162 = arith.constant 0 : i32
      %dma_start3A_163 = arith.constant 0 : i32
      %dma_start3A_164 = tpu.memref_slice %arg8[%dma_start3A_153, %dma_start3A_162, %dma_start3A_163] : memref<7x128x128xf32, #tpu.memory_space<vmem>> -> memref<1x128x128xf32, #tpu.memory_space<vmem>>
      %dma_start3A_165 = tpu.memref_squeeze %dma_start3A_164 : memref<1x128x128xf32, #tpu.memory_space<vmem>> -> memref<128x128xf32, #tpu.memory_space<vmem>>
      tpu.enqueue_dma source(%dma_start3A_165 : memref<128x128xf32, #tpu.memory_space<vmem>>) target(%dma_start3A_161 : memref<128x128xf32, #tpu.memory_space<hbm>>) target_semaphore(%arg10 : memref<!tpu.dma_semaphore, #tpu.memory_space<semaphore_mem>>)
      %dma_start3A_166 = arith.constant 6 : i32
      %dma_start3A_167 = arith.constant 0 : i32
      %dma_start3A_168 = arith.constant 0 : i32
      %dma_start3A_169 = tpu.memref_slice %arg8[%dma_start3A_166, %dma_start3A_167, %dma_start3A_168] : memref<7x128x128xf32, #tpu.memory_space<vmem>> -> memref<1x128x128xf32, #tpu.memory_space<vmem>>
      %dma_start3A_170 = tpu.memref_squeeze %dma_start3A_169 : memref<1x128x128xf32, #tpu.memory_space<vmem>> -> memref<128x128xf32, #tpu.memory_space<vmem>>
      %dma_start3A_171 = arith.constant 768 : i32
      %dma_start3A_172 = tpu.memref_slice %arg7[%dma_start3A_171] : memref<2048xi32, #tpu.memory_space<vmem>> -> memref<128xi32, #tpu.memory_space<vmem>>
      %dma_start3A_173 = arith.constant 0 : i32
      %dma_start3A_174 = arith.constant 0 : i32
      %dma_start3A_175 = tpu.memref_slice %arg3[%dma_start3A_173, %dma_start3A_174] : memref<32768x128xf32, #tpu.memory_space<hbm>> -> memref<32768x128xf32, #tpu.memory_space<hbm>>
      tpu.enqueue_indirect_dma source(%dma_start3A_175 : memref<32768x128xf32, #tpu.memory_space<hbm>>) target(%dma_start3A_170 : memref<128x128xf32, #tpu.memory_space<vmem>>) offsets(%dma_start3A_172 : memref<128xi32, #tpu.memory_space<vmem>>) semaphore(%arg9 : memref<!tpu.dma_semaphore, #tpu.memory_space<semaphore_mem>>)
      %dma_wait3A_176 = arith.constant 1 : i32
      %dma_wait3A_177 = arith.constant 0 : i32
      %dma_wait3A_178 = arith.constant 0 : i32
      %dma_wait3A_179 = tpu.memref_slice %arg8[%dma_wait3A_176, %dma_wait3A_177, %dma_wait3A_178] : memref<7x128x128xf32, #tpu.memory_space<vmem>> -> memref<1x128x128xf32, #tpu.memory_space<vmem>>
      %dma_wait3A_180 = tpu.memref_squeeze %dma_wait3A_179 : memref<1x128x128xf32, #tpu.memory_space<vmem>> -> memref<128x128xf32, #tpu.memory_space<vmem>>
      %dma_wait3A_181 = arith.constant 128 : i32
      %dma_wait3A_182 = tpu.memref_slice %arg7[%dma_wait3A_181] : memref<2048xi32, #tpu.memory_space<vmem>> -> memref<128xi32, #tpu.memory_space<vmem>>
      %dma_wait3A_183 = arith.constant 0 : i32
      %dma_wait3A_184 = arith.constant 0 : i32
      %dma_wait3A_185 = tpu.memref_slice %arg3[%dma_wait3A_183, %dma_wait3A_184] : memref<32768x128xf32, #tpu.memory_space<hbm>> -> memref<32768x128xf32, #tpu.memory_space<hbm>>
      tpu.wait_indirect_dma semaphore(%arg9 : memref<!tpu.dma_semaphore, #tpu.memory_space<semaphore_mem>>) src(%dma_wait3A_185 : memref<32768x128xf32, #tpu.memory_space<hbm>>) dst(%dma_wait3A_180 : memref<128x128xf32, #tpu.memory_space<vmem>>)
      %add3A_186 = arith.constant 128 : i32
      %add3A_187 = arith.addi %mul3A_32, %add3A_186 : i32
      %dma_start3A_188 = arith.constant 1 : i32
      %dma_start3A_189 = arith.constant 0 : i32
      %dma_start3A_190 = arith.constant 0 : i32
      %dma_start3A_191 = tpu.memref_slice %arg8[%dma_start3A_188, %dma_start3A_189, %dma_start3A_190] : memref<7x128x128xf32, #tpu.memory_space<vmem>> -> memref<1x128x128xf32, #tpu.memory_space<vmem>>
      %dma_start3A_192 = tpu.memref_squeeze %dma_start3A_191 : memref<1x128x128xf32, #tpu.memory_space<vmem>> -> memref<128x128xf32, #tpu.memory_space<vmem>>
      %dma_start3A_193 = arith.constant 0 : i32
      %dma_start3A_194 = tpu.memref_slice %arg5[%add3A_187, %dma_start3A_193] : memref<32768x128xf32, #tpu.memory_space<hbm>> -> memref<128x128xf32, #tpu.memory_space<hbm>>
      %dma_start3A_195 = arith.constant 0 : i32
      %dma_start3A_196 = tpu.memref_slice %arg5[%add3A_187, %dma_start3A_195] : memref<32768x128xf32, #tpu.memory_space<hbm>> -> memref<128x128xf32, #tpu.memory_space<hbm>>
      %dma_start3A_197 = arith.constant 0 : i32
      %dma_start3A_198 = arith.constant 0 : i32
      %dma_start3A_199 = tpu.memref_slice %arg8[%dma_start3A_188, %dma_start3A_197, %dma_start3A_198] : memref<7x128x128xf32, #tpu.memory_space<vmem>> -> memref<1x128x128xf32, #tpu.memory_space<vmem>>
      %dma_start3A_200 = tpu.memref_squeeze %dma_start3A_199 : memref<1x128x128xf32, #tpu.memory_space<vmem>> -> memref<128x128xf32, #tpu.memory_space<vmem>>
      tpu.enqueue_dma source(%dma_start3A_200 : memref<128x128xf32, #tpu.memory_space<vmem>>) target(%dma_start3A_196 : memref<128x128xf32, #tpu.memory_space<hbm>>) target_semaphore(%arg10 : memref<!tpu.dma_semaphore, #tpu.memory_space<semaphore_mem>>)
      %dma_wait3A_201 = arith.constant 0 : i32
      %dma_wait3A_202 = arith.constant 0 : i32
      %dma_wait3A_203 = arith.constant 0 : i32
      %dma_wait3A_204 = tpu.memref_slice %arg8[%dma_wait3A_201, %dma_wait3A_202, %dma_wait3A_203] : memref<7x128x128xf32, #tpu.memory_space<vmem>> -> memref<1x128x128xf32, #tpu.memory_space<vmem>>
      %dma_wait3A_205 = tpu.memref_squeeze %dma_wait3A_204 : memref<1x128x128xf32, #tpu.memory_space<vmem>> -> memref<128x128xf32, #tpu.memory_space<vmem>>
      %dma_wait3A_206 = arith.constant 0 : i32
      %dma_wait3A_207 = tpu.memref_slice %arg5[%add3A_152, %dma_wait3A_206] : memref<32768x128xf32, #tpu.memory_space<hbm>> -> memref<128x128xf32, #tpu.memory_space<hbm>>
      %dma_wait3A_208 = arith.constant 0 : i32
      %dma_wait3A_209 = tpu.memref_slice %arg5[%add3A_152, %dma_wait3A_208] : memref<32768x128xf32, #tpu.memory_space<hbm>> -> memref<128x128xf32, #tpu.memory_space<hbm>>
      %dma_wait3A_210 = arith.constant 0 : i32
      %dma_wait3A_211 = arith.constant 0 : i32
      %dma_wait3A_212 = tpu.memref_slice %arg8[%dma_wait3A_201, %dma_wait3A_210, %dma_wait3A_211] : memref<7x128x128xf32, #tpu.memory_space<vmem>> -> memref<1x128x128xf32, #tpu.memory_space<vmem>>
      %dma_wait3A_213 = tpu.memref_squeeze %dma_wait3A_212 : memref<1x128x128xf32, #tpu.memory_space<vmem>> -> memref<128x128xf32, #tpu.memory_space<vmem>>
      tpu.wait_dma2 semaphore(%arg10 : memref<!tpu.dma_semaphore, #tpu.memory_space<semaphore_mem>>) src(%dma_wait3A_213 : memref<128x128xf32, #tpu.memory_space<vmem>>) dst(%dma_wait3A_209 : memref<128x128xf32, #tpu.memory_space<hbm>>)
      %dma_start3A_214 = arith.constant 0 : i32
      %dma_start3A_215 = arith.constant 0 : i32
      %dma_start3A_216 = arith.constant 0 : i32
      %dma_start3A_217 = tpu.memref_slice %arg8[%dma_start3A_214, %dma_start3A_215, %dma_start3A_216] : memref<7x128x128xf32, #tpu.memory_space<vmem>> -> memref<1x128x128xf32, #tpu.memory_space<vmem>>
      %dma_start3A_218 = tpu.memref_squeeze %dma_start3A_217 : memref<1x128x128xf32, #tpu.memory_space<vmem>> -> memref<128x128xf32, #tpu.memory_space<vmem>>
      %dma_start3A_219 = arith.constant 896 : i32
      %dma_start3A_220 = tpu.memref_slice %arg7[%dma_start3A_219] : memref<2048xi32, #tpu.memory_space<vmem>> -> memref<128xi32, #tpu.memory_space<vmem>>
      %dma_start3A_221 = arith.constant 0 : i32
      %dma_start3A_222 = arith.constant 0 : i32
      %dma_start3A_223 = tpu.memref_slice %arg3[%dma_start3A_221, %dma_start3A_222] : memref<32768x128xf32, #tpu.memory_space<hbm>> -> memref<32768x128xf32, #tpu.memory_space<hbm>>
      tpu.enqueue_indirect_dma source(%dma_start3A_223 : memref<32768x128xf32, #tpu.memory_space<hbm>>) target(%dma_start3A_218 : memref<128x128xf32, #tpu.memory_space<vmem>>) offsets(%dma_start3A_220 : memref<128xi32, #tpu.memory_space<vmem>>) semaphore(%arg9 : memref<!tpu.dma_semaphore, #tpu.memory_space<semaphore_mem>>)
      %dma_wait3A_224 = arith.constant 2 : i32
      %dma_wait3A_225 = arith.constant 0 : i32
      %dma_wait3A_226 = arith.constant 0 : i32
      %dma_wait3A_227 = tpu.memref_slice %arg8[%dma_wait3A_224, %dma_wait3A_225, %dma_wait3A_226] : memref<7x128x128xf32, #tpu.memory_space<vmem>> -> memref<1x128x128xf32, #tpu.memory_space<vmem>>
      %dma_wait3A_228 = tpu.memref_squeeze %dma_wait3A_227 : memref<1x128x128xf32, #tpu.memory_space<vmem>> -> memref<128x128xf32, #tpu.memory_space<vmem>>
      %dma_wait3A_229 = arith.constant 256 : i32
      %dma_wait3A_230 = tpu.memref_slice %arg7[%dma_wait3A_229] : memref<2048xi32, #tpu.memory_space<vmem>> -> memref<128xi32, #tpu.memory_space<vmem>>
      %dma_wait3A_231 = arith.constant 0 : i32
      %dma_wait3A_232 = arith.constant 0 : i32
      %dma_wait3A_233 = tpu.memref_slice %arg3[%dma_wait3A_231, %dma_wait3A_232] : memref<32768x128xf32, #tpu.memory_space<hbm>> -> memref<32768x128xf32, #tpu.memory_space<hbm>>
      tpu.wait_indirect_dma semaphore(%arg9 : memref<!tpu.dma_semaphore, #tpu.memory_space<semaphore_mem>>) src(%dma_wait3A_233 : memref<32768x128xf32, #tpu.memory_space<hbm>>) dst(%dma_wait3A_228 : memref<128x128xf32, #tpu.memory_space<vmem>>)
      %add3A_234 = arith.constant 256 : i32
      %add3A_235 = arith.addi %mul3A_32, %add3A_234 : i32
      %dma_start3A_236 = arith.constant 2 : i32
      %dma_start3A_237 = arith.constant 0 : i32
      %dma_start3A_238 = arith.constant 0 : i32
      %dma_start3A_239 = tpu.memref_slice %arg8[%dma_start3A_236, %dma_start3A_237, %dma_start3A_238] : memref<7x128x128xf32, #tpu.memory_space<vmem>> -> memref<1x128x128xf32, #tpu.memory_space<vmem>>
      %dma_start3A_240 = tpu.memref_squeeze %dma_start3A_239 : memref<1x128x128xf32, #tpu.memory_space<vmem>> -> memref<128x128xf32, #tpu.memory_space<vmem>>
      %dma_start3A_241 = arith.constant 0 : i32
      %dma_start3A_242 = tpu.memref_slice %arg5[%add3A_235, %dma_start3A_241] : memref<32768x128xf32, #tpu.memory_space<hbm>> -> memref<128x128xf32, #tpu.memory_space<hbm>>
      %dma_start3A_243 = arith.constant 0 : i32
      %dma_start3A_244 = tpu.memref_slice %arg5[%add3A_235, %dma_start3A_243] : memref<32768x128xf32, #tpu.memory_space<hbm>> -> memref<128x128xf32, #tpu.memory_space<hbm>>
      %dma_start3A_245 = arith.constant 0 : i32
      %dma_start3A_246 = arith.constant 0 : i32
      %dma_start3A_247 = tpu.memref_slice %arg8[%dma_start3A_236, %dma_start3A_245, %dma_start3A_246] : memref<7x128x128xf32, #tpu.memory_space<vmem>> -> memref<1x128x128xf32, #tpu.memory_space<vmem>>
      %dma_start3A_248 = tpu.memref_squeeze %dma_start3A_247 : memref<1x128x128xf32, #tpu.memory_space<vmem>> -> memref<128x128xf32, #tpu.memory_space<vmem>>
      tpu.enqueue_dma source(%dma_start3A_248 : memref<128x128xf32, #tpu.memory_space<vmem>>) target(%dma_start3A_244 : memref<128x128xf32, #tpu.memory_space<hbm>>) target_semaphore(%arg10 : memref<!tpu.dma_semaphore, #tpu.memory_space<semaphore_mem>>)
      %dma_wait3A_249 = arith.constant 1 : i32
      %dma_wait3A_250 = arith.constant 0 : i32
      %dma_wait3A_251 = arith.constant 0 : i32
      %dma_wait3A_252 = tpu.memref_slice %arg8[%dma_wait3A_249, %dma_wait3A_250, %dma_wait3A_251] : memref<7x128x128xf32, #tpu.memory_space<vmem>> -> memref<1x128x128xf32, #tpu.memory_space<vmem>>
      %dma_wait3A_253 = tpu.memref_squeeze %dma_wait3A_252 : memref<1x128x128xf32, #tpu.memory_space<vmem>> -> memref<128x128xf32, #tpu.memory_space<vmem>>
      %dma_wait3A_254 = arith.constant 0 : i32
      %dma_wait3A_255 = tpu.memref_slice %arg5[%add3A_187, %dma_wait3A_254] : memref<32768x128xf32, #tpu.memory_space<hbm>> -> memref<128x128xf32, #tpu.memory_space<hbm>>
      %dma_wait3A_256 = arith.constant 0 : i32
      %dma_wait3A_257 = tpu.memref_slice %arg5[%add3A_187, %dma_wait3A_256] : memref<32768x128xf32, #tpu.memory_space<hbm>> -> memref<128x128xf32, #tpu.memory_space<hbm>>
      %dma_wait3A_258 = arith.constant 0 : i32
      %dma_wait3A_259 = arith.constant 0 : i32
      %dma_wait3A_260 = tpu.memref_slice %arg8[%dma_wait3A_249, %dma_wait3A_258, %dma_wait3A_259] : memref<7x128x128xf32, #tpu.memory_space<vmem>> -> memref<1x128x128xf32, #tpu.memory_space<vmem>>
      %dma_wait3A_261 = tpu.memref_squeeze %dma_wait3A_260 : memref<1x128x128xf32, #tpu.memory_space<vmem>> -> memref<128x128xf32, #tpu.memory_space<vmem>>
      tpu.wait_dma2 semaphore(%arg10 : memref<!tpu.dma_semaphore, #tpu.memory_space<semaphore_mem>>) src(%dma_wait3A_261 : memref<128x128xf32, #tpu.memory_space<vmem>>) dst(%dma_wait3A_257 : memref<128x128xf32, #tpu.memory_space<hbm>>)
      %dma_start3A_262 = arith.constant 1 : i32
      %dma_start3A_263 = arith.constant 0 : i32
      %dma_start3A_264 = arith.constant 0 : i32
      %dma_start3A_265 = tpu.memref_slice %arg8[%dma_start3A_262, %dma_start3A_263, %dma_start3A_264] : memref<7x128x128xf32, #tpu.memory_space<vmem>> -> memref<1x128x128xf32, #tpu.memory_space<vmem>>
      %dma_start3A_266 = tpu.memref_squeeze %dma_start3A_265 : memref<1x128x128xf32, #tpu.memory_space<vmem>> -> memref<128x128xf32, #tpu.memory_space<vmem>>
      %dma_start3A_267 = arith.constant 1024 : i32
      %dma_start3A_268 = tpu.memref_slice %arg7[%dma_start3A_267] : memref<2048xi32, #tpu.memory_space<vmem>> -> memref<128xi32, #tpu.memory_space<vmem>>
      %dma_start3A_269 = arith.constant 0 : i32
      %dma_start3A_270 = arith.constant 0 : i32
      %dma_start3A_271 = tpu.memref_slice %arg3[%dma_start3A_269, %dma_start3A_270] : memref<32768x128xf32, #tpu.memory_space<hbm>> -> memref<32768x128xf32, #tpu.memory_space<hbm>>
      tpu.enqueue_indirect_dma source(%dma_start3A_271 : memref<32768x128xf32, #tpu.memory_space<hbm>>) target(%dma_start3A_266 : memref<128x128xf32, #tpu.memory_space<vmem>>) offsets(%dma_start3A_268 : memref<128xi32, #tpu.memory_space<vmem>>) semaphore(%arg9 : memref<!tpu.dma_semaphore, #tpu.memory_space<semaphore_mem>>)
      %dma_wait3A_272 = arith.constant 3 : i32
      %dma_wait3A_273 = arith.constant 0 : i32
      %dma_wait3A_274 = arith.constant 0 : i32
      %dma_wait3A_275 = tpu.memref_slice %arg8[%dma_wait3A_272, %dma_wait3A_273, %dma_wait3A_274] : memref<7x128x128xf32, #tpu.memory_space<vmem>> -> memref<1x128x128xf32, #tpu.memory_space<vmem>>
      %dma_wait3A_276 = tpu.memref_squeeze %dma_wait3A_275 : memref<1x128x128xf32, #tpu.memory_space<vmem>> -> memref<128x128xf32, #tpu.memory_space<vmem>>
      %dma_wait3A_277 = arith.constant 384 : i32
      %dma_wait3A_278 = tpu.memref_slice %arg7[%dma_wait3A_277] : memref<2048xi32, #tpu.memory_space<vmem>> -> memref<128xi32, #tpu.memory_space<vmem>>
      %dma_wait3A_279 = arith.constant 0 : i32
      %dma_wait3A_280 = arith.constant 0 : i32
      %dma_wait3A_281 = tpu.memref_slice %arg3[%dma_wait3A_279, %dma_wait3A_280] : memref<32768x128xf32, #tpu.memory_space<hbm>> -> memref<32768x128xf32, #tpu.memory_space<hbm>>
      tpu.wait_indirect_dma semaphore(%arg9 : memref<!tpu.dma_semaphore, #tpu.memory_space<semaphore_mem>>) src(%dma_wait3A_281 : memref<32768x128xf32, #tpu.memory_space<hbm>>) dst(%dma_wait3A_276 : memref<128x128xf32, #tpu.memory_space<vmem>>)
      %add3A_282 = arith.constant 384 : i32
      %add3A_283 = arith.addi %mul3A_32, %add3A_282 : i32
      %dma_start3A_284 = arith.constant 3 : i32
      %dma_start3A_285 = arith.constant 0 : i32
      %dma_start3A_286 = arith.constant 0 : i32
      %dma_start3A_287 = tpu.memref_slice %arg8[%dma_start3A_284, %dma_start3A_285, %dma_start3A_286] : memref<7x128x128xf32, #tpu.memory_space<vmem>> -> memref<1x128x128xf32, #tpu.memory_space<vmem>>
      %dma_start3A_288 = tpu.memref_squeeze %dma_start3A_287 : memref<1x128x128xf32, #tpu.memory_space<vmem>> -> memref<128x128xf32, #tpu.memory_space<vmem>>
      %dma_start3A_289 = arith.constant 0 : i32
      %dma_start3A_290 = tpu.memref_slice %arg5[%add3A_283, %dma_start3A_289] : memref<32768x128xf32, #tpu.memory_space<hbm>> -> memref<128x128xf32, #tpu.memory_space<hbm>>
      %dma_start3A_291 = arith.constant 0 : i32
      %dma_start3A_292 = tpu.memref_slice %arg5[%add3A_283, %dma_start3A_291] : memref<32768x128xf32, #tpu.memory_space<hbm>> -> memref<128x128xf32, #tpu.memory_space<hbm>>
      %dma_start3A_293 = arith.constant 0 : i32
      %dma_start3A_294 = arith.constant 0 : i32
      %dma_start3A_295 = tpu.memref_slice %arg8[%dma_start3A_284, %dma_start3A_293, %dma_start3A_294] : memref<7x128x128xf32, #tpu.memory_space<vmem>> -> memref<1x128x128xf32, #tpu.memory_space<vmem>>
      %dma_start3A_296 = tpu.memref_squeeze %dma_start3A_295 : memref<1x128x128xf32, #tpu.memory_space<vmem>> -> memref<128x128xf32, #tpu.memory_space<vmem>>
      tpu.enqueue_dma source(%dma_start3A_296 : memref<128x128xf32, #tpu.memory_space<vmem>>) target(%dma_start3A_292 : memref<128x128xf32, #tpu.memory_space<hbm>>) target_semaphore(%arg10 : memref<!tpu.dma_semaphore, #tpu.memory_space<semaphore_mem>>)
      %dma_wait3A_297 = arith.constant 2 : i32
      %dma_wait3A_298 = arith.constant 0 : i32
      %dma_wait3A_299 = arith.constant 0 : i32
      %dma_wait3A_300 = tpu.memref_slice %arg8[%dma_wait3A_297, %dma_wait3A_298, %dma_wait3A_299] : memref<7x128x128xf32, #tpu.memory_space<vmem>> -> memref<1x128x128xf32, #tpu.memory_space<vmem>>
      %dma_wait3A_301 = tpu.memref_squeeze %dma_wait3A_300 : memref<1x128x128xf32, #tpu.memory_space<vmem>> -> memref<128x128xf32, #tpu.memory_space<vmem>>
      %dma_wait3A_302 = arith.constant 0 : i32
      %dma_wait3A_303 = tpu.memref_slice %arg5[%add3A_235, %dma_wait3A_302] : memref<32768x128xf32, #tpu.memory_space<hbm>> -> memref<128x128xf32, #tpu.memory_space<hbm>>
      %dma_wait3A_304 = arith.constant 0 : i32
      %dma_wait3A_305 = tpu.memref_slice %arg5[%add3A_235, %dma_wait3A_304] : memref<32768x128xf32, #tpu.memory_space<hbm>> -> memref<128x128xf32, #tpu.memory_space<hbm>>
      %dma_wait3A_306 = arith.constant 0 : i32
      %dma_wait3A_307 = arith.constant 0 : i32
      %dma_wait3A_308 = tpu.memref_slice %arg8[%dma_wait3A_297, %dma_wait3A_306, %dma_wait3A_307] : memref<7x128x128xf32, #tpu.memory_space<vmem>> -> memref<1x128x128xf32, #tpu.memory_space<vmem>>
      %dma_wait3A_309 = tpu.memref_squeeze %dma_wait3A_308 : memref<1x128x128xf32, #tpu.memory_space<vmem>> -> memref<128x128xf32, #tpu.memory_space<vmem>>
      tpu.wait_dma2 semaphore(%arg10 : memref<!tpu.dma_semaphore, #tpu.memory_space<semaphore_mem>>) src(%dma_wait3A_309 : memref<128x128xf32, #tpu.memory_space<vmem>>) dst(%dma_wait3A_305 : memref<128x128xf32, #tpu.memory_space<hbm>>)
      %dma_start3A_310 = arith.constant 2 : i32
      %dma_start3A_311 = arith.constant 0 : i32
      %dma_start3A_312 = arith.constant 0 : i32
      %dma_start3A_313 = tpu.memref_slice %arg8[%dma_start3A_310, %dma_start3A_311, %dma_start3A_312] : memref<7x128x128xf32, #tpu.memory_space<vmem>> -> memref<1x128x128xf32, #tpu.memory_space<vmem>>
      %dma_start3A_314 = tpu.memref_squeeze %dma_start3A_313 : memref<1x128x128xf32, #tpu.memory_space<vmem>> -> memref<128x128xf32, #tpu.memory_space<vmem>>
      %dma_start3A_315 = arith.constant 1152 : i32
      %dma_start3A_316 = tpu.memref_slice %arg7[%dma_start3A_315] : memref<2048xi32, #tpu.memory_space<vmem>> -> memref<128xi32, #tpu.memory_space<vmem>>
      %dma_start3A_317 = arith.constant 0 : i32
      %dma_start3A_318 = arith.constant 0 : i32
      %dma_start3A_319 = tpu.memref_slice %arg3[%dma_start3A_317, %dma_start3A_318] : memref<32768x128xf32, #tpu.memory_space<hbm>> -> memref<32768x128xf32, #tpu.memory_space<hbm>>
      tpu.enqueue_indirect_dma source(%dma_start3A_319 : memref<32768x128xf32, #tpu.memory_space<hbm>>) target(%dma_start3A_314 : memref<128x128xf32, #tpu.memory_space<vmem>>) offsets(%dma_start3A_316 : memref<128xi32, #tpu.memory_space<vmem>>) semaphore(%arg9 : memref<!tpu.dma_semaphore, #tpu.memory_space<semaphore_mem>>)
      %dma_wait3A_320 = arith.constant 4 : i32
      %dma_wait3A_321 = arith.constant 0 : i32
      %dma_wait3A_322 = arith.constant 0 : i32
      %dma_wait3A_323 = tpu.memref_slice %arg8[%dma_wait3A_320, %dma_wait3A_321, %dma_wait3A_322] : memref<7x128x128xf32, #tpu.memory_space<vmem>> -> memref<1x128x128xf32, #tpu.memory_space<vmem>>
      %dma_wait3A_324 = tpu.memref_squeeze %dma_wait3A_323 : memref<1x128x128xf32, #tpu.memory_space<vmem>> -> memref<128x128xf32, #tpu.memory_space<vmem>>
      %dma_wait3A_325 = arith.constant 512 : i32
      %dma_wait3A_326 = tpu.memref_slice %arg7[%dma_wait3A_325] : memref<2048xi32, #tpu.memory_space<vmem>> -> memref<128xi32, #tpu.memory_space<vmem>>
      %dma_wait3A_327 = arith.constant 0 : i32
      %dma_wait3A_328 = arith.constant 0 : i32
      %dma_wait3A_329 = tpu.memref_slice %arg3[%dma_wait3A_327, %dma_wait3A_328] : memref<32768x128xf32, #tpu.memory_space<hbm>> -> memref<32768x128xf32, #tpu.memory_space<hbm>>
      tpu.wait_indirect_dma semaphore(%arg9 : memref<!tpu.dma_semaphore, #tpu.memory_space<semaphore_mem>>) src(%dma_wait3A_329 : memref<32768x128xf32, #tpu.memory_space<hbm>>) dst(%dma_wait3A_324 : memref<128x128xf32, #tpu.memory_space<vmem>>)
      %add3A_330 = arith.constant 512 : i32
      %add3A_331 = arith.addi %mul3A_32, %add3A_330 : i32
      %dma_start3A_332 = arith.constant 4 : i32
      %dma_start3A_333 = arith.constant 0 : i32
      %dma_start3A_334 = arith.constant 0 : i32
      %dma_start3A_335 = tpu.memref_slice %arg8[%dma_start3A_332, %dma_start3A_333, %dma_start3A_334] : memref<7x128x128xf32, #tpu.memory_space<vmem>> -> memref<1x128x128xf32, #tpu.memory_space<vmem>>
      %dma_start3A_336 = tpu.memref_squeeze %dma_start3A_335 : memref<1x128x128xf32, #tpu.memory_space<vmem>> -> memref<128x128xf32, #tpu.memory_space<vmem>>
      %dma_start3A_337 = arith.constant 0 : i32
      %dma_start3A_338 = tpu.memref_slice %arg5[%add3A_331, %dma_start3A_337] : memref<32768x128xf32, #tpu.memory_space<hbm>> -> memref<128x128xf32, #tpu.memory_space<hbm>>
      %dma_start3A_339 = arith.constant 0 : i32
      %dma_start3A_340 = tpu.memref_slice %arg5[%add3A_331, %dma_start3A_339] : memref<32768x128xf32, #tpu.memory_space<hbm>> -> memref<128x128xf32, #tpu.memory_space<hbm>>
      %dma_start3A_341 = arith.constant 0 : i32
      %dma_start3A_342 = arith.constant 0 : i32
      %dma_start3A_343 = tpu.memref_slice %arg8[%dma_start3A_332, %dma_start3A_341, %dma_start3A_342] : memref<7x128x128xf32, #tpu.memory_space<vmem>> -> memref<1x128x128xf32, #tpu.memory_space<vmem>>
      %dma_start3A_344 = tpu.memref_squeeze %dma_start3A_343 : memref<1x128x128xf32, #tpu.memory_space<vmem>> -> memref<128x128xf32, #tpu.memory_space<vmem>>
      tpu.enqueue_dma source(%dma_start3A_344 : memref<128x128xf32, #tpu.memory_space<vmem>>) target(%dma_start3A_340 : memref<128x128xf32, #tpu.memory_space<hbm>>) target_semaphore(%arg10 : memref<!tpu.dma_semaphore, #tpu.memory_space<semaphore_mem>>)
      %dma_wait3A_345 = arith.constant 3 : i32
      %dma_wait3A_346 = arith.constant 0 : i32
      %dma_wait3A_347 = arith.constant 0 : i32
      %dma_wait3A_348 = tpu.memref_slice %arg8[%dma_wait3A_345, %dma_wait3A_346, %dma_wait3A_347] : memref<7x128x128xf32, #tpu.memory_space<vmem>> -> memref<1x128x128xf32, #tpu.memory_space<vmem>>
      %dma_wait3A_349 = tpu.memref_squeeze %dma_wait3A_348 : memref<1x128x128xf32, #tpu.memory_space<vmem>> -> memref<128x128xf32, #tpu.memory_space<vmem>>
      %dma_wait3A_350 = arith.constant 0 : i32
      %dma_wait3A_351 = tpu.memref_slice %arg5[%add3A_283, %dma_wait3A_350] : memref<32768x128xf32, #tpu.memory_space<hbm>> -> memref<128x128xf32, #tpu.memory_space<hbm>>
      %dma_wait3A_352 = arith.constant 0 : i32
      %dma_wait3A_353 = tpu.memref_slice %arg5[%add3A_283, %dma_wait3A_352] : memref<32768x128xf32, #tpu.memory_space<hbm>> -> memref<128x128xf32, #tpu.memory_space<hbm>>
      %dma_wait3A_354 = arith.constant 0 : i32
      %dma_wait3A_355 = arith.constant 0 : i32
      %dma_wait3A_356 = tpu.memref_slice %arg8[%dma_wait3A_345, %dma_wait3A_354, %dma_wait3A_355] : memref<7x128x128xf32, #tpu.memory_space<vmem>> -> memref<1x128x128xf32, #tpu.memory_space<vmem>>
      %dma_wait3A_357 = tpu.memref_squeeze %dma_wait3A_356 : memref<1x128x128xf32, #tpu.memory_space<vmem>> -> memref<128x128xf32, #tpu.memory_space<vmem>>
      tpu.wait_dma2 semaphore(%arg10 : memref<!tpu.dma_semaphore, #tpu.memory_space<semaphore_mem>>) src(%dma_wait3A_357 : memref<128x128xf32, #tpu.memory_space<vmem>>) dst(%dma_wait3A_353 : memref<128x128xf32, #tpu.memory_space<hbm>>)
      %dma_start3A_358 = arith.constant 3 : i32
      %dma_start3A_359 = arith.constant 0 : i32
      %dma_start3A_360 = arith.constant 0 : i32
      %dma_start3A_361 = tpu.memref_slice %arg8[%dma_start3A_358, %dma_start3A_359, %dma_start3A_360] : memref<7x128x128xf32, #tpu.memory_space<vmem>> -> memref<1x128x128xf32, #tpu.memory_space<vmem>>
      %dma_start3A_362 = tpu.memref_squeeze %dma_start3A_361 : memref<1x128x128xf32, #tpu.memory_space<vmem>> -> memref<128x128xf32, #tpu.memory_space<vmem>>
      %dma_start3A_363 = arith.constant 1280 : i32
      %dma_start3A_364 = tpu.memref_slice %arg7[%dma_start3A_363] : memref<2048xi32, #tpu.memory_space<vmem>> -> memref<128xi32, #tpu.memory_space<vmem>>
      %dma_start3A_365 = arith.constant 0 : i32
      %dma_start3A_366 = arith.constant 0 : i32
      %dma_start3A_367 = tpu.memref_slice %arg3[%dma_start3A_365, %dma_start3A_366] : memref<32768x128xf32, #tpu.memory_space<hbm>> -> memref<32768x128xf32, #tpu.memory_space<hbm>>
      tpu.enqueue_indirect_dma source(%dma_start3A_367 : memref<32768x128xf32, #tpu.memory_space<hbm>>) target(%dma_start3A_362 : memref<128x128xf32, #tpu.memory_space<vmem>>) offsets(%dma_start3A_364 : memref<128xi32, #tpu.memory_space<vmem>>) semaphore(%arg9 : memref<!tpu.dma_semaphore, #tpu.memory_space<semaphore_mem>>)
      %dma_wait3A_368 = arith.constant 5 : i32
      %dma_wait3A_369 = arith.constant 0 : i32
      %dma_wait3A_370 = arith.constant 0 : i32
      %dma_wait3A_371 = tpu.memref_slice %arg8[%dma_wait3A_368, %dma_wait3A_369, %dma_wait3A_370] : memref<7x128x128xf32, #tpu.memory_space<vmem>> -> memref<1x128x128xf32, #tpu.memory_space<vmem>>
      %dma_wait3A_372 = tpu.memref_squeeze %dma_wait3A_371 : memref<1x128x128xf32, #tpu.memory_space<vmem>> -> memref<128x128xf32, #tpu.memory_space<vmem>>
      %dma_wait3A_373 = arith.constant 640 : i32
      %dma_wait3A_374 = tpu.memref_slice %arg7[%dma_wait3A_373] : memref<2048xi32, #tpu.memory_space<vmem>> -> memref<128xi32, #tpu.memory_space<vmem>>
      %dma_wait3A_375 = arith.constant 0 : i32
      %dma_wait3A_376 = arith.constant 0 : i32
      %dma_wait3A_377 = tpu.memref_slice %arg3[%dma_wait3A_375, %dma_wait3A_376] : memref<32768x128xf32, #tpu.memory_space<hbm>> -> memref<32768x128xf32, #tpu.memory_space<hbm>>
      tpu.wait_indirect_dma semaphore(%arg9 : memref<!tpu.dma_semaphore, #tpu.memory_space<semaphore_mem>>) src(%dma_wait3A_377 : memref<32768x128xf32, #tpu.memory_space<hbm>>) dst(%dma_wait3A_372 : memref<128x128xf32, #tpu.memory_space<vmem>>)
      %add3A_378 = arith.constant 640 : i32
      %add3A_379 = arith.addi %mul3A_32, %add3A_378 : i32
      %dma_start3A_380 = arith.constant 5 : i32
      %dma_start3A_381 = arith.constant 0 : i32
      %dma_start3A_382 = arith.constant 0 : i32
      %dma_start3A_383 = tpu.memref_slice %arg8[%dma_start3A_380, %dma_start3A_381, %dma_start3A_382] : memref<7x128x128xf32, #tpu.memory_space<vmem>> -> memref<1x128x128xf32, #tpu.memory_space<vmem>>
      %dma_start3A_384 = tpu.memref_squeeze %dma_start3A_383 : memref<1x128x128xf32, #tpu.memory_space<vmem>> -> memref<128x128xf32, #tpu.memory_space<vmem>>
      %dma_start3A_385 = arith.constant 0 : i32
      %dma_start3A_386 = tpu.memref_slice %arg5[%add3A_379, %dma_start3A_385] : memref<32768x128xf32, #tpu.memory_space<hbm>> -> memref<128x128xf32, #tpu.memory_space<hbm>>
      %dma_start3A_387 = arith.constant 0 : i32
      %dma_start3A_388 = tpu.memref_slice %arg5[%add3A_379, %dma_start3A_387] : memref<32768x128xf32, #tpu.memory_space<hbm>> -> memref<128x128xf32, #tpu.memory_space<hbm>>
      %dma_start3A_389 = arith.constant 0 : i32
      %dma_start3A_390 = arith.constant 0 : i32
      %dma_start3A_391 = tpu.memref_slice %arg8[%dma_start3A_380, %dma_start3A_389, %dma_start3A_390] : memref<7x128x128xf32, #tpu.memory_space<vmem>> -> memref<1x128x128xf32, #tpu.memory_space<vmem>>
      %dma_start3A_392 = tpu.memref_squeeze %dma_start3A_391 : memref<1x128x128xf32, #tpu.memory_space<vmem>> -> memref<128x128xf32, #tpu.memory_space<vmem>>
      tpu.enqueue_dma source(%dma_start3A_392 : memref<128x128xf32, #tpu.memory_space<vmem>>) target(%dma_start3A_388 : memref<128x128xf32, #tpu.memory_space<hbm>>) target_semaphore(%arg10 : memref<!tpu.dma_semaphore, #tpu.memory_space<semaphore_mem>>)
      %dma_wait3A_393 = arith.constant 4 : i32
      %dma_wait3A_394 = arith.constant 0 : i32
      %dma_wait3A_395 = arith.constant 0 : i32
      %dma_wait3A_396 = tpu.memref_slice %arg8[%dma_wait3A_393, %dma_wait3A_394, %dma_wait3A_395] : memref<7x128x128xf32, #tpu.memory_space<vmem>> -> memref<1x128x128xf32, #tpu.memory_space<vmem>>
      %dma_wait3A_397 = tpu.memref_squeeze %dma_wait3A_396 : memref<1x128x128xf32, #tpu.memory_space<vmem>> -> memref<128x128xf32, #tpu.memory_space<vmem>>
      %dma_wait3A_398 = arith.constant 0 : i32
      %dma_wait3A_399 = tpu.memref_slice %arg5[%add3A_331, %dma_wait3A_398] : memref<32768x128xf32, #tpu.memory_space<hbm>> -> memref<128x128xf32, #tpu.memory_space<hbm>>
      %dma_wait3A_400 = arith.constant 0 : i32
      %dma_wait3A_401 = tpu.memref_slice %arg5[%add3A_331, %dma_wait3A_400] : memref<32768x128xf32, #tpu.memory_space<hbm>> -> memref<128x128xf32, #tpu.memory_space<hbm>>
      %dma_wait3A_402 = arith.constant 0 : i32
      %dma_wait3A_403 = arith.constant 0 : i32
      %dma_wait3A_404 = tpu.memref_slice %arg8[%dma_wait3A_393, %dma_wait3A_402, %dma_wait3A_403] : memref<7x128x128xf32, #tpu.memory_space<vmem>> -> memref<1x128x128xf32, #tpu.memory_space<vmem>>
      %dma_wait3A_405 = tpu.memref_squeeze %dma_wait3A_404 : memref<1x128x128xf32, #tpu.memory_space<vmem>> -> memref<128x128xf32, #tpu.memory_space<vmem>>
      tpu.wait_dma2 semaphore(%arg10 : memref<!tpu.dma_semaphore, #tpu.memory_space<semaphore_mem>>) src(%dma_wait3A_405 : memref<128x128xf32, #tpu.memory_space<vmem>>) dst(%dma_wait3A_401 : memref<128x128xf32, #tpu.memory_space<hbm>>)
      %dma_start3A_406 = arith.constant 4 : i32
      %dma_start3A_407 = arith.constant 0 : i32
      %dma_start3A_408 = arith.constant 0 : i32
      %dma_start3A_409 = tpu.memref_slice %arg8[%dma_start3A_406, %dma_start3A_407, %dma_start3A_408] : memref<7x128x128xf32, #tpu.memory_space<vmem>> -> memref<1x128x128xf32, #tpu.memory_space<vmem>>
      %dma_start3A_410 = tpu.memref_squeeze %dma_start3A_409 : memref<1x128x128xf32, #tpu.memory_space<vmem>> -> memref<128x128xf32, #tpu.memory_space<vmem>>
      %dma_start3A_411 = arith.constant 1408 : i32
      %dma_start3A_412 = tpu.memref_slice %arg7[%dma_start3A_411] : memref<2048xi32, #tpu.memory_space<vmem>> -> memref<128xi32, #tpu.memory_space<vmem>>
      %dma_start3A_413 = arith.constant 0 : i32
      %dma_start3A_414 = arith.constant 0 : i32
      %dma_start3A_415 = tpu.memref_slice %arg3[%dma_start3A_413, %dma_start3A_414] : memref<32768x128xf32, #tpu.memory_space<hbm>> -> memref<32768x128xf32, #tpu.memory_space<hbm>>
      tpu.enqueue_indirect_dma source(%dma_start3A_415 : memref<32768x128xf32, #tpu.memory_space<hbm>>) target(%dma_start3A_410 : memref<128x128xf32, #tpu.memory_space<vmem>>) offsets(%dma_start3A_412 : memref<128xi32, #tpu.memory_space<vmem>>) semaphore(%arg9 : memref<!tpu.dma_semaphore, #tpu.memory_space<semaphore_mem>>)
      %dma_wait3A_416 = arith.constant 6 : i32
      %dma_wait3A_417 = arith.constant 0 : i32
      %dma_wait3A_418 = arith.constant 0 : i32
      %dma_wait3A_419 = tpu.memref_slice %arg8[%dma_wait3A_416, %dma_wait3A_417, %dma_wait3A_418] : memref<7x128x128xf32, #tpu.memory_space<vmem>> -> memref<1x128x128xf32, #tpu.memory_space<vmem>>
      %dma_wait3A_420 = tpu.memref_squeeze %dma_wait3A_419 : memref<1x128x128xf32, #tpu.memory_space<vmem>> -> memref<128x128xf32, #tpu.memory_space<vmem>>
      %dma_wait3A_421 = arith.constant 768 : i32
      %dma_wait3A_422 = tpu.memref_slice %arg7[%dma_wait3A_421] : memref<2048xi32, #tpu.memory_space<vmem>> -> memref<128xi32, #tpu.memory_space<vmem>>
      %dma_wait3A_423 = arith.constant 0 : i32
      %dma_wait3A_424 = arith.constant 0 : i32
      %dma_wait3A_425 = tpu.memref_slice %arg3[%dma_wait3A_423, %dma_wait3A_424] : memref<32768x128xf32, #tpu.memory_space<hbm>> -> memref<32768x128xf32, #tpu.memory_space<hbm>>
      tpu.wait_indirect_dma semaphore(%arg9 : memref<!tpu.dma_semaphore, #tpu.memory_space<semaphore_mem>>) src(%dma_wait3A_425 : memref<32768x128xf32, #tpu.memory_space<hbm>>) dst(%dma_wait3A_420 : memref<128x128xf32, #tpu.memory_space<vmem>>)
      %add3A_426 = arith.constant 768 : i32
      %add3A_427 = arith.addi %mul3A_32, %add3A_426 : i32
      %dma_start3A_428 = arith.constant 6 : i32
      %dma_start3A_429 = arith.constant 0 : i32
      %dma_start3A_430 = arith.constant 0 : i32
      %dma_start3A_431 = tpu.memref_slice %arg8[%dma_start3A_428, %dma_start3A_429, %dma_start3A_430] : memref<7x128x128xf32, #tpu.memory_space<vmem>> -> memref<1x128x128xf32, #tpu.memory_space<vmem>>
      %dma_start3A_432 = tpu.memref_squeeze %dma_start3A_431 : memref<1x128x128xf32, #tpu.memory_space<vmem>> -> memref<128x128xf32, #tpu.memory_space<vmem>>
      %dma_start3A_433 = arith.constant 0 : i32
      %dma_start3A_434 = tpu.memref_slice %arg5[%add3A_427, %dma_start3A_433] : memref<32768x128xf32, #tpu.memory_space<hbm>> -> memref<128x128xf32, #tpu.memory_space<hbm>>
      %dma_start3A_435 = arith.constant 0 : i32
      %dma_start3A_436 = tpu.memref_slice %arg5[%add3A_427, %dma_start3A_435] : memref<32768x128xf32, #tpu.memory_space<hbm>> -> memref<128x128xf32, #tpu.memory_space<hbm>>
      %dma_start3A_437 = arith.constant 0 : i32
      %dma_start3A_438 = arith.constant 0 : i32
      %dma_start3A_439 = tpu.memref_slice %arg8[%dma_start3A_428, %dma_start3A_437, %dma_start3A_438] : memref<7x128x128xf32, #tpu.memory_space<vmem>> -> memref<1x128x128xf32, #tpu.memory_space<vmem>>
      %dma_start3A_440 = tpu.memref_squeeze %dma_start3A_439 : memref<1x128x128xf32, #tpu.memory_space<vmem>> -> memref<128x128xf32, #tpu.memory_space<vmem>>
      tpu.enqueue_dma source(%dma_start3A_440 : memref<128x128xf32, #tpu.memory_space<vmem>>) target(%dma_start3A_436 : memref<128x128xf32, #tpu.memory_space<hbm>>) target_semaphore(%arg10 : memref<!tpu.dma_semaphore, #tpu.memory_space<semaphore_mem>>)
      %dma_wait3A_441 = arith.constant 5 : i32
      %dma_wait3A_442 = arith.constant 0 : i32
      %dma_wait3A_443 = arith.constant 0 : i32
      %dma_wait3A_444 = tpu.memref_slice %arg8[%dma_wait3A_441, %dma_wait3A_442, %dma_wait3A_443] : memref<7x128x128xf32, #tpu.memory_space<vmem>> -> memref<1x128x128xf32, #tpu.memory_space<vmem>>
      %dma_wait3A_445 = tpu.memref_squeeze %dma_wait3A_444 : memref<1x128x128xf32, #tpu.memory_space<vmem>> -> memref<128x128xf32, #tpu.memory_space<vmem>>
      %dma_wait3A_446 = arith.constant 0 : i32
      %dma_wait3A_447 = tpu.memref_slice %arg5[%add3A_379, %dma_wait3A_446] : memref<32768x128xf32, #tpu.memory_space<hbm>> -> memref<128x128xf32, #tpu.memory_space<hbm>>
      %dma_wait3A_448 = arith.constant 0 : i32
      %dma_wait3A_449 = tpu.memref_slice %arg5[%add3A_379, %dma_wait3A_448] : memref<32768x128xf32, #tpu.memory_space<hbm>> -> memref<128x128xf32, #tpu.memory_space<hbm>>
      %dma_wait3A_450 = arith.constant 0 : i32
      %dma_wait3A_451 = arith.constant 0 : i32
      %dma_wait3A_452 = tpu.memref_slice %arg8[%dma_wait3A_441, %dma_wait3A_450, %dma_wait3A_451] : memref<7x128x128xf32, #tpu.memory_space<vmem>> -> memref<1x128x128xf32, #tpu.memory_space<vmem>>
      %dma_wait3A_453 = tpu.memref_squeeze %dma_wait3A_452 : memref<1x128x128xf32, #tpu.memory_space<vmem>> -> memref<128x128xf32, #tpu.memory_space<vmem>>
      tpu.wait_dma2 semaphore(%arg10 : memref<!tpu.dma_semaphore, #tpu.memory_space<semaphore_mem>>) src(%dma_wait3A_453 : memref<128x128xf32, #tpu.memory_space<vmem>>) dst(%dma_wait3A_449 : memref<128x128xf32, #tpu.memory_space<hbm>>)
      %dma_start3A_454 = arith.constant 5 : i32
      %dma_start3A_455 = arith.constant 0 : i32
      %dma_start3A_456 = arith.constant 0 : i32
      %dma_start3A_457 = tpu.memref_slice %arg8[%dma_start3A_454, %dma_start3A_455, %dma_start3A_456] : memref<7x128x128xf32, #tpu.memory_space<vmem>> -> memref<1x128x128xf32, #tpu.memory_space<vmem>>
      %dma_start3A_458 = tpu.memref_squeeze %dma_start3A_457 : memref<1x128x128xf32, #tpu.memory_space<vmem>> -> memref<128x128xf32, #tpu.memory_space<vmem>>
      %dma_start3A_459 = arith.constant 1536 : i32
      %dma_start3A_460 = tpu.memref_slice %arg7[%dma_start3A_459] : memref<2048xi32, #tpu.memory_space<vmem>> -> memref<128xi32, #tpu.memory_space<vmem>>
      %dma_start3A_461 = arith.constant 0 : i32
      %dma_start3A_462 = arith.constant 0 : i32
      %dma_start3A_463 = tpu.memref_slice %arg3[%dma_start3A_461, %dma_start3A_462] : memref<32768x128xf32, #tpu.memory_space<hbm>> -> memref<32768x128xf32, #tpu.memory_space<hbm>>
      tpu.enqueue_indirect_dma source(%dma_start3A_463 : memref<32768x128xf32, #tpu.memory_space<hbm>>) target(%dma_start3A_458 : memref<128x128xf32, #tpu.memory_space<vmem>>) offsets(%dma_start3A_460 : memref<128xi32, #tpu.memory_space<vmem>>) semaphore(%arg9 : memref<!tpu.dma_semaphore, #tpu.memory_space<semaphore_mem>>)
      %dma_wait3A_464 = arith.constant 0 : i32
      %dma_wait3A_465 = arith.constant 0 : i32
      %dma_wait3A_466 = arith.constant 0 : i32
      %dma_wait3A_467 = tpu.memref_slice %arg8[%dma_wait3A_464, %dma_wait3A_465, %dma_wait3A_466] : memref<7x128x128xf32, #tpu.memory_space<vmem>> -> memref<1x128x128xf32, #tpu.memory_space<vmem>>
      %dma_wait3A_468 = tpu.memref_squeeze %dma_wait3A_467 : memref<1x128x128xf32, #tpu.memory_space<vmem>> -> memref<128x128xf32, #tpu.memory_space<vmem>>
      %dma_wait3A_469 = arith.constant 896 : i32
      %dma_wait3A_470 = tpu.memref_slice %arg7[%dma_wait3A_469] : memref<2048xi32, #tpu.memory_space<vmem>> -> memref<128xi32, #tpu.memory_space<vmem>>
      %dma_wait3A_471 = arith.constant 0 : i32
      %dma_wait3A_472 = arith.constant 0 : i32
      %dma_wait3A_473 = tpu.memref_slice %arg3[%dma_wait3A_471, %dma_wait3A_472] : memref<32768x128xf32, #tpu.memory_space<hbm>> -> memref<32768x128xf32, #tpu.memory_space<hbm>>
      tpu.wait_indirect_dma semaphore(%arg9 : memref<!tpu.dma_semaphore, #tpu.memory_space<semaphore_mem>>) src(%dma_wait3A_473 : memref<32768x128xf32, #tpu.memory_space<hbm>>) dst(%dma_wait3A_468 : memref<128x128xf32, #tpu.memory_space<vmem>>)
      %add3A_474 = arith.constant 896 : i32
      %add3A_475 = arith.addi %mul3A_32, %add3A_474 : i32
      %dma_start3A_476 = arith.constant 0 : i32
      %dma_start3A_477 = arith.constant 0 : i32
      %dma_start3A_478 = arith.constant 0 : i32
      %dma_start3A_479 = tpu.memref_slice %arg8[%dma_start3A_476, %dma_start3A_477, %dma_start3A_478] : memref<7x128x128xf32, #tpu.memory_space<vmem>> -> memref<1x128x128xf32, #tpu.memory_space<vmem>>
      %dma_start3A_480 = tpu.memref_squeeze %dma_start3A_479 : memref<1x128x128xf32, #tpu.memory_space<vmem>> -> memref<128x128xf32, #tpu.memory_space<vmem>>
      %dma_start3A_481 = arith.constant 0 : i32
      %dma_start3A_482 = tpu.memref_slice %arg5[%add3A_475, %dma_start3A_481] : memref<32768x128xf32, #tpu.memory_space<hbm>> -> memref<128x128xf32, #tpu.memory_space<hbm>>
      %dma_start3A_483 = arith.constant 0 : i32
      %dma_start3A_484 = tpu.memref_slice %arg5[%add3A_475, %dma_start3A_483] : memref<32768x128xf32, #tpu.memory_space<hbm>> -> memref<128x128xf32, #tpu.memory_space<hbm>>
      %dma_start3A_485 = arith.constant 0 : i32
      %dma_start3A_486 = arith.constant 0 : i32
      %dma_start3A_487 = tpu.memref_slice %arg8[%dma_start3A_476, %dma_start3A_485, %dma_start3A_486] : memref<7x128x128xf32, #tpu.memory_space<vmem>> -> memref<1x128x128xf32, #tpu.memory_space<vmem>>
      %dma_start3A_488 = tpu.memref_squeeze %dma_start3A_487 : memref<1x128x128xf32, #tpu.memory_space<vmem>> -> memref<128x128xf32, #tpu.memory_space<vmem>>
      tpu.enqueue_dma source(%dma_start3A_488 : memref<128x128xf32, #tpu.memory_space<vmem>>) target(%dma_start3A_484 : memref<128x128xf32, #tpu.memory_space<hbm>>) target_semaphore(%arg10 : memref<!tpu.dma_semaphore, #tpu.memory_space<semaphore_mem>>)
      %dma_wait3A_489 = arith.constant 6 : i32
      %dma_wait3A_490 = arith.constant 0 : i32
      %dma_wait3A_491 = arith.constant 0 : i32
      %dma_wait3A_492 = tpu.memref_slice %arg8[%dma_wait3A_489, %dma_wait3A_490, %dma_wait3A_491] : memref<7x128x128xf32, #tpu.memory_space<vmem>> -> memref<1x128x128xf32, #tpu.memory_space<vmem>>
      %dma_wait3A_493 = tpu.memref_squeeze %dma_wait3A_492 : memref<1x128x128xf32, #tpu.memory_space<vmem>> -> memref<128x128xf32, #tpu.memory_space<vmem>>
      %dma_wait3A_494 = arith.constant 0 : i32
      %dma_wait3A_495 = tpu.memref_slice %arg5[%add3A_427, %dma_wait3A_494] : memref<32768x128xf32, #tpu.memory_space<hbm>> -> memref<128x128xf32, #tpu.memory_space<hbm>>
      %dma_wait3A_496 = arith.constant 0 : i32
      %dma_wait3A_497 = tpu.memref_slice %arg5[%add3A_427, %dma_wait3A_496] : memref<32768x128xf32, #tpu.memory_space<hbm>> -> memref<128x128xf32, #tpu.memory_space<hbm>>
      %dma_wait3A_498 = arith.constant 0 : i32
      %dma_wait3A_499 = arith.constant 0 : i32
      %dma_wait3A_500 = tpu.memref_slice %arg8[%dma_wait3A_489, %dma_wait3A_498, %dma_wait3A_499] : memref<7x128x128xf32, #tpu.memory_space<vmem>> -> memref<1x128x128xf32, #tpu.memory_space<vmem>>
      %dma_wait3A_501 = tpu.memref_squeeze %dma_wait3A_500 : memref<1x128x128xf32, #tpu.memory_space<vmem>> -> memref<128x128xf32, #tpu.memory_space<vmem>>
      tpu.wait_dma2 semaphore(%arg10 : memref<!tpu.dma_semaphore, #tpu.memory_space<semaphore_mem>>) src(%dma_wait3A_501 : memref<128x128xf32, #tpu.memory_space<vmem>>) dst(%dma_wait3A_497 : memref<128x128xf32, #tpu.memory_space<hbm>>)
      %dma_start3A_502 = arith.constant 6 : i32
      %dma_start3A_503 = arith.constant 0 : i32
      %dma_start3A_504 = arith.constant 0 : i32
      %dma_start3A_505 = tpu.memref_slice %arg8[%dma_start3A_502, %dma_start3A_503, %dma_start3A_504] : memref<7x128x128xf32, #tpu.memory_space<vmem>> -> memref<1x128x128xf32, #tpu.memory_space<vmem>>
      %dma_start3A_506 = tpu.memref_squeeze %dma_start3A_505 : memref<1x128x128xf32, #tpu.memory_space<vmem>> -> memref<128x128xf32, #tpu.memory_space<vmem>>
      %dma_start3A_507 = arith.constant 1664 : i32
      %dma_start3A_508 = tpu.memref_slice %arg7[%dma_start3A_507] : memref<2048xi32, #tpu.memory_space<vmem>> -> memref<128xi32, #tpu.memory_space<vmem>>
      %dma_start3A_509 = arith.constant 0 : i32
      %dma_start3A_510 = arith.constant 0 : i32
      %dma_start3A_511 = tpu.memref_slice %arg3[%dma_start3A_509, %dma_start3A_510] : memref<32768x128xf32, #tpu.memory_space<hbm>> -> memref<32768x128xf32, #tpu.memory_space<hbm>>
      tpu.enqueue_indirect_dma source(%dma_start3A_511 : memref<32768x128xf32, #tpu.memory_space<hbm>>) target(%dma_start3A_506 : memref<128x128xf32, #tpu.memory_space<vmem>>) offsets(%dma_start3A_508 : memref<128xi32, #tpu.memory_space<vmem>>) semaphore(%arg9 : memref<!tpu.dma_semaphore, #tpu.memory_space<semaphore_mem>>)
      %dma_wait3A_512 = arith.constant 1 : i32
      %dma_wait3A_513 = arith.constant 0 : i32
      %dma_wait3A_514 = arith.constant 0 : i32
      %dma_wait3A_515 = tpu.memref_slice %arg8[%dma_wait3A_512, %dma_wait3A_513, %dma_wait3A_514] : memref<7x128x128xf32, #tpu.memory_space<vmem>> -> memref<1x128x128xf32, #tpu.memory_space<vmem>>
      %dma_wait3A_516 = tpu.memref_squeeze %dma_wait3A_515 : memref<1x128x128xf32, #tpu.memory_space<vmem>> -> memref<128x128xf32, #tpu.memory_space<vmem>>
      %dma_wait3A_517 = arith.constant 1024 : i32
      %dma_wait3A_518 = tpu.memref_slice %arg7[%dma_wait3A_517] : memref<2048xi32, #tpu.memory_space<vmem>> -> memref<128xi32, #tpu.memory_space<vmem>>
      %dma_wait3A_519 = arith.constant 0 : i32
      %dma_wait3A_520 = arith.constant 0 : i32
      %dma_wait3A_521 = tpu.memref_slice %arg3[%dma_wait3A_519, %dma_wait3A_520] : memref<32768x128xf32, #tpu.memory_space<hbm>> -> memref<32768x128xf32, #tpu.memory_space<hbm>>
      tpu.wait_indirect_dma semaphore(%arg9 : memref<!tpu.dma_semaphore, #tpu.memory_space<semaphore_mem>>) src(%dma_wait3A_521 : memref<32768x128xf32, #tpu.memory_space<hbm>>) dst(%dma_wait3A_516 : memref<128x128xf32, #tpu.memory_space<vmem>>)
      %add3A_522 = arith.constant 1024 : i32
      %add3A_523 = arith.addi %mul3A_32, %add3A_522 : i32
      %dma_start3A_524 = arith.constant 1 : i32
      %dma_start3A_525 = arith.constant 0 : i32
      %dma_start3A_526 = arith.constant 0 : i32
      %dma_start3A_527 = tpu.memref_slice %arg8[%dma_start3A_524, %dma_start3A_525, %dma_start3A_526] : memref<7x128x128xf32, #tpu.memory_space<vmem>> -> memref<1x128x128xf32, #tpu.memory_space<vmem>>
      %dma_start3A_528 = tpu.memref_squeeze %dma_start3A_527 : memref<1x128x128xf32, #tpu.memory_space<vmem>> -> memref<128x128xf32, #tpu.memory_space<vmem>>
      %dma_start3A_529 = arith.constant 0 : i32
      %dma_start3A_530 = tpu.memref_slice %arg5[%add3A_523, %dma_start3A_529] : memref<32768x128xf32, #tpu.memory_space<hbm>> -> memref<128x128xf32, #tpu.memory_space<hbm>>
      %dma_start3A_531 = arith.constant 0 : i32
      %dma_start3A_532 = tpu.memref_slice %arg5[%add3A_523, %dma_start3A_531] : memref<32768x128xf32, #tpu.memory_space<hbm>> -> memref<128x128xf32, #tpu.memory_space<hbm>>
      %dma_start3A_533 = arith.constant 0 : i32
      %dma_start3A_534 = arith.constant 0 : i32
      %dma_start3A_535 = tpu.memref_slice %arg8[%dma_start3A_524, %dma_start3A_533, %dma_start3A_534] : memref<7x128x128xf32, #tpu.memory_space<vmem>> -> memref<1x128x128xf32, #tpu.memory_space<vmem>>
      %dma_start3A_536 = tpu.memref_squeeze %dma_start3A_535 : memref<1x128x128xf32, #tpu.memory_space<vmem>> -> memref<128x128xf32, #tpu.memory_space<vmem>>
      tpu.enqueue_dma source(%dma_start3A_536 : memref<128x128xf32, #tpu.memory_space<vmem>>) target(%dma_start3A_532 : memref<128x128xf32, #tpu.memory_space<hbm>>) target_semaphore(%arg10 : memref<!tpu.dma_semaphore, #tpu.memory_space<semaphore_mem>>)
      %dma_wait3A_537 = arith.constant 0 : i32
      %dma_wait3A_538 = arith.constant 0 : i32
      %dma_wait3A_539 = arith.constant 0 : i32
      %dma_wait3A_540 = tpu.memref_slice %arg8[%dma_wait3A_537, %dma_wait3A_538, %dma_wait3A_539] : memref<7x128x128xf32, #tpu.memory_space<vmem>> -> memref<1x128x128xf32, #tpu.memory_space<vmem>>
      %dma_wait3A_541 = tpu.memref_squeeze %dma_wait3A_540 : memref<1x128x128xf32, #tpu.memory_space<vmem>> -> memref<128x128xf32, #tpu.memory_space<vmem>>
      %dma_wait3A_542 = arith.constant 0 : i32
      %dma_wait3A_543 = tpu.memref_slice %arg5[%add3A_475, %dma_wait3A_542] : memref<32768x128xf32, #tpu.memory_space<hbm>> -> memref<128x128xf32, #tpu.memory_space<hbm>>
      %dma_wait3A_544 = arith.constant 0 : i32
      %dma_wait3A_545 = tpu.memref_slice %arg5[%add3A_475, %dma_wait3A_544] : memref<32768x128xf32, #tpu.memory_space<hbm>> -> memref<128x128xf32, #tpu.memory_space<hbm>>
      %dma_wait3A_546 = arith.constant 0 : i32
      %dma_wait3A_547 = arith.constant 0 : i32
      %dma_wait3A_548 = tpu.memref_slice %arg8[%dma_wait3A_537, %dma_wait3A_546, %dma_wait3A_547] : memref<7x128x128xf32, #tpu.memory_space<vmem>> -> memref<1x128x128xf32, #tpu.memory_space<vmem>>
      %dma_wait3A_549 = tpu.memref_squeeze %dma_wait3A_548 : memref<1x128x128xf32, #tpu.memory_space<vmem>> -> memref<128x128xf32, #tpu.memory_space<vmem>>
      tpu.wait_dma2 semaphore(%arg10 : memref<!tpu.dma_semaphore, #tpu.memory_space<semaphore_mem>>) src(%dma_wait3A_549 : memref<128x128xf32, #tpu.memory_space<vmem>>) dst(%dma_wait3A_545 : memref<128x128xf32, #tpu.memory_space<hbm>>)
      %dma_start3A_550 = arith.constant 0 : i32
      %dma_start3A_551 = arith.constant 0 : i32
      %dma_start3A_552 = arith.constant 0 : i32
      %dma_start3A_553 = tpu.memref_slice %arg8[%dma_start3A_550, %dma_start3A_551, %dma_start3A_552] : memref<7x128x128xf32, #tpu.memory_space<vmem>> -> memref<1x128x128xf32, #tpu.memory_space<vmem>>
      %dma_start3A_554 = tpu.memref_squeeze %dma_start3A_553 : memref<1x128x128xf32, #tpu.memory_space<vmem>> -> memref<128x128xf32, #tpu.memory_space<vmem>>
      %dma_start3A_555 = arith.constant 1792 : i32
      %dma_start3A_556 = tpu.memref_slice %arg7[%dma_start3A_555] : memref<2048xi32, #tpu.memory_space<vmem>> -> memref<128xi32, #tpu.memory_space<vmem>>
      %dma_start3A_557 = arith.constant 0 : i32
      %dma_start3A_558 = arith.constant 0 : i32
      %dma_start3A_559 = tpu.memref_slice %arg3[%dma_start3A_557, %dma_start3A_558] : memref<32768x128xf32, #tpu.memory_space<hbm>> -> memref<32768x128xf32, #tpu.memory_space<hbm>>
      tpu.enqueue_indirect_dma source(%dma_start3A_559 : memref<32768x128xf32, #tpu.memory_space<hbm>>) target(%dma_start3A_554 : memref<128x128xf32, #tpu.memory_space<vmem>>) offsets(%dma_start3A_556 : memref<128xi32, #tpu.memory_space<vmem>>) semaphore(%arg9 : memref<!tpu.dma_semaphore, #tpu.memory_space<semaphore_mem>>)
      %dma_wait3A_560 = arith.constant 2 : i32
      %dma_wait3A_561 = arith.constant 0 : i32
      %dma_wait3A_562 = arith.constant 0 : i32
      %dma_wait3A_563 = tpu.memref_slice %arg8[%dma_wait3A_560, %dma_wait3A_561, %dma_wait3A_562] : memref<7x128x128xf32, #tpu.memory_space<vmem>> -> memref<1x128x128xf32, #tpu.memory_space<vmem>>
      %dma_wait3A_564 = tpu.memref_squeeze %dma_wait3A_563 : memref<1x128x128xf32, #tpu.memory_space<vmem>> -> memref<128x128xf32, #tpu.memory_space<vmem>>
      %dma_wait3A_565 = arith.constant 1152 : i32
      %dma_wait3A_566 = tpu.memref_slice %arg7[%dma_wait3A_565] : memref<2048xi32, #tpu.memory_space<vmem>> -> memref<128xi32, #tpu.memory_space<vmem>>
      %dma_wait3A_567 = arith.constant 0 : i32
      %dma_wait3A_568 = arith.constant 0 : i32
      %dma_wait3A_569 = tpu.memref_slice %arg3[%dma_wait3A_567, %dma_wait3A_568] : memref<32768x128xf32, #tpu.memory_space<hbm>> -> memref<32768x128xf32, #tpu.memory_space<hbm>>
      tpu.wait_indirect_dma semaphore(%arg9 : memref<!tpu.dma_semaphore, #tpu.memory_space<semaphore_mem>>) src(%dma_wait3A_569 : memref<32768x128xf32, #tpu.memory_space<hbm>>) dst(%dma_wait3A_564 : memref<128x128xf32, #tpu.memory_space<vmem>>)
      %add3A_570 = arith.constant 1152 : i32
      %add3A_571 = arith.addi %mul3A_32, %add3A_570 : i32
      %dma_start3A_572 = arith.constant 2 : i32
      %dma_start3A_573 = arith.constant 0 : i32
      %dma_start3A_574 = arith.constant 0 : i32
      %dma_start3A_575 = tpu.memref_slice %arg8[%dma_start3A_572, %dma_start3A_573, %dma_start3A_574] : memref<7x128x128xf32, #tpu.memory_space<vmem>> -> memref<1x128x128xf32, #tpu.memory_space<vmem>>
      %dma_start3A_576 = tpu.memref_squeeze %dma_start3A_575 : memref<1x128x128xf32, #tpu.memory_space<vmem>> -> memref<128x128xf32, #tpu.memory_space<vmem>>
      %dma_start3A_577 = arith.constant 0 : i32
      %dma_start3A_578 = tpu.memref_slice %arg5[%add3A_571, %dma_start3A_577] : memref<32768x128xf32, #tpu.memory_space<hbm>> -> memref<128x128xf32, #tpu.memory_space<hbm>>
      %dma_start3A_579 = arith.constant 0 : i32
      %dma_start3A_580 = tpu.memref_slice %arg5[%add3A_571, %dma_start3A_579] : memref<32768x128xf32, #tpu.memory_space<hbm>> -> memref<128x128xf32, #tpu.memory_space<hbm>>
      %dma_start3A_581 = arith.constant 0 : i32
      %dma_start3A_582 = arith.constant 0 : i32
      %dma_start3A_583 = tpu.memref_slice %arg8[%dma_start3A_572, %dma_start3A_581, %dma_start3A_582] : memref<7x128x128xf32, #tpu.memory_space<vmem>> -> memref<1x128x128xf32, #tpu.memory_space<vmem>>
      %dma_start3A_584 = tpu.memref_squeeze %dma_start3A_583 : memref<1x128x128xf32, #tpu.memory_space<vmem>> -> memref<128x128xf32, #tpu.memory_space<vmem>>
      tpu.enqueue_dma source(%dma_start3A_584 : memref<128x128xf32, #tpu.memory_space<vmem>>) target(%dma_start3A_580 : memref<128x128xf32, #tpu.memory_space<hbm>>) target_semaphore(%arg10 : memref<!tpu.dma_semaphore, #tpu.memory_space<semaphore_mem>>)
      %dma_wait3A_585 = arith.constant 1 : i32
      %dma_wait3A_586 = arith.constant 0 : i32
      %dma_wait3A_587 = arith.constant 0 : i32
      %dma_wait3A_588 = tpu.memref_slice %arg8[%dma_wait3A_585, %dma_wait3A_586, %dma_wait3A_587] : memref<7x128x128xf32, #tpu.memory_space<vmem>> -> memref<1x128x128xf32, #tpu.memory_space<vmem>>
      %dma_wait3A_589 = tpu.memref_squeeze %dma_wait3A_588 : memref<1x128x128xf32, #tpu.memory_space<vmem>> -> memref<128x128xf32, #tpu.memory_space<vmem>>
      %dma_wait3A_590 = arith.constant 0 : i32
      %dma_wait3A_591 = tpu.memref_slice %arg5[%add3A_523, %dma_wait3A_590] : memref<32768x128xf32, #tpu.memory_space<hbm>> -> memref<128x128xf32, #tpu.memory_space<hbm>>
      %dma_wait3A_592 = arith.constant 0 : i32
      %dma_wait3A_593 = tpu.memref_slice %arg5[%add3A_523, %dma_wait3A_592] : memref<32768x128xf32, #tpu.memory_space<hbm>> -> memref<128x128xf32, #tpu.memory_space<hbm>>
      %dma_wait3A_594 = arith.constant 0 : i32
      %dma_wait3A_595 = arith.constant 0 : i32
      %dma_wait3A_596 = tpu.memref_slice %arg8[%dma_wait3A_585, %dma_wait3A_594, %dma_wait3A_595] : memref<7x128x128xf32, #tpu.memory_space<vmem>> -> memref<1x128x128xf32, #tpu.memory_space<vmem>>
      %dma_wait3A_597 = tpu.memref_squeeze %dma_wait3A_596 : memref<1x128x128xf32, #tpu.memory_space<vmem>> -> memref<128x128xf32, #tpu.memory_space<vmem>>
      tpu.wait_dma2 semaphore(%arg10 : memref<!tpu.dma_semaphore, #tpu.memory_space<semaphore_mem>>) src(%dma_wait3A_597 : memref<128x128xf32, #tpu.memory_space<vmem>>) dst(%dma_wait3A_593 : memref<128x128xf32, #tpu.memory_space<hbm>>)
      %dma_start3A_598 = arith.constant 1 : i32
      %dma_start3A_599 = arith.constant 0 : i32
      %dma_start3A_600 = arith.constant 0 : i32
      %dma_start3A_601 = tpu.memref_slice %arg8[%dma_start3A_598, %dma_start3A_599, %dma_start3A_600] : memref<7x128x128xf32, #tpu.memory_space<vmem>> -> memref<1x128x128xf32, #tpu.memory_space<vmem>>
      %dma_start3A_602 = tpu.memref_squeeze %dma_start3A_601 : memref<1x128x128xf32, #tpu.memory_space<vmem>> -> memref<128x128xf32, #tpu.memory_space<vmem>>
      %dma_start3A_603 = arith.constant 1920 : i32
      %dma_start3A_604 = tpu.memref_slice %arg7[%dma_start3A_603] : memref<2048xi32, #tpu.memory_space<vmem>> -> memref<128xi32, #tpu.memory_space<vmem>>
      %dma_start3A_605 = arith.constant 0 : i32
      %dma_start3A_606 = arith.constant 0 : i32
      %dma_start3A_607 = tpu.memref_slice %arg3[%dma_start3A_605, %dma_start3A_606] : memref<32768x128xf32, #tpu.memory_space<hbm>> -> memref<32768x128xf32, #tpu.memory_space<hbm>>
      tpu.enqueue_indirect_dma source(%dma_start3A_607 : memref<32768x128xf32, #tpu.memory_space<hbm>>) target(%dma_start3A_602 : memref<128x128xf32, #tpu.memory_space<vmem>>) offsets(%dma_start3A_604 : memref<128xi32, #tpu.memory_space<vmem>>) semaphore(%arg9 : memref<!tpu.dma_semaphore, #tpu.memory_space<semaphore_mem>>)
      %dma_wait3A_608 = arith.constant 3 : i32
      %dma_wait3A_609 = arith.constant 0 : i32
      %dma_wait3A_610 = arith.constant 0 : i32
      %dma_wait3A_611 = tpu.memref_slice %arg8[%dma_wait3A_608, %dma_wait3A_609, %dma_wait3A_610] : memref<7x128x128xf32, #tpu.memory_space<vmem>> -> memref<1x128x128xf32, #tpu.memory_space<vmem>>
      %dma_wait3A_612 = tpu.memref_squeeze %dma_wait3A_611 : memref<1x128x128xf32, #tpu.memory_space<vmem>> -> memref<128x128xf32, #tpu.memory_space<vmem>>
      %dma_wait3A_613 = arith.constant 1280 : i32
      %dma_wait3A_614 = tpu.memref_slice %arg7[%dma_wait3A_613] : memref<2048xi32, #tpu.memory_space<vmem>> -> memref<128xi32, #tpu.memory_space<vmem>>
      %dma_wait3A_615 = arith.constant 0 : i32
      %dma_wait3A_616 = arith.constant 0 : i32
      %dma_wait3A_617 = tpu.memref_slice %arg3[%dma_wait3A_615, %dma_wait3A_616] : memref<32768x128xf32, #tpu.memory_space<hbm>> -> memref<32768x128xf32, #tpu.memory_space<hbm>>
      tpu.wait_indirect_dma semaphore(%arg9 : memref<!tpu.dma_semaphore, #tpu.memory_space<semaphore_mem>>) src(%dma_wait3A_617 : memref<32768x128xf32, #tpu.memory_space<hbm>>) dst(%dma_wait3A_612 : memref<128x128xf32, #tpu.memory_space<vmem>>)
      %add3A_618 = arith.constant 1280 : i32
      %add3A_619 = arith.addi %mul3A_32, %add3A_618 : i32
      %dma_start3A_620 = arith.constant 3 : i32
      %dma_start3A_621 = arith.constant 0 : i32
      %dma_start3A_622 = arith.constant 0 : i32
      %dma_start3A_623 = tpu.memref_slice %arg8[%dma_start3A_620, %dma_start3A_621, %dma_start3A_622] : memref<7x128x128xf32, #tpu.memory_space<vmem>> -> memref<1x128x128xf32, #tpu.memory_space<vmem>>
      %dma_start3A_624 = tpu.memref_squeeze %dma_start3A_623 : memref<1x128x128xf32, #tpu.memory_space<vmem>> -> memref<128x128xf32, #tpu.memory_space<vmem>>
      %dma_start3A_625 = arith.constant 0 : i32
      %dma_start3A_626 = tpu.memref_slice %arg5[%add3A_619, %dma_start3A_625] : memref<32768x128xf32, #tpu.memory_space<hbm>> -> memref<128x128xf32, #tpu.memory_space<hbm>>
      %dma_start3A_627 = arith.constant 0 : i32
      %dma_start3A_628 = tpu.memref_slice %arg5[%add3A_619, %dma_start3A_627] : memref<32768x128xf32, #tpu.memory_space<hbm>> -> memref<128x128xf32, #tpu.memory_space<hbm>>
      %dma_start3A_629 = arith.constant 0 : i32
      %dma_start3A_630 = arith.constant 0 : i32
      %dma_start3A_631 = tpu.memref_slice %arg8[%dma_start3A_620, %dma_start3A_629, %dma_start3A_630] : memref<7x128x128xf32, #tpu.memory_space<vmem>> -> memref<1x128x128xf32, #tpu.memory_space<vmem>>
      %dma_start3A_632 = tpu.memref_squeeze %dma_start3A_631 : memref<1x128x128xf32, #tpu.memory_space<vmem>> -> memref<128x128xf32, #tpu.memory_space<vmem>>
      tpu.enqueue_dma source(%dma_start3A_632 : memref<128x128xf32, #tpu.memory_space<vmem>>) target(%dma_start3A_628 : memref<128x128xf32, #tpu.memory_space<hbm>>) target_semaphore(%arg10 : memref<!tpu.dma_semaphore, #tpu.memory_space<semaphore_mem>>)
      %dma_wait3A_633 = arith.constant 4 : i32
      %dma_wait3A_634 = arith.constant 0 : i32
      %dma_wait3A_635 = arith.constant 0 : i32
      %dma_wait3A_636 = tpu.memref_slice %arg8[%dma_wait3A_633, %dma_wait3A_634, %dma_wait3A_635] : memref<7x128x128xf32, #tpu.memory_space<vmem>> -> memref<1x128x128xf32, #tpu.memory_space<vmem>>
      %dma_wait3A_637 = tpu.memref_squeeze %dma_wait3A_636 : memref<1x128x128xf32, #tpu.memory_space<vmem>> -> memref<128x128xf32, #tpu.memory_space<vmem>>
      %dma_wait3A_638 = arith.constant 1408 : i32
      %dma_wait3A_639 = tpu.memref_slice %arg7[%dma_wait3A_638] : memref<2048xi32, #tpu.memory_space<vmem>> -> memref<128xi32, #tpu.memory_space<vmem>>
      %dma_wait3A_640 = arith.constant 0 : i32
      %dma_wait3A_641 = arith.constant 0 : i32
      %dma_wait3A_642 = tpu.memref_slice %arg3[%dma_wait3A_640, %dma_wait3A_641] : memref<32768x128xf32, #tpu.memory_space<hbm>> -> memref<32768x128xf32, #tpu.memory_space<hbm>>
      tpu.wait_indirect_dma semaphore(%arg9 : memref<!tpu.dma_semaphore, #tpu.memory_space<semaphore_mem>>) src(%dma_wait3A_642 : memref<32768x128xf32, #tpu.memory_space<hbm>>) dst(%dma_wait3A_637 : memref<128x128xf32, #tpu.memory_space<vmem>>)
      %add3A_643 = arith.constant 1408 : i32
      %add3A_644 = arith.addi %mul3A_32, %add3A_643 : i32
      %dma_start3A_645 = arith.constant 4 : i32
      %dma_start3A_646 = arith.constant 0 : i32
      %dma_start3A_647 = arith.constant 0 : i32
      %dma_start3A_648 = tpu.memref_slice %arg8[%dma_start3A_645, %dma_start3A_646, %dma_start3A_647] : memref<7x128x128xf32, #tpu.memory_space<vmem>> -> memref<1x128x128xf32, #tpu.memory_space<vmem>>
      %dma_start3A_649 = tpu.memref_squeeze %dma_start3A_648 : memref<1x128x128xf32, #tpu.memory_space<vmem>> -> memref<128x128xf32, #tpu.memory_space<vmem>>
      %dma_start3A_650 = arith.constant 0 : i32
      %dma_start3A_651 = tpu.memref_slice %arg5[%add3A_644, %dma_start3A_650] : memref<32768x128xf32, #tpu.memory_space<hbm>> -> memref<128x128xf32, #tpu.memory_space<hbm>>
      %dma_start3A_652 = arith.constant 0 : i32
      %dma_start3A_653 = tpu.memref_slice %arg5[%add3A_644, %dma_start3A_652] : memref<32768x128xf32, #tpu.memory_space<hbm>> -> memref<128x128xf32, #tpu.memory_space<hbm>>
      %dma_start3A_654 = arith.constant 0 : i32
      %dma_start3A_655 = arith.constant 0 : i32
      %dma_start3A_656 = tpu.memref_slice %arg8[%dma_start3A_645, %dma_start3A_654, %dma_start3A_655] : memref<7x128x128xf32, #tpu.memory_space<vmem>> -> memref<1x128x128xf32, #tpu.memory_space<vmem>>
      %dma_start3A_657 = tpu.memref_squeeze %dma_start3A_656 : memref<1x128x128xf32, #tpu.memory_space<vmem>> -> memref<128x128xf32, #tpu.memory_space<vmem>>
      tpu.enqueue_dma source(%dma_start3A_657 : memref<128x128xf32, #tpu.memory_space<vmem>>) target(%dma_start3A_653 : memref<128x128xf32, #tpu.memory_space<hbm>>) target_semaphore(%arg10 : memref<!tpu.dma_semaphore, #tpu.memory_space<semaphore_mem>>)
      %dma_wait3A_658 = arith.constant 5 : i32
      %dma_wait3A_659 = arith.constant 0 : i32
      %dma_wait3A_660 = arith.constant 0 : i32
      %dma_wait3A_661 = tpu.memref_slice %arg8[%dma_wait3A_658, %dma_wait3A_659, %dma_wait3A_660] : memref<7x128x128xf32, #tpu.memory_space<vmem>> -> memref<1x128x128xf32, #tpu.memory_space<vmem>>
      %dma_wait3A_662 = tpu.memref_squeeze %dma_wait3A_661 : memref<1x128x128xf32, #tpu.memory_space<vmem>> -> memref<128x128xf32, #tpu.memory_space<vmem>>
      %dma_wait3A_663 = arith.constant 1536 : i32
      %dma_wait3A_664 = tpu.memref_slice %arg7[%dma_wait3A_663] : memref<2048xi32, #tpu.memory_space<vmem>> -> memref<128xi32, #tpu.memory_space<vmem>>
      %dma_wait3A_665 = arith.constant 0 : i32
      %dma_wait3A_666 = arith.constant 0 : i32
      %dma_wait3A_667 = tpu.memref_slice %arg3[%dma_wait3A_665, %dma_wait3A_666] : memref<32768x128xf32, #tpu.memory_space<hbm>> -> memref<32768x128xf32, #tpu.memory_space<hbm>>
      tpu.wait_indirect_dma semaphore(%arg9 : memref<!tpu.dma_semaphore, #tpu.memory_space<semaphore_mem>>) src(%dma_wait3A_667 : memref<32768x128xf32, #tpu.memory_space<hbm>>) dst(%dma_wait3A_662 : memref<128x128xf32, #tpu.memory_space<vmem>>)
      %add3A_668 = arith.constant 1536 : i32
      %add3A_669 = arith.addi %mul3A_32, %add3A_668 : i32
      %dma_start3A_670 = arith.constant 5 : i32
      %dma_start3A_671 = arith.constant 0 : i32
      %dma_start3A_672 = arith.constant 0 : i32
      %dma_start3A_673 = tpu.memref_slice %arg8[%dma_start3A_670, %dma_start3A_671, %dma_start3A_672] : memref<7x128x128xf32, #tpu.memory_space<vmem>> -> memref<1x128x128xf32, #tpu.memory_space<vmem>>
      %dma_start3A_674 = tpu.memref_squeeze %dma_start3A_673 : memref<1x128x128xf32, #tpu.memory_space<vmem>> -> memref<128x128xf32, #tpu.memory_space<vmem>>
      %dma_start3A_675 = arith.constant 0 : i32
      %dma_start3A_676 = tpu.memref_slice %arg5[%add3A_669, %dma_start3A_675] : memref<32768x128xf32, #tpu.memory_space<hbm>> -> memref<128x128xf32, #tpu.memory_space<hbm>>
      %dma_start3A_677 = arith.constant 0 : i32
      %dma_start3A_678 = tpu.memref_slice %arg5[%add3A_669, %dma_start3A_677] : memref<32768x128xf32, #tpu.memory_space<hbm>> -> memref<128x128xf32, #tpu.memory_space<hbm>>
      %dma_start3A_679 = arith.constant 0 : i32
      %dma_start3A_680 = arith.constant 0 : i32
      %dma_start3A_681 = tpu.memref_slice %arg8[%dma_start3A_670, %dma_start3A_679, %dma_start3A_680] : memref<7x128x128xf32, #tpu.memory_space<vmem>> -> memref<1x128x128xf32, #tpu.memory_space<vmem>>
      %dma_start3A_682 = tpu.memref_squeeze %dma_start3A_681 : memref<1x128x128xf32, #tpu.memory_space<vmem>> -> memref<128x128xf32, #tpu.memory_space<vmem>>
      tpu.enqueue_dma source(%dma_start3A_682 : memref<128x128xf32, #tpu.memory_space<vmem>>) target(%dma_start3A_678 : memref<128x128xf32, #tpu.memory_space<hbm>>) target_semaphore(%arg10 : memref<!tpu.dma_semaphore, #tpu.memory_space<semaphore_mem>>)
      %dma_wait3A_683 = arith.constant 6 : i32
      %dma_wait3A_684 = arith.constant 0 : i32
      %dma_wait3A_685 = arith.constant 0 : i32
      %dma_wait3A_686 = tpu.memref_slice %arg8[%dma_wait3A_683, %dma_wait3A_684, %dma_wait3A_685] : memref<7x128x128xf32, #tpu.memory_space<vmem>> -> memref<1x128x128xf32, #tpu.memory_space<vmem>>
      %dma_wait3A_687 = tpu.memref_squeeze %dma_wait3A_686 : memref<1x128x128xf32, #tpu.memory_space<vmem>> -> memref<128x128xf32, #tpu.memory_space<vmem>>
      %dma_wait3A_688 = arith.constant 1664 : i32
      %dma_wait3A_689 = tpu.memref_slice %arg7[%dma_wait3A_688] : memref<2048xi32, #tpu.memory_space<vmem>> -> memref<128xi32, #tpu.memory_space<vmem>>
      %dma_wait3A_690 = arith.constant 0 : i32
      %dma_wait3A_691 = arith.constant 0 : i32
      %dma_wait3A_692 = tpu.memref_slice %arg3[%dma_wait3A_690, %dma_wait3A_691] : memref<32768x128xf32, #tpu.memory_space<hbm>> -> memref<32768x128xf32, #tpu.memory_space<hbm>>
      tpu.wait_indirect_dma semaphore(%arg9 : memref<!tpu.dma_semaphore, #tpu.memory_space<semaphore_mem>>) src(%dma_wait3A_692 : memref<32768x128xf32, #tpu.memory_space<hbm>>) dst(%dma_wait3A_687 : memref<128x128xf32, #tpu.memory_space<vmem>>)
      %add3A_693 = arith.constant 1664 : i32
      %add3A_694 = arith.addi %mul3A_32, %add3A_693 : i32
      %dma_start3A_695 = arith.constant 6 : i32
      %dma_start3A_696 = arith.constant 0 : i32
      %dma_start3A_697 = arith.constant 0 : i32
      %dma_start3A_698 = tpu.memref_slice %arg8[%dma_start3A_695, %dma_start3A_696, %dma_start3A_697] : memref<7x128x128xf32, #tpu.memory_space<vmem>> -> memref<1x128x128xf32, #tpu.memory_space<vmem>>
      %dma_start3A_699 = tpu.memref_squeeze %dma_start3A_698 : memref<1x128x128xf32, #tpu.memory_space<vmem>> -> memref<128x128xf32, #tpu.memory_space<vmem>>
      %dma_start3A_700 = arith.constant 0 : i32
      %dma_start3A_701 = tpu.memref_slice %arg5[%add3A_694, %dma_start3A_700] : memref<32768x128xf32, #tpu.memory_space<hbm>> -> memref<128x128xf32, #tpu.memory_space<hbm>>
      %dma_start3A_702 = arith.constant 0 : i32
      %dma_start3A_703 = tpu.memref_slice %arg5[%add3A_694, %dma_start3A_702] : memref<32768x128xf32, #tpu.memory_space<hbm>> -> memref<128x128xf32, #tpu.memory_space<hbm>>
      %dma_start3A_704 = arith.constant 0 : i32
      %dma_start3A_705 = arith.constant 0 : i32
      %dma_start3A_706 = tpu.memref_slice %arg8[%dma_start3A_695, %dma_start3A_704, %dma_start3A_705] : memref<7x128x128xf32, #tpu.memory_space<vmem>> -> memref<1x128x128xf32, #tpu.memory_space<vmem>>
      %dma_start3A_707 = tpu.memref_squeeze %dma_start3A_706 : memref<1x128x128xf32, #tpu.memory_space<vmem>> -> memref<128x128xf32, #tpu.memory_space<vmem>>
      tpu.enqueue_dma source(%dma_start3A_707 : memref<128x128xf32, #tpu.memory_space<vmem>>) target(%dma_start3A_703 : memref<128x128xf32, #tpu.memory_space<hbm>>) target_semaphore(%arg10 : memref<!tpu.dma_semaphore, #tpu.memory_space<semaphore_mem>>)
      %dma_wait3A_708 = arith.constant 0 : i32
      %dma_wait3A_709 = arith.constant 0 : i32
      %dma_wait3A_710 = arith.constant 0 : i32
      %dma_wait3A_711 = tpu.memref_slice %arg8[%dma_wait3A_708, %dma_wait3A_709, %dma_wait3A_710] : memref<7x128x128xf32, #tpu.memory_space<vmem>> -> memref<1x128x128xf32, #tpu.memory_space<vmem>>
      %dma_wait3A_712 = tpu.memref_squeeze %dma_wait3A_711 : memref<1x128x128xf32, #tpu.memory_space<vmem>> -> memref<128x128xf32, #tpu.memory_space<vmem>>
      %dma_wait3A_713 = arith.constant 1792 : i32
      %dma_wait3A_714 = tpu.memref_slice %arg7[%dma_wait3A_713] : memref<2048xi32, #tpu.memory_space<vmem>> -> memref<128xi32, #tpu.memory_space<vmem>>
      %dma_wait3A_715 = arith.constant 0 : i32
      %dma_wait3A_716 = arith.constant 0 : i32
      %dma_wait3A_717 = tpu.memref_slice %arg3[%dma_wait3A_715, %dma_wait3A_716] : memref<32768x128xf32, #tpu.memory_space<hbm>> -> memref<32768x128xf32, #tpu.memory_space<hbm>>
      tpu.wait_indirect_dma semaphore(%arg9 : memref<!tpu.dma_semaphore, #tpu.memory_space<semaphore_mem>>) src(%dma_wait3A_717 : memref<32768x128xf32, #tpu.memory_space<hbm>>) dst(%dma_wait3A_712 : memref<128x128xf32, #tpu.memory_space<vmem>>)
      %add3A_718 = arith.constant 1792 : i32
      %add3A_719 = arith.addi %mul3A_32, %add3A_718 : i32
      %dma_start3A_720 = arith.constant 0 : i32
      %dma_start3A_721 = arith.constant 0 : i32
      %dma_start3A_722 = arith.constant 0 : i32
      %dma_start3A_723 = tpu.memref_slice %arg8[%dma_start3A_720, %dma_start3A_721, %dma_start3A_722] : memref<7x128x128xf32, #tpu.memory_space<vmem>> -> memref<1x128x128xf32, #tpu.memory_space<vmem>>
      %dma_start3A_724 = tpu.memref_squeeze %dma_start3A_723 : memref<1x128x128xf32, #tpu.memory_space<vmem>> -> memref<128x128xf32, #tpu.memory_space<vmem>>
      %dma_start3A_725 = arith.constant 0 : i32
      %dma_start3A_726 = tpu.memref_slice %arg5[%add3A_719, %dma_start3A_725] : memref<32768x128xf32, #tpu.memory_space<hbm>> -> memref<128x128xf32, #tpu.memory_space<hbm>>
      %dma_start3A_727 = arith.constant 0 : i32
      %dma_start3A_728 = tpu.memref_slice %arg5[%add3A_719, %dma_start3A_727] : memref<32768x128xf32, #tpu.memory_space<hbm>> -> memref<128x128xf32, #tpu.memory_space<hbm>>
      %dma_start3A_729 = arith.constant 0 : i32
      %dma_start3A_730 = arith.constant 0 : i32
      %dma_start3A_731 = tpu.memref_slice %arg8[%dma_start3A_720, %dma_start3A_729, %dma_start3A_730] : memref<7x128x128xf32, #tpu.memory_space<vmem>> -> memref<1x128x128xf32, #tpu.memory_space<vmem>>
      %dma_start3A_732 = tpu.memref_squeeze %dma_start3A_731 : memref<1x128x128xf32, #tpu.memory_space<vmem>> -> memref<128x128xf32, #tpu.memory_space<vmem>>
      tpu.enqueue_dma source(%dma_start3A_732 : memref<128x128xf32, #tpu.memory_space<vmem>>) target(%dma_start3A_728 : memref<128x128xf32, #tpu.memory_space<hbm>>) target_semaphore(%arg10 : memref<!tpu.dma_semaphore, #tpu.memory_space<semaphore_mem>>)
      %dma_wait3A_733 = arith.constant 1 : i32
      %dma_wait3A_734 = arith.constant 0 : i32
      %dma_wait3A_735 = arith.constant 0 : i32
      %dma_wait3A_736 = tpu.memref_slice %arg8[%dma_wait3A_733, %dma_wait3A_734, %dma_wait3A_735] : memref<7x128x128xf32, #tpu.memory_space<vmem>> -> memref<1x128x128xf32, #tpu.memory_space<vmem>>
      %dma_wait3A_737 = tpu.memref_squeeze %dma_wait3A_736 : memref<1x128x128xf32, #tpu.memory_space<vmem>> -> memref<128x128xf32, #tpu.memory_space<vmem>>
      %dma_wait3A_738 = arith.constant 1920 : i32
      %dma_wait3A_739 = tpu.memref_slice %arg7[%dma_wait3A_738] : memref<2048xi32, #tpu.memory_space<vmem>> -> memref<128xi32, #tpu.memory_space<vmem>>
      %dma_wait3A_740 = arith.constant 0 : i32
      %dma_wait3A_741 = arith.constant 0 : i32
      %dma_wait3A_742 = tpu.memref_slice %arg3[%dma_wait3A_740, %dma_wait3A_741] : memref<32768x128xf32, #tpu.memory_space<hbm>> -> memref<32768x128xf32, #tpu.memory_space<hbm>>
      tpu.wait_indirect_dma semaphore(%arg9 : memref<!tpu.dma_semaphore, #tpu.memory_space<semaphore_mem>>) src(%dma_wait3A_742 : memref<32768x128xf32, #tpu.memory_space<hbm>>) dst(%dma_wait3A_737 : memref<128x128xf32, #tpu.memory_space<vmem>>)
      %add3A_743 = arith.constant 1920 : i32
      %add3A_744 = arith.addi %mul3A_32, %add3A_743 : i32
      %dma_start3A_745 = arith.constant 1 : i32
      %dma_start3A_746 = arith.constant 0 : i32
      %dma_start3A_747 = arith.constant 0 : i32
      %dma_start3A_748 = tpu.memref_slice %arg8[%dma_start3A_745, %dma_start3A_746, %dma_start3A_747] : memref<7x128x128xf32, #tpu.memory_space<vmem>> -> memref<1x128x128xf32, #tpu.memory_space<vmem>>
      %dma_start3A_749 = tpu.memref_squeeze %dma_start3A_748 : memref<1x128x128xf32, #tpu.memory_space<vmem>> -> memref<128x128xf32, #tpu.memory_space<vmem>>
      %dma_start3A_750 = arith.constant 0 : i32
      %dma_start3A_751 = tpu.memref_slice %arg5[%add3A_744, %dma_start3A_750] : memref<32768x128xf32, #tpu.memory_space<hbm>> -> memref<128x128xf32, #tpu.memory_space<hbm>>
      %dma_start3A_752 = arith.constant 0 : i32
      %dma_start3A_753 = tpu.memref_slice %arg5[%add3A_744, %dma_start3A_752] : memref<32768x128xf32, #tpu.memory_space<hbm>> -> memref<128x128xf32, #tpu.memory_space<hbm>>
      %dma_start3A_754 = arith.constant 0 : i32
      %dma_start3A_755 = arith.constant 0 : i32
      %dma_start3A_756 = tpu.memref_slice %arg8[%dma_start3A_745, %dma_start3A_754, %dma_start3A_755] : memref<7x128x128xf32, #tpu.memory_space<vmem>> -> memref<1x128x128xf32, #tpu.memory_space<vmem>>
      %dma_start3A_757 = tpu.memref_squeeze %dma_start3A_756 : memref<1x128x128xf32, #tpu.memory_space<vmem>> -> memref<128x128xf32, #tpu.memory_space<vmem>>
      tpu.enqueue_dma source(%dma_start3A_757 : memref<128x128xf32, #tpu.memory_space<vmem>>) target(%dma_start3A_753 : memref<128x128xf32, #tpu.memory_space<hbm>>) target_semaphore(%arg10 : memref<!tpu.dma_semaphore, #tpu.memory_space<semaphore_mem>>)
      %dma_wait3A_758 = arith.constant 2 : i32
      %dma_wait3A_759 = arith.constant 0 : i32
      %dma_wait3A_760 = arith.constant 0 : i32
      %dma_wait3A_761 = tpu.memref_slice %arg8[%dma_wait3A_758, %dma_wait3A_759, %dma_wait3A_760] : memref<7x128x128xf32, #tpu.memory_space<vmem>> -> memref<1x128x128xf32, #tpu.memory_space<vmem>>
      %dma_wait3A_762 = tpu.memref_squeeze %dma_wait3A_761 : memref<1x128x128xf32, #tpu.memory_space<vmem>> -> memref<128x128xf32, #tpu.memory_space<vmem>>
      %dma_wait3A_763 = arith.constant 0 : i32
      %dma_wait3A_764 = tpu.memref_slice %arg5[%add3A_571, %dma_wait3A_763] : memref<32768x128xf32, #tpu.memory_space<hbm>> -> memref<128x128xf32, #tpu.memory_space<hbm>>
      %dma_wait3A_765 = arith.constant 0 : i32
      %dma_wait3A_766 = tpu.memref_slice %arg5[%add3A_571, %dma_wait3A_765] : memref<32768x128xf32, #tpu.memory_space<hbm>> -> memref<128x128xf32, #tpu.memory_space<hbm>>
      %dma_wait3A_767 = arith.constant 0 : i32
      %dma_wait3A_768 = arith.constant 0 : i32
      %dma_wait3A_769 = tpu.memref_slice %arg8[%dma_wait3A_758, %dma_wait3A_767, %dma_wait3A_768] : memref<7x128x128xf32, #tpu.memory_space<vmem>> -> memref<1x128x128xf32, #tpu.memory_space<vmem>>
      %dma_wait3A_770 = tpu.memref_squeeze %dma_wait3A_769 : memref<1x128x128xf32, #tpu.memory_space<vmem>> -> memref<128x128xf32, #tpu.memory_space<vmem>>
      tpu.wait_dma2 semaphore(%arg10 : memref<!tpu.dma_semaphore, #tpu.memory_space<semaphore_mem>>) src(%dma_wait3A_770 : memref<128x128xf32, #tpu.memory_space<vmem>>) dst(%dma_wait3A_766 : memref<128x128xf32, #tpu.memory_space<hbm>>)
      %dma_wait3A_771 = arith.constant 3 : i32
      %dma_wait3A_772 = arith.constant 0 : i32
      %dma_wait3A_773 = arith.constant 0 : i32
      %dma_wait3A_774 = tpu.memref_slice %arg8[%dma_wait3A_771, %dma_wait3A_772, %dma_wait3A_773] : memref<7x128x128xf32, #tpu.memory_space<vmem>> -> memref<1x128x128xf32, #tpu.memory_space<vmem>>
      %dma_wait3A_775 = tpu.memref_squeeze %dma_wait3A_774 : memref<1x128x128xf32, #tpu.memory_space<vmem>> -> memref<128x128xf32, #tpu.memory_space<vmem>>
      %dma_wait3A_776 = arith.constant 0 : i32
      %dma_wait3A_777 = tpu.memref_slice %arg5[%add3A_619, %dma_wait3A_776] : memref<32768x128xf32, #tpu.memory_space<hbm>> -> memref<128x128xf32, #tpu.memory_space<hbm>>
      %dma_wait3A_778 = arith.constant 0 : i32
      %dma_wait3A_779 = tpu.memref_slice %arg5[%add3A_619, %dma_wait3A_778] : memref<32768x128xf32, #tpu.memory_space<hbm>> -> memref<128x128xf32, #tpu.memory_space<hbm>>
      %dma_wait3A_780 = arith.constant 0 : i32
      %dma_wait3A_781 = arith.constant 0 : i32
      %dma_wait3A_782 = tpu.memref_slice %arg8[%dma_wait3A_771, %dma_wait3A_780, %dma_wait3A_781] : memref<7x128x128xf32, #tpu.memory_space<vmem>> -> memref<1x128x128xf32, #tpu.memory_space<vmem>>
      %dma_wait3A_783 = tpu.memref_squeeze %dma_wait3A_782 : memref<1x128x128xf32, #tpu.memory_space<vmem>> -> memref<128x128xf32, #tpu.memory_space<vmem>>
      tpu.wait_dma2 semaphore(%arg10 : memref<!tpu.dma_semaphore, #tpu.memory_space<semaphore_mem>>) src(%dma_wait3A_783 : memref<128x128xf32, #tpu.memory_space<vmem>>) dst(%dma_wait3A_779 : memref<128x128xf32, #tpu.memory_space<hbm>>)
      %dma_wait3A_784 = arith.constant 4 : i32
      %dma_wait3A_785 = arith.constant 0 : i32
      %dma_wait3A_786 = arith.constant 0 : i32
      %dma_wait3A_787 = tpu.memref_slice %arg8[%dma_wait3A_784, %dma_wait3A_785, %dma_wait3A_786] : memref<7x128x128xf32, #tpu.memory_space<vmem>> -> memref<1x128x128xf32, #tpu.memory_space<vmem>>
      %dma_wait3A_788 = tpu.memref_squeeze %dma_wait3A_787 : memref<1x128x128xf32, #tpu.memory_space<vmem>> -> memref<128x128xf32, #tpu.memory_space<vmem>>
      %dma_wait3A_789 = arith.constant 0 : i32
      %dma_wait3A_790 = tpu.memref_slice %arg5[%add3A_644, %dma_wait3A_789] : memref<32768x128xf32, #tpu.memory_space<hbm>> -> memref<128x128xf32, #tpu.memory_space<hbm>>
      %dma_wait3A_791 = arith.constant 0 : i32
      %dma_wait3A_792 = tpu.memref_slice %arg5[%add3A_644, %dma_wait3A_791] : memref<32768x128xf32, #tpu.memory_space<hbm>> -> memref<128x128xf32, #tpu.memory_space<hbm>>
      %dma_wait3A_793 = arith.constant 0 : i32
      %dma_wait3A_794 = arith.constant 0 : i32
      %dma_wait3A_795 = tpu.memref_slice %arg8[%dma_wait3A_784, %dma_wait3A_793, %dma_wait3A_794] : memref<7x128x128xf32, #tpu.memory_space<vmem>> -> memref<1x128x128xf32, #tpu.memory_space<vmem>>
      %dma_wait3A_796 = tpu.memref_squeeze %dma_wait3A_795 : memref<1x128x128xf32, #tpu.memory_space<vmem>> -> memref<128x128xf32, #tpu.memory_space<vmem>>
      tpu.wait_dma2 semaphore(%arg10 : memref<!tpu.dma_semaphore, #tpu.memory_space<semaphore_mem>>) src(%dma_wait3A_796 : memref<128x128xf32, #tpu.memory_space<vmem>>) dst(%dma_wait3A_792 : memref<128x128xf32, #tpu.memory_space<hbm>>)
      %dma_wait3A_797 = arith.constant 5 : i32
      %dma_wait3A_798 = arith.constant 0 : i32
      %dma_wait3A_799 = arith.constant 0 : i32
      %dma_wait3A_800 = tpu.memref_slice %arg8[%dma_wait3A_797, %dma_wait3A_798, %dma_wait3A_799] : memref<7x128x128xf32, #tpu.memory_space<vmem>> -> memref<1x128x128xf32, #tpu.memory_space<vmem>>
      %dma_wait3A_801 = tpu.memref_squeeze %dma_wait3A_800 : memref<1x128x128xf32, #tpu.memory_space<vmem>> -> memref<128x128xf32, #tpu.memory_space<vmem>>
      %dma_wait3A_802 = arith.constant 0 : i32
      %dma_wait3A_803 = tpu.memref_slice %arg5[%add3A_669, %dma_wait3A_802] : memref<32768x128xf32, #tpu.memory_space<hbm>> -> memref<128x128xf32, #tpu.memory_space<hbm>>
      %dma_wait3A_804 = arith.constant 0 : i32
      %dma_wait3A_805 = tpu.memref_slice %arg5[%add3A_669, %dma_wait3A_804] : memref<32768x128xf32, #tpu.memory_space<hbm>> -> memref<128x128xf32, #tpu.memory_space<hbm>>
      %dma_wait3A_806 = arith.constant 0 : i32
      %dma_wait3A_807 = arith.constant 0 : i32
      %dma_wait3A_808 = tpu.memref_slice %arg8[%dma_wait3A_797, %dma_wait3A_806, %dma_wait3A_807] : memref<7x128x128xf32, #tpu.memory_space<vmem>> -> memref<1x128x128xf32, #tpu.memory_space<vmem>>
      %dma_wait3A_809 = tpu.memref_squeeze %dma_wait3A_808 : memref<1x128x128xf32, #tpu.memory_space<vmem>> -> memref<128x128xf32, #tpu.memory_space<vmem>>
      tpu.wait_dma2 semaphore(%arg10 : memref<!tpu.dma_semaphore, #tpu.memory_space<semaphore_mem>>) src(%dma_wait3A_809 : memref<128x128xf32, #tpu.memory_space<vmem>>) dst(%dma_wait3A_805 : memref<128x128xf32, #tpu.memory_space<hbm>>)
      %dma_wait3A_810 = arith.constant 6 : i32
      %dma_wait3A_811 = arith.constant 0 : i32
      %dma_wait3A_812 = arith.constant 0 : i32
      %dma_wait3A_813 = tpu.memref_slice %arg8[%dma_wait3A_810, %dma_wait3A_811, %dma_wait3A_812] : memref<7x128x128xf32, #tpu.memory_space<vmem>> -> memref<1x128x128xf32, #tpu.memory_space<vmem>>
      %dma_wait3A_814 = tpu.memref_squeeze %dma_wait3A_813 : memref<1x128x128xf32, #tpu.memory_space<vmem>> -> memref<128x128xf32, #tpu.memory_space<vmem>>
      %dma_wait3A_815 = arith.constant 0 : i32
      %dma_wait3A_816 = tpu.memref_slice %arg5[%add3A_694, %dma_wait3A_815] : memref<32768x128xf32, #tpu.memory_space<hbm>> -> memref<128x128xf32, #tpu.memory_space<hbm>>
      %dma_wait3A_817 = arith.constant 0 : i32
      %dma_wait3A_818 = tpu.memref_slice %arg5[%add3A_694, %dma_wait3A_817] : memref<32768x128xf32, #tpu.memory_space<hbm>> -> memref<128x128xf32, #tpu.memory_space<hbm>>
      %dma_wait3A_819 = arith.constant 0 : i32
      %dma_wait3A_820 = arith.constant 0 : i32
      %dma_wait3A_821 = tpu.memref_slice %arg8[%dma_wait3A_810, %dma_wait3A_819, %dma_wait3A_820] : memref<7x128x128xf32, #tpu.memory_space<vmem>> -> memref<1x128x128xf32, #tpu.memory_space<vmem>>
      %dma_wait3A_822 = tpu.memref_squeeze %dma_wait3A_821 : memref<1x128x128xf32, #tpu.memory_space<vmem>> -> memref<128x128xf32, #tpu.memory_space<vmem>>
      tpu.wait_dma2 semaphore(%arg10 : memref<!tpu.dma_semaphore, #tpu.memory_space<semaphore_mem>>) src(%dma_wait3A_822 : memref<128x128xf32, #tpu.memory_space<vmem>>) dst(%dma_wait3A_818 : memref<128x128xf32, #tpu.memory_space<hbm>>)
      %dma_wait3A_823 = arith.constant 0 : i32
      %dma_wait3A_824 = arith.constant 0 : i32
      %dma_wait3A_825 = arith.constant 0 : i32
      %dma_wait3A_826 = tpu.memref_slice %arg8[%dma_wait3A_823, %dma_wait3A_824, %dma_wait3A_825] : memref<7x128x128xf32, #tpu.memory_space<vmem>> -> memref<1x128x128xf32, #tpu.memory_space<vmem>>
      %dma_wait3A_827 = tpu.memref_squeeze %dma_wait3A_826 : memref<1x128x128xf32, #tpu.memory_space<vmem>> -> memref<128x128xf32, #tpu.memory_space<vmem>>
      %dma_wait3A_828 = arith.constant 0 : i32
      %dma_wait3A_829 = tpu.memref_slice %arg5[%add3A_719, %dma_wait3A_828] : memref<32768x128xf32, #tpu.memory_space<hbm>> -> memref<128x128xf32, #tpu.memory_space<hbm>>
      %dma_wait3A_830 = arith.constant 0 : i32
      %dma_wait3A_831 = tpu.memref_slice %arg5[%add3A_719, %dma_wait3A_830] : memref<32768x128xf32, #tpu.memory_space<hbm>> -> memref<128x128xf32, #tpu.memory_space<hbm>>
      %dma_wait3A_832 = arith.constant 0 : i32
      %dma_wait3A_833 = arith.constant 0 : i32
      %dma_wait3A_834 = tpu.memref_slice %arg8[%dma_wait3A_823, %dma_wait3A_832, %dma_wait3A_833] : memref<7x128x128xf32, #tpu.memory_space<vmem>> -> memref<1x128x128xf32, #tpu.memory_space<vmem>>
      %dma_wait3A_835 = tpu.memref_squeeze %dma_wait3A_834 : memref<1x128x128xf32, #tpu.memory_space<vmem>> -> memref<128x128xf32, #tpu.memory_space<vmem>>
      tpu.wait_dma2 semaphore(%arg10 : memref<!tpu.dma_semaphore, #tpu.memory_space<semaphore_mem>>) src(%dma_wait3A_835 : memref<128x128xf32, #tpu.memory_space<vmem>>) dst(%dma_wait3A_831 : memref<128x128xf32, #tpu.memory_space<hbm>>)
      %dma_wait3A_836 = arith.constant 1 : i32
      %dma_wait3A_837 = arith.constant 0 : i32
      %dma_wait3A_838 = arith.constant 0 : i32
      %dma_wait3A_839 = tpu.memref_slice %arg8[%dma_wait3A_836, %dma_wait3A_837, %dma_wait3A_838] : memref<7x128x128xf32, #tpu.memory_space<vmem>> -> memref<1x128x128xf32, #tpu.memory_space<vmem>>
      %dma_wait3A_840 = tpu.memref_squeeze %dma_wait3A_839 : memref<1x128x128xf32, #tpu.memory_space<vmem>> -> memref<128x128xf32, #tpu.memory_space<vmem>>
      %dma_wait3A_841 = arith.constant 0 : i32
      %dma_wait3A_842 = tpu.memref_slice %arg5[%add3A_744, %dma_wait3A_841] : memref<32768x128xf32, #tpu.memory_space<hbm>> -> memref<128x128xf32, #tpu.memory_space<hbm>>
      %dma_wait3A_843 = arith.constant 0 : i32
      %dma_wait3A_844 = tpu.memref_slice %arg5[%add3A_744, %dma_wait3A_843] : memref<32768x128xf32, #tpu.memory_space<hbm>> -> memref<128x128xf32, #tpu.memory_space<hbm>>
      %dma_wait3A_845 = arith.constant 0 : i32
      %dma_wait3A_846 = arith.constant 0 : i32
      %dma_wait3A_847 = tpu.memref_slice %arg8[%dma_wait3A_836, %dma_wait3A_845, %dma_wait3A_846] : memref<7x128x128xf32, #tpu.memory_space<vmem>> -> memref<1x128x128xf32, #tpu.memory_space<vmem>>
      %dma_wait3A_848 = tpu.memref_squeeze %dma_wait3A_847 : memref<1x128x128xf32, #tpu.memory_space<vmem>> -> memref<128x128xf32, #tpu.memory_space<vmem>>
      tpu.wait_dma2 semaphore(%arg10 : memref<!tpu.dma_semaphore, #tpu.memory_space<semaphore_mem>>) src(%dma_wait3A_848 : memref<128x128xf32, #tpu.memory_space<vmem>>) dst(%dma_wait3A_844 : memref<128x128xf32, #tpu.memory_space<hbm>>)
    } else {
    }
    %eq3A_78 = arith.constant 1 : i32
    %eq3A_79 = arith.cmpi eq, %select_n3A_30, %eq3A_78 : i32
    %convert_element_type3A_80 = arith.extui %eq3A_79 : i1 to i32
    %cond3A_81 = arith.constant 0 : i32
    %cond3A_82 = arith.cmpi ne, %convert_element_type3A_80, %cond3A_81 : i32
    scf.if %cond3A_82 {
      %dma_start3A = arith.constant 0 : i32
      %dma_start3A_83 = arith.constant 0 : i32
      %dma_start3A_84 = arith.constant 0 : i32
      %dma_start3A_85 = tpu.memref_slice %arg8[%dma_start3A, %dma_start3A_83, %dma_start3A_84] : memref<7x128x128xf32, #tpu.memory_space<vmem>> -> memref<1x128x128xf32, #tpu.memory_space<vmem>>
      %dma_start3A_86 = tpu.memref_squeeze %dma_start3A_85 : memref<1x128x128xf32, #tpu.memory_space<vmem>> -> memref<128x128xf32, #tpu.memory_space<vmem>>
      %dma_start3A_87 = arith.constant 0 : i32
      %dma_start3A_88 = tpu.memref_slice %arg7[%dma_start3A_87] : memref<2048xi32, #tpu.memory_space<vmem>> -> memref<128xi32, #tpu.memory_space<vmem>>
      %dma_start3A_89 = arith.constant 0 : i32
      %dma_start3A_90 = arith.constant 0 : i32
      %dma_start3A_91 = tpu.memref_slice %arg4[%dma_start3A_89, %dma_start3A_90] : memref<32768x128xf32, #tpu.memory_space<hbm>> -> memref<32768x128xf32, #tpu.memory_space<hbm>>
      tpu.enqueue_indirect_dma source(%dma_start3A_91 : memref<32768x128xf32, #tpu.memory_space<hbm>>) target(%dma_start3A_86 : memref<128x128xf32, #tpu.memory_space<vmem>>) offsets(%dma_start3A_88 : memref<128xi32, #tpu.memory_space<vmem>>) semaphore(%arg9 : memref<!tpu.dma_semaphore, #tpu.memory_space<semaphore_mem>>)
      %dma_start3A_92 = arith.constant 1 : i32
      %dma_start3A_93 = arith.constant 0 : i32
      %dma_start3A_94 = arith.constant 0 : i32
      %dma_start3A_95 = tpu.memref_slice %arg8[%dma_start3A_92, %dma_start3A_93, %dma_start3A_94] : memref<7x128x128xf32, #tpu.memory_space<vmem>> -> memref<1x128x128xf32, #tpu.memory_space<vmem>>
      %dma_start3A_96 = tpu.memref_squeeze %dma_start3A_95 : memref<1x128x128xf32, #tpu.memory_space<vmem>> -> memref<128x128xf32, #tpu.memory_space<vmem>>
      %dma_start3A_97 = arith.constant 128 : i32
      %dma_start3A_98 = tpu.memref_slice %arg7[%dma_start3A_97] : memref<2048xi32, #tpu.memory_space<vmem>> -> memref<128xi32, #tpu.memory_space<vmem>>
      %dma_start3A_99 = arith.constant 0 : i32
      %dma_start3A_100 = arith.constant 0 : i32
      %dma_start3A_101 = tpu.memref_slice %arg4[%dma_start3A_99, %dma_start3A_100] : memref<32768x128xf32, #tpu.memory_space<hbm>> -> memref<32768x128xf32, #tpu.memory_space<hbm>>
      tpu.enqueue_indirect_dma source(%dma_start3A_101 : memref<32768x128xf32, #tpu.memory_space<hbm>>) target(%dma_start3A_96 : memref<128x128xf32, #tpu.memory_space<vmem>>) offsets(%dma_start3A_98 : memref<128xi32, #tpu.memory_space<vmem>>) semaphore(%arg9 : memref<!tpu.dma_semaphore, #tpu.memory_space<semaphore_mem>>)
      %dma_start3A_102 = arith.constant 2 : i32
      %dma_start3A_103 = arith.constant 0 : i32
      %dma_start3A_104 = arith.constant 0 : i32
      %dma_start3A_105 = tpu.memref_slice %arg8[%dma_start3A_102, %dma_start3A_103, %dma_start3A_104] : memref<7x128x128xf32, #tpu.memory_space<vmem>> -> memref<1x128x128xf32, #tpu.memory_space<vmem>>
      %dma_start3A_106 = tpu.memref_squeeze %dma_start3A_105 : memref<1x128x128xf32, #tpu.memory_space<vmem>> -> memref<128x128xf32, #tpu.memory_space<vmem>>
      %dma_start3A_107 = arith.constant 256 : i32
      %dma_start3A_108 = tpu.memref_slice %arg7[%dma_start3A_107] : memref<2048xi32, #tpu.memory_space<vmem>> -> memref<128xi32, #tpu.memory_space<vmem>>
      %dma_start3A_109 = arith.constant 0 : i32
      %dma_start3A_110 = arith.constant 0 : i32
      %dma_start3A_111 = tpu.memref_slice %arg4[%dma_start3A_109, %dma_start3A_110] : memref<32768x128xf32, #tpu.memory_space<hbm>> -> memref<32768x128xf32, #tpu.memory_space<hbm>>
      tpu.enqueue_indirect_dma source(%dma_start3A_111 : memref<32768x128xf32, #tpu.memory_space<hbm>>) target(%dma_start3A_106 : memref<128x128xf32, #tpu.memory_space<vmem>>) offsets(%dma_start3A_108 : memref<128xi32, #tpu.memory_space<vmem>>) semaphore(%arg9 : memref<!tpu.dma_semaphore, #tpu.memory_space<semaphore_mem>>)
      %dma_start3A_112 = arith.constant 3 : i32
      %dma_start3A_113 = arith.constant 0 : i32
      %dma_start3A_114 = arith.constant 0 : i32
      %dma_start3A_115 = tpu.memref_slice %arg8[%dma_start3A_112, %dma_start3A_113, %dma_start3A_114] : memref<7x128x128xf32, #tpu.memory_space<vmem>> -> memref<1x128x128xf32, #tpu.memory_space<vmem>>
      %dma_start3A_116 = tpu.memref_squeeze %dma_start3A_115 : memref<1x128x128xf32, #tpu.memory_space<vmem>> -> memref<128x128xf32, #tpu.memory_space<vmem>>
      %dma_start3A_117 = arith.constant 384 : i32
      %dma_start3A_118 = tpu.memref_slice %arg7[%dma_start3A_117] : memref<2048xi32, #tpu.memory_space<vmem>> -> memref<128xi32, #tpu.memory_space<vmem>>
      %dma_start3A_119 = arith.constant 0 : i32
      %dma_start3A_120 = arith.constant 0 : i32
      %dma_start3A_121 = tpu.memref_slice %arg4[%dma_start3A_119, %dma_start3A_120] : memref<32768x128xf32, #tpu.memory_space<hbm>> -> memref<32768x128xf32, #tpu.memory_space<hbm>>
      tpu.enqueue_indirect_dma source(%dma_start3A_121 : memref<32768x128xf32, #tpu.memory_space<hbm>>) target(%dma_start3A_116 : memref<128x128xf32, #tpu.memory_space<vmem>>) offsets(%dma_start3A_118 : memref<128xi32, #tpu.memory_space<vmem>>) semaphore(%arg9 : memref<!tpu.dma_semaphore, #tpu.memory_space<semaphore_mem>>)
      %dma_start3A_122 = arith.constant 4 : i32
      %dma_start3A_123 = arith.constant 0 : i32
      %dma_start3A_124 = arith.constant 0 : i32
      %dma_start3A_125 = tpu.memref_slice %arg8[%dma_start3A_122, %dma_start3A_123, %dma_start3A_124] : memref<7x128x128xf32, #tpu.memory_space<vmem>> -> memref<1x128x128xf32, #tpu.memory_space<vmem>>
      %dma_start3A_126 = tpu.memref_squeeze %dma_start3A_125 : memref<1x128x128xf32, #tpu.memory_space<vmem>> -> memref<128x128xf32, #tpu.memory_space<vmem>>
      %dma_start3A_127 = arith.constant 512 : i32
      %dma_start3A_128 = tpu.memref_slice %arg7[%dma_start3A_127] : memref<2048xi32, #tpu.memory_space<vmem>> -> memref<128xi32, #tpu.memory_space<vmem>>
      %dma_start3A_129 = arith.constant 0 : i32
      %dma_start3A_130 = arith.constant 0 : i32
      %dma_start3A_131 = tpu.memref_slice %arg4[%dma_start3A_129, %dma_start3A_130] : memref<32768x128xf32, #tpu.memory_space<hbm>> -> memref<32768x128xf32, #tpu.memory_space<hbm>>
      tpu.enqueue_indirect_dma source(%dma_start3A_131 : memref<32768x128xf32, #tpu.memory_space<hbm>>) target(%dma_start3A_126 : memref<128x128xf32, #tpu.memory_space<vmem>>) offsets(%dma_start3A_128 : memref<128xi32, #tpu.memory_space<vmem>>) semaphore(%arg9 : memref<!tpu.dma_semaphore, #tpu.memory_space<semaphore_mem>>)
      %dma_start3A_132 = arith.constant 5 : i32
      %dma_start3A_133 = arith.constant 0 : i32
      %dma_start3A_134 = arith.constant 0 : i32
      %dma_start3A_135 = tpu.memref_slice %arg8[%dma_start3A_132, %dma_start3A_133, %dma_start3A_134] : memref<7x128x128xf32, #tpu.memory_space<vmem>> -> memref<1x128x128xf32, #tpu.memory_space<vmem>>
      %dma_start3A_136 = tpu.memref_squeeze %dma_start3A_135 : memref<1x128x128xf32, #tpu.memory_space<vmem>> -> memref<128x128xf32, #tpu.memory_space<vmem>>
      %dma_start3A_137 = arith.constant 640 : i32
      %dma_start3A_138 = tpu.memref_slice %arg7[%dma_start3A_137] : memref<2048xi32, #tpu.memory_space<vmem>> -> memref<128xi32, #tpu.memory_space<vmem>>
      %dma_start3A_139 = arith.constant 0 : i32
      %dma_start3A_140 = arith.constant 0 : i32
      %dma_start3A_141 = tpu.memref_slice %arg4[%dma_start3A_139, %dma_start3A_140] : memref<32768x128xf32, #tpu.memory_space<hbm>> -> memref<32768x128xf32, #tpu.memory_space<hbm>>
      tpu.enqueue_indirect_dma source(%dma_start3A_141 : memref<32768x128xf32, #tpu.memory_space<hbm>>) target(%dma_start3A_136 : memref<128x128xf32, #tpu.memory_space<vmem>>) offsets(%dma_start3A_138 : memref<128xi32, #tpu.memory_space<vmem>>) semaphore(%arg9 : memref<!tpu.dma_semaphore, #tpu.memory_space<semaphore_mem>>)
      %dma_wait3A = arith.constant 0 : i32
      %dma_wait3A_142 = arith.constant 0 : i32
      %dma_wait3A_143 = arith.constant 0 : i32
      %dma_wait3A_144 = tpu.memref_slice %arg8[%dma_wait3A, %dma_wait3A_142, %dma_wait3A_143] : memref<7x128x128xf32, #tpu.memory_space<vmem>> -> memref<1x128x128xf32, #tpu.memory_space<vmem>>
      %dma_wait3A_145 = tpu.memref_squeeze %dma_wait3A_144 : memref<1x128x128xf32, #tpu.memory_space<vmem>> -> memref<128x128xf32, #tpu.memory_space<vmem>>
      %dma_wait3A_146 = arith.constant 0 : i32
      %dma_wait3A_147 = tpu.memref_slice %arg7[%dma_wait3A_146] : memref<2048xi32, #tpu.memory_space<vmem>> -> memref<128xi32, #tpu.memory_space<vmem>>
      %dma_wait3A_148 = arith.constant 0 : i32
      %dma_wait3A_149 = arith.constant 0 : i32
      %dma_wait3A_150 = tpu.memref_slice %arg4[%dma_wait3A_148, %dma_wait3A_149] : memref<32768x128xf32, #tpu.memory_space<hbm>> -> memref<32768x128xf32, #tpu.memory_space<hbm>>
      tpu.wait_indirect_dma semaphore(%arg9 : memref<!tpu.dma_semaphore, #tpu.memory_space<semaphore_mem>>) src(%dma_wait3A_150 : memref<32768x128xf32, #tpu.memory_space<hbm>>) dst(%dma_wait3A_145 : memref<128x128xf32, #tpu.memory_space<vmem>>)
      %add3A_151 = arith.constant 0 : i32
      %add3A_152 = arith.addi %mul3A_32, %add3A_151 : i32
      %dma_start3A_153 = arith.constant 0 : i32
      %dma_start3A_154 = arith.constant 0 : i32
      %dma_start3A_155 = arith.constant 0 : i32
      %dma_start3A_156 = tpu.memref_slice %arg8[%dma_start3A_153, %dma_start3A_154, %dma_start3A_155] : memref<7x128x128xf32, #tpu.memory_space<vmem>> -> memref<1x128x128xf32, #tpu.memory_space<vmem>>
      %dma_start3A_157 = tpu.memref_squeeze %dma_start3A_156 : memref<1x128x128xf32, #tpu.memory_space<vmem>> -> memref<128x128xf32, #tpu.memory_space<vmem>>
      %dma_start3A_158 = arith.constant 0 : i32
      %dma_start3A_159 = tpu.memref_slice %arg6[%add3A_152, %dma_start3A_158] : memref<32768x128xf32, #tpu.memory_space<hbm>> -> memref<128x128xf32, #tpu.memory_space<hbm>>
      %dma_start3A_160 = arith.constant 0 : i32
      %dma_start3A_161 = tpu.memref_slice %arg6[%add3A_152, %dma_start3A_160] : memref<32768x128xf32, #tpu.memory_space<hbm>> -> memref<128x128xf32, #tpu.memory_space<hbm>>
      %dma_start3A_162 = arith.constant 0 : i32
      %dma_start3A_163 = arith.constant 0 : i32
      %dma_start3A_164 = tpu.memref_slice %arg8[%dma_start3A_153, %dma_start3A_162, %dma_start3A_163] : memref<7x128x128xf32, #tpu.memory_space<vmem>> -> memref<1x128x128xf32, #tpu.memory_space<vmem>>
      %dma_start3A_165 = tpu.memref_squeeze %dma_start3A_164 : memref<1x128x128xf32, #tpu.memory_space<vmem>> -> memref<128x128xf32, #tpu.memory_space<vmem>>
      tpu.enqueue_dma source(%dma_start3A_165 : memref<128x128xf32, #tpu.memory_space<vmem>>) target(%dma_start3A_161 : memref<128x128xf32, #tpu.memory_space<hbm>>) target_semaphore(%arg10 : memref<!tpu.dma_semaphore, #tpu.memory_space<semaphore_mem>>)
      %dma_start3A_166 = arith.constant 6 : i32
      %dma_start3A_167 = arith.constant 0 : i32
      %dma_start3A_168 = arith.constant 0 : i32
      %dma_start3A_169 = tpu.memref_slice %arg8[%dma_start3A_166, %dma_start3A_167, %dma_start3A_168] : memref<7x128x128xf32, #tpu.memory_space<vmem>> -> memref<1x128x128xf32, #tpu.memory_space<vmem>>
      %dma_start3A_170 = tpu.memref_squeeze %dma_start3A_169 : memref<1x128x128xf32, #tpu.memory_space<vmem>> -> memref<128x128xf32, #tpu.memory_space<vmem>>
      %dma_start3A_171 = arith.constant 768 : i32
      %dma_start3A_172 = tpu.memref_slice %arg7[%dma_start3A_171] : memref<2048xi32, #tpu.memory_space<vmem>> -> memref<128xi32, #tpu.memory_space<vmem>>
      %dma_start3A_173 = arith.constant 0 : i32
      %dma_start3A_174 = arith.constant 0 : i32
      %dma_start3A_175 = tpu.memref_slice %arg4[%dma_start3A_173, %dma_start3A_174] : memref<32768x128xf32, #tpu.memory_space<hbm>> -> memref<32768x128xf32, #tpu.memory_space<hbm>>
      tpu.enqueue_indirect_dma source(%dma_start3A_175 : memref<32768x128xf32, #tpu.memory_space<hbm>>) target(%dma_start3A_170 : memref<128x128xf32, #tpu.memory_space<vmem>>) offsets(%dma_start3A_172 : memref<128xi32, #tpu.memory_space<vmem>>) semaphore(%arg9 : memref<!tpu.dma_semaphore, #tpu.memory_space<semaphore_mem>>)
      %dma_wait3A_176 = arith.constant 1 : i32
      %dma_wait3A_177 = arith.constant 0 : i32
      %dma_wait3A_178 = arith.constant 0 : i32
      %dma_wait3A_179 = tpu.memref_slice %arg8[%dma_wait3A_176, %dma_wait3A_177, %dma_wait3A_178] : memref<7x128x128xf32, #tpu.memory_space<vmem>> -> memref<1x128x128xf32, #tpu.memory_space<vmem>>
      %dma_wait3A_180 = tpu.memref_squeeze %dma_wait3A_179 : memref<1x128x128xf32, #tpu.memory_space<vmem>> -> memref<128x128xf32, #tpu.memory_space<vmem>>
      %dma_wait3A_181 = arith.constant 128 : i32
      %dma_wait3A_182 = tpu.memref_slice %arg7[%dma_wait3A_181] : memref<2048xi32, #tpu.memory_space<vmem>> -> memref<128xi32, #tpu.memory_space<vmem>>
      %dma_wait3A_183 = arith.constant 0 : i32
      %dma_wait3A_184 = arith.constant 0 : i32
      %dma_wait3A_185 = tpu.memref_slice %arg4[%dma_wait3A_183, %dma_wait3A_184] : memref<32768x128xf32, #tpu.memory_space<hbm>> -> memref<32768x128xf32, #tpu.memory_space<hbm>>
      tpu.wait_indirect_dma semaphore(%arg9 : memref<!tpu.dma_semaphore, #tpu.memory_space<semaphore_mem>>) src(%dma_wait3A_185 : memref<32768x128xf32, #tpu.memory_space<hbm>>) dst(%dma_wait3A_180 : memref<128x128xf32, #tpu.memory_space<vmem>>)
      %add3A_186 = arith.constant 128 : i32
      %add3A_187 = arith.addi %mul3A_32, %add3A_186 : i32
      %dma_start3A_188 = arith.constant 1 : i32
      %dma_start3A_189 = arith.constant 0 : i32
      %dma_start3A_190 = arith.constant 0 : i32
      %dma_start3A_191 = tpu.memref_slice %arg8[%dma_start3A_188, %dma_start3A_189, %dma_start3A_190] : memref<7x128x128xf32, #tpu.memory_space<vmem>> -> memref<1x128x128xf32, #tpu.memory_space<vmem>>
      %dma_start3A_192 = tpu.memref_squeeze %dma_start3A_191 : memref<1x128x128xf32, #tpu.memory_space<vmem>> -> memref<128x128xf32, #tpu.memory_space<vmem>>
      %dma_start3A_193 = arith.constant 0 : i32
      %dma_start3A_194 = tpu.memref_slice %arg6[%add3A_187, %dma_start3A_193] : memref<32768x128xf32, #tpu.memory_space<hbm>> -> memref<128x128xf32, #tpu.memory_space<hbm>>
      %dma_start3A_195 = arith.constant 0 : i32
      %dma_start3A_196 = tpu.memref_slice %arg6[%add3A_187, %dma_start3A_195] : memref<32768x128xf32, #tpu.memory_space<hbm>> -> memref<128x128xf32, #tpu.memory_space<hbm>>
      %dma_start3A_197 = arith.constant 0 : i32
      %dma_start3A_198 = arith.constant 0 : i32
      %dma_start3A_199 = tpu.memref_slice %arg8[%dma_start3A_188, %dma_start3A_197, %dma_start3A_198] : memref<7x128x128xf32, #tpu.memory_space<vmem>> -> memref<1x128x128xf32, #tpu.memory_space<vmem>>
      %dma_start3A_200 = tpu.memref_squeeze %dma_start3A_199 : memref<1x128x128xf32, #tpu.memory_space<vmem>> -> memref<128x128xf32, #tpu.memory_space<vmem>>
      tpu.enqueue_dma source(%dma_start3A_200 : memref<128x128xf32, #tpu.memory_space<vmem>>) target(%dma_start3A_196 : memref<128x128xf32, #tpu.memory_space<hbm>>) target_semaphore(%arg10 : memref<!tpu.dma_semaphore, #tpu.memory_space<semaphore_mem>>)
      %dma_wait3A_201 = arith.constant 0 : i32
      %dma_wait3A_202 = arith.constant 0 : i32
      %dma_wait3A_203 = arith.constant 0 : i32
      %dma_wait3A_204 = tpu.memref_slice %arg8[%dma_wait3A_201, %dma_wait3A_202, %dma_wait3A_203] : memref<7x128x128xf32, #tpu.memory_space<vmem>> -> memref<1x128x128xf32, #tpu.memory_space<vmem>>
      %dma_wait3A_205 = tpu.memref_squeeze %dma_wait3A_204 : memref<1x128x128xf32, #tpu.memory_space<vmem>> -> memref<128x128xf32, #tpu.memory_space<vmem>>
      %dma_wait3A_206 = arith.constant 0 : i32
      %dma_wait3A_207 = tpu.memref_slice %arg6[%add3A_152, %dma_wait3A_206] : memref<32768x128xf32, #tpu.memory_space<hbm>> -> memref<128x128xf32, #tpu.memory_space<hbm>>
      %dma_wait3A_208 = arith.constant 0 : i32
      %dma_wait3A_209 = tpu.memref_slice %arg6[%add3A_152, %dma_wait3A_208] : memref<32768x128xf32, #tpu.memory_space<hbm>> -> memref<128x128xf32, #tpu.memory_space<hbm>>
      %dma_wait3A_210 = arith.constant 0 : i32
      %dma_wait3A_211 = arith.constant 0 : i32
      %dma_wait3A_212 = tpu.memref_slice %arg8[%dma_wait3A_201, %dma_wait3A_210, %dma_wait3A_211] : memref<7x128x128xf32, #tpu.memory_space<vmem>> -> memref<1x128x128xf32, #tpu.memory_space<vmem>>
      %dma_wait3A_213 = tpu.memref_squeeze %dma_wait3A_212 : memref<1x128x128xf32, #tpu.memory_space<vmem>> -> memref<128x128xf32, #tpu.memory_space<vmem>>
      tpu.wait_dma2 semaphore(%arg10 : memref<!tpu.dma_semaphore, #tpu.memory_space<semaphore_mem>>) src(%dma_wait3A_213 : memref<128x128xf32, #tpu.memory_space<vmem>>) dst(%dma_wait3A_209 : memref<128x128xf32, #tpu.memory_space<hbm>>)
      %dma_start3A_214 = arith.constant 0 : i32
      %dma_start3A_215 = arith.constant 0 : i32
      %dma_start3A_216 = arith.constant 0 : i32
      %dma_start3A_217 = tpu.memref_slice %arg8[%dma_start3A_214, %dma_start3A_215, %dma_start3A_216] : memref<7x128x128xf32, #tpu.memory_space<vmem>> -> memref<1x128x128xf32, #tpu.memory_space<vmem>>
      %dma_start3A_218 = tpu.memref_squeeze %dma_start3A_217 : memref<1x128x128xf32, #tpu.memory_space<vmem>> -> memref<128x128xf32, #tpu.memory_space<vmem>>
      %dma_start3A_219 = arith.constant 896 : i32
      %dma_start3A_220 = tpu.memref_slice %arg7[%dma_start3A_219] : memref<2048xi32, #tpu.memory_space<vmem>> -> memref<128xi32, #tpu.memory_space<vmem>>
      %dma_start3A_221 = arith.constant 0 : i32
      %dma_start3A_222 = arith.constant 0 : i32
      %dma_start3A_223 = tpu.memref_slice %arg4[%dma_start3A_221, %dma_start3A_222] : memref<32768x128xf32, #tpu.memory_space<hbm>> -> memref<32768x128xf32, #tpu.memory_space<hbm>>
      tpu.enqueue_indirect_dma source(%dma_start3A_223 : memref<32768x128xf32, #tpu.memory_space<hbm>>) target(%dma_start3A_218 : memref<128x128xf32, #tpu.memory_space<vmem>>) offsets(%dma_start3A_220 : memref<128xi32, #tpu.memory_space<vmem>>) semaphore(%arg9 : memref<!tpu.dma_semaphore, #tpu.memory_space<semaphore_mem>>)
      %dma_wait3A_224 = arith.constant 2 : i32
      %dma_wait3A_225 = arith.constant 0 : i32
      %dma_wait3A_226 = arith.constant 0 : i32
      %dma_wait3A_227 = tpu.memref_slice %arg8[%dma_wait3A_224, %dma_wait3A_225, %dma_wait3A_226] : memref<7x128x128xf32, #tpu.memory_space<vmem>> -> memref<1x128x128xf32, #tpu.memory_space<vmem>>
      %dma_wait3A_228 = tpu.memref_squeeze %dma_wait3A_227 : memref<1x128x128xf32, #tpu.memory_space<vmem>> -> memref<128x128xf32, #tpu.memory_space<vmem>>
      %dma_wait3A_229 = arith.constant 256 : i32
      %dma_wait3A_230 = tpu.memref_slice %arg7[%dma_wait3A_229] : memref<2048xi32, #tpu.memory_space<vmem>> -> memref<128xi32, #tpu.memory_space<vmem>>
      %dma_wait3A_231 = arith.constant 0 : i32
      %dma_wait3A_232 = arith.constant 0 : i32
      %dma_wait3A_233 = tpu.memref_slice %arg4[%dma_wait3A_231, %dma_wait3A_232] : memref<32768x128xf32, #tpu.memory_space<hbm>> -> memref<32768x128xf32, #tpu.memory_space<hbm>>
      tpu.wait_indirect_dma semaphore(%arg9 : memref<!tpu.dma_semaphore, #tpu.memory_space<semaphore_mem>>) src(%dma_wait3A_233 : memref<32768x128xf32, #tpu.memory_space<hbm>>) dst(%dma_wait3A_228 : memref<128x128xf32, #tpu.memory_space<vmem>>)
      %add3A_234 = arith.constant 256 : i32
      %add3A_235 = arith.addi %mul3A_32, %add3A_234 : i32
      %dma_start3A_236 = arith.constant 2 : i32
      %dma_start3A_237 = arith.constant 0 : i32
      %dma_start3A_238 = arith.constant 0 : i32
      %dma_start3A_239 = tpu.memref_slice %arg8[%dma_start3A_236, %dma_start3A_237, %dma_start3A_238] : memref<7x128x128xf32, #tpu.memory_space<vmem>> -> memref<1x128x128xf32, #tpu.memory_space<vmem>>
      %dma_start3A_240 = tpu.memref_squeeze %dma_start3A_239 : memref<1x128x128xf32, #tpu.memory_space<vmem>> -> memref<128x128xf32, #tpu.memory_space<vmem>>
      %dma_start3A_241 = arith.constant 0 : i32
      %dma_start3A_242 = tpu.memref_slice %arg6[%add3A_235, %dma_start3A_241] : memref<32768x128xf32, #tpu.memory_space<hbm>> -> memref<128x128xf32, #tpu.memory_space<hbm>>
      %dma_start3A_243 = arith.constant 0 : i32
      %dma_start3A_244 = tpu.memref_slice %arg6[%add3A_235, %dma_start3A_243] : memref<32768x128xf32, #tpu.memory_space<hbm>> -> memref<128x128xf32, #tpu.memory_space<hbm>>
      %dma_start3A_245 = arith.constant 0 : i32
      %dma_start3A_246 = arith.constant 0 : i32
      %dma_start3A_247 = tpu.memref_slice %arg8[%dma_start3A_236, %dma_start3A_245, %dma_start3A_246] : memref<7x128x128xf32, #tpu.memory_space<vmem>> -> memref<1x128x128xf32, #tpu.memory_space<vmem>>
      %dma_start3A_248 = tpu.memref_squeeze %dma_start3A_247 : memref<1x128x128xf32, #tpu.memory_space<vmem>> -> memref<128x128xf32, #tpu.memory_space<vmem>>
      tpu.enqueue_dma source(%dma_start3A_248 : memref<128x128xf32, #tpu.memory_space<vmem>>) target(%dma_start3A_244 : memref<128x128xf32, #tpu.memory_space<hbm>>) target_semaphore(%arg10 : memref<!tpu.dma_semaphore, #tpu.memory_space<semaphore_mem>>)
      %dma_wait3A_249 = arith.constant 1 : i32
      %dma_wait3A_250 = arith.constant 0 : i32
      %dma_wait3A_251 = arith.constant 0 : i32
      %dma_wait3A_252 = tpu.memref_slice %arg8[%dma_wait3A_249, %dma_wait3A_250, %dma_wait3A_251] : memref<7x128x128xf32, #tpu.memory_space<vmem>> -> memref<1x128x128xf32, #tpu.memory_space<vmem>>
      %dma_wait3A_253 = tpu.memref_squeeze %dma_wait3A_252 : memref<1x128x128xf32, #tpu.memory_space<vmem>> -> memref<128x128xf32, #tpu.memory_space<vmem>>
      %dma_wait3A_254 = arith.constant 0 : i32
      %dma_wait3A_255 = tpu.memref_slice %arg6[%add3A_187, %dma_wait3A_254] : memref<32768x128xf32, #tpu.memory_space<hbm>> -> memref<128x128xf32, #tpu.memory_space<hbm>>
      %dma_wait3A_256 = arith.constant 0 : i32
      %dma_wait3A_257 = tpu.memref_slice %arg6[%add3A_187, %dma_wait3A_256] : memref<32768x128xf32, #tpu.memory_space<hbm>> -> memref<128x128xf32, #tpu.memory_space<hbm>>
      %dma_wait3A_258 = arith.constant 0 : i32
      %dma_wait3A_259 = arith.constant 0 : i32
      %dma_wait3A_260 = tpu.memref_slice %arg8[%dma_wait3A_249, %dma_wait3A_258, %dma_wait3A_259] : memref<7x128x128xf32, #tpu.memory_space<vmem>> -> memref<1x128x128xf32, #tpu.memory_space<vmem>>
      %dma_wait3A_261 = tpu.memref_squeeze %dma_wait3A_260 : memref<1x128x128xf32, #tpu.memory_space<vmem>> -> memref<128x128xf32, #tpu.memory_space<vmem>>
      tpu.wait_dma2 semaphore(%arg10 : memref<!tpu.dma_semaphore, #tpu.memory_space<semaphore_mem>>) src(%dma_wait3A_261 : memref<128x128xf32, #tpu.memory_space<vmem>>) dst(%dma_wait3A_257 : memref<128x128xf32, #tpu.memory_space<hbm>>)
      %dma_start3A_262 = arith.constant 1 : i32
      %dma_start3A_263 = arith.constant 0 : i32
      %dma_start3A_264 = arith.constant 0 : i32
      %dma_start3A_265 = tpu.memref_slice %arg8[%dma_start3A_262, %dma_start3A_263, %dma_start3A_264] : memref<7x128x128xf32, #tpu.memory_space<vmem>> -> memref<1x128x128xf32, #tpu.memory_space<vmem>>
      %dma_start3A_266 = tpu.memref_squeeze %dma_start3A_265 : memref<1x128x128xf32, #tpu.memory_space<vmem>> -> memref<128x128xf32, #tpu.memory_space<vmem>>
      %dma_start3A_267 = arith.constant 1024 : i32
      %dma_start3A_268 = tpu.memref_slice %arg7[%dma_start3A_267] : memref<2048xi32, #tpu.memory_space<vmem>> -> memref<128xi32, #tpu.memory_space<vmem>>
      %dma_start3A_269 = arith.constant 0 : i32
      %dma_start3A_270 = arith.constant 0 : i32
      %dma_start3A_271 = tpu.memref_slice %arg4[%dma_start3A_269, %dma_start3A_270] : memref<32768x128xf32, #tpu.memory_space<hbm>> -> memref<32768x128xf32, #tpu.memory_space<hbm>>
      tpu.enqueue_indirect_dma source(%dma_start3A_271 : memref<32768x128xf32, #tpu.memory_space<hbm>>) target(%dma_start3A_266 : memref<128x128xf32, #tpu.memory_space<vmem>>) offsets(%dma_start3A_268 : memref<128xi32, #tpu.memory_space<vmem>>) semaphore(%arg9 : memref<!tpu.dma_semaphore, #tpu.memory_space<semaphore_mem>>)
      %dma_wait3A_272 = arith.constant 3 : i32
      %dma_wait3A_273 = arith.constant 0 : i32
      %dma_wait3A_274 = arith.constant 0 : i32
      %dma_wait3A_275 = tpu.memref_slice %arg8[%dma_wait3A_272, %dma_wait3A_273, %dma_wait3A_274] : memref<7x128x128xf32, #tpu.memory_space<vmem>> -> memref<1x128x128xf32, #tpu.memory_space<vmem>>
      %dma_wait3A_276 = tpu.memref_squeeze %dma_wait3A_275 : memref<1x128x128xf32, #tpu.memory_space<vmem>> -> memref<128x128xf32, #tpu.memory_space<vmem>>
      %dma_wait3A_277 = arith.constant 384 : i32
      %dma_wait3A_278 = tpu.memref_slice %arg7[%dma_wait3A_277] : memref<2048xi32, #tpu.memory_space<vmem>> -> memref<128xi32, #tpu.memory_space<vmem>>
      %dma_wait3A_279 = arith.constant 0 : i32
      %dma_wait3A_280 = arith.constant 0 : i32
      %dma_wait3A_281 = tpu.memref_slice %arg4[%dma_wait3A_279, %dma_wait3A_280] : memref<32768x128xf32, #tpu.memory_space<hbm>> -> memref<32768x128xf32, #tpu.memory_space<hbm>>
      tpu.wait_indirect_dma semaphore(%arg9 : memref<!tpu.dma_semaphore, #tpu.memory_space<semaphore_mem>>) src(%dma_wait3A_281 : memref<32768x128xf32, #tpu.memory_space<hbm>>) dst(%dma_wait3A_276 : memref<128x128xf32, #tpu.memory_space<vmem>>)
      %add3A_282 = arith.constant 384 : i32
      %add3A_283 = arith.addi %mul3A_32, %add3A_282 : i32
      %dma_start3A_284 = arith.constant 3 : i32
      %dma_start3A_285 = arith.constant 0 : i32
      %dma_start3A_286 = arith.constant 0 : i32
      %dma_start3A_287 = tpu.memref_slice %arg8[%dma_start3A_284, %dma_start3A_285, %dma_start3A_286] : memref<7x128x128xf32, #tpu.memory_space<vmem>> -> memref<1x128x128xf32, #tpu.memory_space<vmem>>
      %dma_start3A_288 = tpu.memref_squeeze %dma_start3A_287 : memref<1x128x128xf32, #tpu.memory_space<vmem>> -> memref<128x128xf32, #tpu.memory_space<vmem>>
      %dma_start3A_289 = arith.constant 0 : i32
      %dma_start3A_290 = tpu.memref_slice %arg6[%add3A_283, %dma_start3A_289] : memref<32768x128xf32, #tpu.memory_space<hbm>> -> memref<128x128xf32, #tpu.memory_space<hbm>>
      %dma_start3A_291 = arith.constant 0 : i32
      %dma_start3A_292 = tpu.memref_slice %arg6[%add3A_283, %dma_start3A_291] : memref<32768x128xf32, #tpu.memory_space<hbm>> -> memref<128x128xf32, #tpu.memory_space<hbm>>
      %dma_start3A_293 = arith.constant 0 : i32
      %dma_start3A_294 = arith.constant 0 : i32
      %dma_start3A_295 = tpu.memref_slice %arg8[%dma_start3A_284, %dma_start3A_293, %dma_start3A_294] : memref<7x128x128xf32, #tpu.memory_space<vmem>> -> memref<1x128x128xf32, #tpu.memory_space<vmem>>
      %dma_start3A_296 = tpu.memref_squeeze %dma_start3A_295 : memref<1x128x128xf32, #tpu.memory_space<vmem>> -> memref<128x128xf32, #tpu.memory_space<vmem>>
      tpu.enqueue_dma source(%dma_start3A_296 : memref<128x128xf32, #tpu.memory_space<vmem>>) target(%dma_start3A_292 : memref<128x128xf32, #tpu.memory_space<hbm>>) target_semaphore(%arg10 : memref<!tpu.dma_semaphore, #tpu.memory_space<semaphore_mem>>)
      %dma_wait3A_297 = arith.constant 2 : i32
      %dma_wait3A_298 = arith.constant 0 : i32
      %dma_wait3A_299 = arith.constant 0 : i32
      %dma_wait3A_300 = tpu.memref_slice %arg8[%dma_wait3A_297, %dma_wait3A_298, %dma_wait3A_299] : memref<7x128x128xf32, #tpu.memory_space<vmem>> -> memref<1x128x128xf32, #tpu.memory_space<vmem>>
      %dma_wait3A_301 = tpu.memref_squeeze %dma_wait3A_300 : memref<1x128x128xf32, #tpu.memory_space<vmem>> -> memref<128x128xf32, #tpu.memory_space<vmem>>
      %dma_wait3A_302 = arith.constant 0 : i32
      %dma_wait3A_303 = tpu.memref_slice %arg6[%add3A_235, %dma_wait3A_302] : memref<32768x128xf32, #tpu.memory_space<hbm>> -> memref<128x128xf32, #tpu.memory_space<hbm>>
      %dma_wait3A_304 = arith.constant 0 : i32
      %dma_wait3A_305 = tpu.memref_slice %arg6[%add3A_235, %dma_wait3A_304] : memref<32768x128xf32, #tpu.memory_space<hbm>> -> memref<128x128xf32, #tpu.memory_space<hbm>>
      %dma_wait3A_306 = arith.constant 0 : i32
      %dma_wait3A_307 = arith.constant 0 : i32
      %dma_wait3A_308 = tpu.memref_slice %arg8[%dma_wait3A_297, %dma_wait3A_306, %dma_wait3A_307] : memref<7x128x128xf32, #tpu.memory_space<vmem>> -> memref<1x128x128xf32, #tpu.memory_space<vmem>>
      %dma_wait3A_309 = tpu.memref_squeeze %dma_wait3A_308 : memref<1x128x128xf32, #tpu.memory_space<vmem>> -> memref<128x128xf32, #tpu.memory_space<vmem>>
      tpu.wait_dma2 semaphore(%arg10 : memref<!tpu.dma_semaphore, #tpu.memory_space<semaphore_mem>>) src(%dma_wait3A_309 : memref<128x128xf32, #tpu.memory_space<vmem>>) dst(%dma_wait3A_305 : memref<128x128xf32, #tpu.memory_space<hbm>>)
      %dma_start3A_310 = arith.constant 2 : i32
      %dma_start3A_311 = arith.constant 0 : i32
      %dma_start3A_312 = arith.constant 0 : i32
      %dma_start3A_313 = tpu.memref_slice %arg8[%dma_start3A_310, %dma_start3A_311, %dma_start3A_312] : memref<7x128x128xf32, #tpu.memory_space<vmem>> -> memref<1x128x128xf32, #tpu.memory_space<vmem>>
      %dma_start3A_314 = tpu.memref_squeeze %dma_start3A_313 : memref<1x128x128xf32, #tpu.memory_space<vmem>> -> memref<128x128xf32, #tpu.memory_space<vmem>>
      %dma_start3A_315 = arith.constant 1152 : i32
      %dma_start3A_316 = tpu.memref_slice %arg7[%dma_start3A_315] : memref<2048xi32, #tpu.memory_space<vmem>> -> memref<128xi32, #tpu.memory_space<vmem>>
      %dma_start3A_317 = arith.constant 0 : i32
      %dma_start3A_318 = arith.constant 0 : i32
      %dma_start3A_319 = tpu.memref_slice %arg4[%dma_start3A_317, %dma_start3A_318] : memref<32768x128xf32, #tpu.memory_space<hbm>> -> memref<32768x128xf32, #tpu.memory_space<hbm>>
      tpu.enqueue_indirect_dma source(%dma_start3A_319 : memref<32768x128xf32, #tpu.memory_space<hbm>>) target(%dma_start3A_314 : memref<128x128xf32, #tpu.memory_space<vmem>>) offsets(%dma_start3A_316 : memref<128xi32, #tpu.memory_space<vmem>>) semaphore(%arg9 : memref<!tpu.dma_semaphore, #tpu.memory_space<semaphore_mem>>)
      %dma_wait3A_320 = arith.constant 4 : i32
      %dma_wait3A_321 = arith.constant 0 : i32
      %dma_wait3A_322 = arith.constant 0 : i32
      %dma_wait3A_323 = tpu.memref_slice %arg8[%dma_wait3A_320, %dma_wait3A_321, %dma_wait3A_322] : memref<7x128x128xf32, #tpu.memory_space<vmem>> -> memref<1x128x128xf32, #tpu.memory_space<vmem>>
      %dma_wait3A_324 = tpu.memref_squeeze %dma_wait3A_323 : memref<1x128x128xf32, #tpu.memory_space<vmem>> -> memref<128x128xf32, #tpu.memory_space<vmem>>
      %dma_wait3A_325 = arith.constant 512 : i32
      %dma_wait3A_326 = tpu.memref_slice %arg7[%dma_wait3A_325] : memref<2048xi32, #tpu.memory_space<vmem>> -> memref<128xi32, #tpu.memory_space<vmem>>
      %dma_wait3A_327 = arith.constant 0 : i32
      %dma_wait3A_328 = arith.constant 0 : i32
      %dma_wait3A_329 = tpu.memref_slice %arg4[%dma_wait3A_327, %dma_wait3A_328] : memref<32768x128xf32, #tpu.memory_space<hbm>> -> memref<32768x128xf32, #tpu.memory_space<hbm>>
      tpu.wait_indirect_dma semaphore(%arg9 : memref<!tpu.dma_semaphore, #tpu.memory_space<semaphore_mem>>) src(%dma_wait3A_329 : memref<32768x128xf32, #tpu.memory_space<hbm>>) dst(%dma_wait3A_324 : memref<128x128xf32, #tpu.memory_space<vmem>>)
      %add3A_330 = arith.constant 512 : i32
      %add3A_331 = arith.addi %mul3A_32, %add3A_330 : i32
      %dma_start3A_332 = arith.constant 4 : i32
      %dma_start3A_333 = arith.constant 0 : i32
      %dma_start3A_334 = arith.constant 0 : i32
      %dma_start3A_335 = tpu.memref_slice %arg8[%dma_start3A_332, %dma_start3A_333, %dma_start3A_334] : memref<7x128x128xf32, #tpu.memory_space<vmem>> -> memref<1x128x128xf32, #tpu.memory_space<vmem>>
      %dma_start3A_336 = tpu.memref_squeeze %dma_start3A_335 : memref<1x128x128xf32, #tpu.memory_space<vmem>> -> memref<128x128xf32, #tpu.memory_space<vmem>>
      %dma_start3A_337 = arith.constant 0 : i32
      %dma_start3A_338 = tpu.memref_slice %arg6[%add3A_331, %dma_start3A_337] : memref<32768x128xf32, #tpu.memory_space<hbm>> -> memref<128x128xf32, #tpu.memory_space<hbm>>
      %dma_start3A_339 = arith.constant 0 : i32
      %dma_start3A_340 = tpu.memref_slice %arg6[%add3A_331, %dma_start3A_339] : memref<32768x128xf32, #tpu.memory_space<hbm>> -> memref<128x128xf32, #tpu.memory_space<hbm>>
      %dma_start3A_341 = arith.constant 0 : i32
      %dma_start3A_342 = arith.constant 0 : i32
      %dma_start3A_343 = tpu.memref_slice %arg8[%dma_start3A_332, %dma_start3A_341, %dma_start3A_342] : memref<7x128x128xf32, #tpu.memory_space<vmem>> -> memref<1x128x128xf32, #tpu.memory_space<vmem>>
      %dma_start3A_344 = tpu.memref_squeeze %dma_start3A_343 : memref<1x128x128xf32, #tpu.memory_space<vmem>> -> memref<128x128xf32, #tpu.memory_space<vmem>>
      tpu.enqueue_dma source(%dma_start3A_344 : memref<128x128xf32, #tpu.memory_space<vmem>>) target(%dma_start3A_340 : memref<128x128xf32, #tpu.memory_space<hbm>>) target_semaphore(%arg10 : memref<!tpu.dma_semaphore, #tpu.memory_space<semaphore_mem>>)
      %dma_wait3A_345 = arith.constant 3 : i32
      %dma_wait3A_346 = arith.constant 0 : i32
      %dma_wait3A_347 = arith.constant 0 : i32
      %dma_wait3A_348 = tpu.memref_slice %arg8[%dma_wait3A_345, %dma_wait3A_346, %dma_wait3A_347] : memref<7x128x128xf32, #tpu.memory_space<vmem>> -> memref<1x128x128xf32, #tpu.memory_space<vmem>>
      %dma_wait3A_349 = tpu.memref_squeeze %dma_wait3A_348 : memref<1x128x128xf32, #tpu.memory_space<vmem>> -> memref<128x128xf32, #tpu.memory_space<vmem>>
      %dma_wait3A_350 = arith.constant 0 : i32
      %dma_wait3A_351 = tpu.memref_slice %arg6[%add3A_283, %dma_wait3A_350] : memref<32768x128xf32, #tpu.memory_space<hbm>> -> memref<128x128xf32, #tpu.memory_space<hbm>>
      %dma_wait3A_352 = arith.constant 0 : i32
      %dma_wait3A_353 = tpu.memref_slice %arg6[%add3A_283, %dma_wait3A_352] : memref<32768x128xf32, #tpu.memory_space<hbm>> -> memref<128x128xf32, #tpu.memory_space<hbm>>
      %dma_wait3A_354 = arith.constant 0 : i32
      %dma_wait3A_355 = arith.constant 0 : i32
      %dma_wait3A_356 = tpu.memref_slice %arg8[%dma_wait3A_345, %dma_wait3A_354, %dma_wait3A_355] : memref<7x128x128xf32, #tpu.memory_space<vmem>> -> memref<1x128x128xf32, #tpu.memory_space<vmem>>
      %dma_wait3A_357 = tpu.memref_squeeze %dma_wait3A_356 : memref<1x128x128xf32, #tpu.memory_space<vmem>> -> memref<128x128xf32, #tpu.memory_space<vmem>>
      tpu.wait_dma2 semaphore(%arg10 : memref<!tpu.dma_semaphore, #tpu.memory_space<semaphore_mem>>) src(%dma_wait3A_357 : memref<128x128xf32, #tpu.memory_space<vmem>>) dst(%dma_wait3A_353 : memref<128x128xf32, #tpu.memory_space<hbm>>)
      %dma_start3A_358 = arith.constant 3 : i32
      %dma_start3A_359 = arith.constant 0 : i32
      %dma_start3A_360 = arith.constant 0 : i32
      %dma_start3A_361 = tpu.memref_slice %arg8[%dma_start3A_358, %dma_start3A_359, %dma_start3A_360] : memref<7x128x128xf32, #tpu.memory_space<vmem>> -> memref<1x128x128xf32, #tpu.memory_space<vmem>>
      %dma_start3A_362 = tpu.memref_squeeze %dma_start3A_361 : memref<1x128x128xf32, #tpu.memory_space<vmem>> -> memref<128x128xf32, #tpu.memory_space<vmem>>
      %dma_start3A_363 = arith.constant 1280 : i32
      %dma_start3A_364 = tpu.memref_slice %arg7[%dma_start3A_363] : memref<2048xi32, #tpu.memory_space<vmem>> -> memref<128xi32, #tpu.memory_space<vmem>>
      %dma_start3A_365 = arith.constant 0 : i32
      %dma_start3A_366 = arith.constant 0 : i32
      %dma_start3A_367 = tpu.memref_slice %arg4[%dma_start3A_365, %dma_start3A_366] : memref<32768x128xf32, #tpu.memory_space<hbm>> -> memref<32768x128xf32, #tpu.memory_space<hbm>>
      tpu.enqueue_indirect_dma source(%dma_start3A_367 : memref<32768x128xf32, #tpu.memory_space<hbm>>) target(%dma_start3A_362 : memref<128x128xf32, #tpu.memory_space<vmem>>) offsets(%dma_start3A_364 : memref<128xi32, #tpu.memory_space<vmem>>) semaphore(%arg9 : memref<!tpu.dma_semaphore, #tpu.memory_space<semaphore_mem>>)
      %dma_wait3A_368 = arith.constant 5 : i32
      %dma_wait3A_369 = arith.constant 0 : i32
      %dma_wait3A_370 = arith.constant 0 : i32
      %dma_wait3A_371 = tpu.memref_slice %arg8[%dma_wait3A_368, %dma_wait3A_369, %dma_wait3A_370] : memref<7x128x128xf32, #tpu.memory_space<vmem>> -> memref<1x128x128xf32, #tpu.memory_space<vmem>>
      %dma_wait3A_372 = tpu.memref_squeeze %dma_wait3A_371 : memref<1x128x128xf32, #tpu.memory_space<vmem>> -> memref<128x128xf32, #tpu.memory_space<vmem>>
      %dma_wait3A_373 = arith.constant 640 : i32
      %dma_wait3A_374 = tpu.memref_slice %arg7[%dma_wait3A_373] : memref<2048xi32, #tpu.memory_space<vmem>> -> memref<128xi32, #tpu.memory_space<vmem>>
      %dma_wait3A_375 = arith.constant 0 : i32
      %dma_wait3A_376 = arith.constant 0 : i32
      %dma_wait3A_377 = tpu.memref_slice %arg4[%dma_wait3A_375, %dma_wait3A_376] : memref<32768x128xf32, #tpu.memory_space<hbm>> -> memref<32768x128xf32, #tpu.memory_space<hbm>>
      tpu.wait_indirect_dma semaphore(%arg9 : memref<!tpu.dma_semaphore, #tpu.memory_space<semaphore_mem>>) src(%dma_wait3A_377 : memref<32768x128xf32, #tpu.memory_space<hbm>>) dst(%dma_wait3A_372 : memref<128x128xf32, #tpu.memory_space<vmem>>)
      %add3A_378 = arith.constant 640 : i32
      %add3A_379 = arith.addi %mul3A_32, %add3A_378 : i32
      %dma_start3A_380 = arith.constant 5 : i32
      %dma_start3A_381 = arith.constant 0 : i32
      %dma_start3A_382 = arith.constant 0 : i32
      %dma_start3A_383 = tpu.memref_slice %arg8[%dma_start3A_380, %dma_start3A_381, %dma_start3A_382] : memref<7x128x128xf32, #tpu.memory_space<vmem>> -> memref<1x128x128xf32, #tpu.memory_space<vmem>>
      %dma_start3A_384 = tpu.memref_squeeze %dma_start3A_383 : memref<1x128x128xf32, #tpu.memory_space<vmem>> -> memref<128x128xf32, #tpu.memory_space<vmem>>
      %dma_start3A_385 = arith.constant 0 : i32
      %dma_start3A_386 = tpu.memref_slice %arg6[%add3A_379, %dma_start3A_385] : memref<32768x128xf32, #tpu.memory_space<hbm>> -> memref<128x128xf32, #tpu.memory_space<hbm>>
      %dma_start3A_387 = arith.constant 0 : i32
      %dma_start3A_388 = tpu.memref_slice %arg6[%add3A_379, %dma_start3A_387] : memref<32768x128xf32, #tpu.memory_space<hbm>> -> memref<128x128xf32, #tpu.memory_space<hbm>>
      %dma_start3A_389 = arith.constant 0 : i32
      %dma_start3A_390 = arith.constant 0 : i32
      %dma_start3A_391 = tpu.memref_slice %arg8[%dma_start3A_380, %dma_start3A_389, %dma_start3A_390] : memref<7x128x128xf32, #tpu.memory_space<vmem>> -> memref<1x128x128xf32, #tpu.memory_space<vmem>>
      %dma_start3A_392 = tpu.memref_squeeze %dma_start3A_391 : memref<1x128x128xf32, #tpu.memory_space<vmem>> -> memref<128x128xf32, #tpu.memory_space<vmem>>
      tpu.enqueue_dma source(%dma_start3A_392 : memref<128x128xf32, #tpu.memory_space<vmem>>) target(%dma_start3A_388 : memref<128x128xf32, #tpu.memory_space<hbm>>) target_semaphore(%arg10 : memref<!tpu.dma_semaphore, #tpu.memory_space<semaphore_mem>>)
      %dma_wait3A_393 = arith.constant 4 : i32
      %dma_wait3A_394 = arith.constant 0 : i32
      %dma_wait3A_395 = arith.constant 0 : i32
      %dma_wait3A_396 = tpu.memref_slice %arg8[%dma_wait3A_393, %dma_wait3A_394, %dma_wait3A_395] : memref<7x128x128xf32, #tpu.memory_space<vmem>> -> memref<1x128x128xf32, #tpu.memory_space<vmem>>
      %dma_wait3A_397 = tpu.memref_squeeze %dma_wait3A_396 : memref<1x128x128xf32, #tpu.memory_space<vmem>> -> memref<128x128xf32, #tpu.memory_space<vmem>>
      %dma_wait3A_398 = arith.constant 0 : i32
      %dma_wait3A_399 = tpu.memref_slice %arg6[%add3A_331, %dma_wait3A_398] : memref<32768x128xf32, #tpu.memory_space<hbm>> -> memref<128x128xf32, #tpu.memory_space<hbm>>
      %dma_wait3A_400 = arith.constant 0 : i32
      %dma_wait3A_401 = tpu.memref_slice %arg6[%add3A_331, %dma_wait3A_400] : memref<32768x128xf32, #tpu.memory_space<hbm>> -> memref<128x128xf32, #tpu.memory_space<hbm>>
      %dma_wait3A_402 = arith.constant 0 : i32
      %dma_wait3A_403 = arith.constant 0 : i32
      %dma_wait3A_404 = tpu.memref_slice %arg8[%dma_wait3A_393, %dma_wait3A_402, %dma_wait3A_403] : memref<7x128x128xf32, #tpu.memory_space<vmem>> -> memref<1x128x128xf32, #tpu.memory_space<vmem>>
      %dma_wait3A_405 = tpu.memref_squeeze %dma_wait3A_404 : memref<1x128x128xf32, #tpu.memory_space<vmem>> -> memref<128x128xf32, #tpu.memory_space<vmem>>
      tpu.wait_dma2 semaphore(%arg10 : memref<!tpu.dma_semaphore, #tpu.memory_space<semaphore_mem>>) src(%dma_wait3A_405 : memref<128x128xf32, #tpu.memory_space<vmem>>) dst(%dma_wait3A_401 : memref<128x128xf32, #tpu.memory_space<hbm>>)
      %dma_start3A_406 = arith.constant 4 : i32
      %dma_start3A_407 = arith.constant 0 : i32
      %dma_start3A_408 = arith.constant 0 : i32
      %dma_start3A_409 = tpu.memref_slice %arg8[%dma_start3A_406, %dma_start3A_407, %dma_start3A_408] : memref<7x128x128xf32, #tpu.memory_space<vmem>> -> memref<1x128x128xf32, #tpu.memory_space<vmem>>
      %dma_start3A_410 = tpu.memref_squeeze %dma_start3A_409 : memref<1x128x128xf32, #tpu.memory_space<vmem>> -> memref<128x128xf32, #tpu.memory_space<vmem>>
      %dma_start3A_411 = arith.constant 1408 : i32
      %dma_start3A_412 = tpu.memref_slice %arg7[%dma_start3A_411] : memref<2048xi32, #tpu.memory_space<vmem>> -> memref<128xi32, #tpu.memory_space<vmem>>
      %dma_start3A_413 = arith.constant 0 : i32
      %dma_start3A_414 = arith.constant 0 : i32
      %dma_start3A_415 = tpu.memref_slice %arg4[%dma_start3A_413, %dma_start3A_414] : memref<32768x128xf32, #tpu.memory_space<hbm>> -> memref<32768x128xf32, #tpu.memory_space<hbm>>
      tpu.enqueue_indirect_dma source(%dma_start3A_415 : memref<32768x128xf32, #tpu.memory_space<hbm>>) target(%dma_start3A_410 : memref<128x128xf32, #tpu.memory_space<vmem>>) offsets(%dma_start3A_412 : memref<128xi32, #tpu.memory_space<vmem>>) semaphore(%arg9 : memref<!tpu.dma_semaphore, #tpu.memory_space<semaphore_mem>>)
      %dma_wait3A_416 = arith.constant 6 : i32
      %dma_wait3A_417 = arith.constant 0 : i32
      %dma_wait3A_418 = arith.constant 0 : i32
      %dma_wait3A_419 = tpu.memref_slice %arg8[%dma_wait3A_416, %dma_wait3A_417, %dma_wait3A_418] : memref<7x128x128xf32, #tpu.memory_space<vmem>> -> memref<1x128x128xf32, #tpu.memory_space<vmem>>
      %dma_wait3A_420 = tpu.memref_squeeze %dma_wait3A_419 : memref<1x128x128xf32, #tpu.memory_space<vmem>> -> memref<128x128xf32, #tpu.memory_space<vmem>>
      %dma_wait3A_421 = arith.constant 768 : i32
      %dma_wait3A_422 = tpu.memref_slice %arg7[%dma_wait3A_421] : memref<2048xi32, #tpu.memory_space<vmem>> -> memref<128xi32, #tpu.memory_space<vmem>>
      %dma_wait3A_423 = arith.constant 0 : i32
      %dma_wait3A_424 = arith.constant 0 : i32
      %dma_wait3A_425 = tpu.memref_slice %arg4[%dma_wait3A_423, %dma_wait3A_424] : memref<32768x128xf32, #tpu.memory_space<hbm>> -> memref<32768x128xf32, #tpu.memory_space<hbm>>
      tpu.wait_indirect_dma semaphore(%arg9 : memref<!tpu.dma_semaphore, #tpu.memory_space<semaphore_mem>>) src(%dma_wait3A_425 : memref<32768x128xf32, #tpu.memory_space<hbm>>) dst(%dma_wait3A_420 : memref<128x128xf32, #tpu.memory_space<vmem>>)
      %add3A_426 = arith.constant 768 : i32
      %add3A_427 = arith.addi %mul3A_32, %add3A_426 : i32
      %dma_start3A_428 = arith.constant 6 : i32
      %dma_start3A_429 = arith.constant 0 : i32
      %dma_start3A_430 = arith.constant 0 : i32
      %dma_start3A_431 = tpu.memref_slice %arg8[%dma_start3A_428, %dma_start3A_429, %dma_start3A_430] : memref<7x128x128xf32, #tpu.memory_space<vmem>> -> memref<1x128x128xf32, #tpu.memory_space<vmem>>
      %dma_start3A_432 = tpu.memref_squeeze %dma_start3A_431 : memref<1x128x128xf32, #tpu.memory_space<vmem>> -> memref<128x128xf32, #tpu.memory_space<vmem>>
      %dma_start3A_433 = arith.constant 0 : i32
      %dma_start3A_434 = tpu.memref_slice %arg6[%add3A_427, %dma_start3A_433] : memref<32768x128xf32, #tpu.memory_space<hbm>> -> memref<128x128xf32, #tpu.memory_space<hbm>>
      %dma_start3A_435 = arith.constant 0 : i32
      %dma_start3A_436 = tpu.memref_slice %arg6[%add3A_427, %dma_start3A_435] : memref<32768x128xf32, #tpu.memory_space<hbm>> -> memref<128x128xf32, #tpu.memory_space<hbm>>
      %dma_start3A_437 = arith.constant 0 : i32
      %dma_start3A_438 = arith.constant 0 : i32
      %dma_start3A_439 = tpu.memref_slice %arg8[%dma_start3A_428, %dma_start3A_437, %dma_start3A_438] : memref<7x128x128xf32, #tpu.memory_space<vmem>> -> memref<1x128x128xf32, #tpu.memory_space<vmem>>
      %dma_start3A_440 = tpu.memref_squeeze %dma_start3A_439 : memref<1x128x128xf32, #tpu.memory_space<vmem>> -> memref<128x128xf32, #tpu.memory_space<vmem>>
      tpu.enqueue_dma source(%dma_start3A_440 : memref<128x128xf32, #tpu.memory_space<vmem>>) target(%dma_start3A_436 : memref<128x128xf32, #tpu.memory_space<hbm>>) target_semaphore(%arg10 : memref<!tpu.dma_semaphore, #tpu.memory_space<semaphore_mem>>)
      %dma_wait3A_441 = arith.constant 5 : i32
      %dma_wait3A_442 = arith.constant 0 : i32
      %dma_wait3A_443 = arith.constant 0 : i32
      %dma_wait3A_444 = tpu.memref_slice %arg8[%dma_wait3A_441, %dma_wait3A_442, %dma_wait3A_443] : memref<7x128x128xf32, #tpu.memory_space<vmem>> -> memref<1x128x128xf32, #tpu.memory_space<vmem>>
      %dma_wait3A_445 = tpu.memref_squeeze %dma_wait3A_444 : memref<1x128x128xf32, #tpu.memory_space<vmem>> -> memref<128x128xf32, #tpu.memory_space<vmem>>
      %dma_wait3A_446 = arith.constant 0 : i32
      %dma_wait3A_447 = tpu.memref_slice %arg6[%add3A_379, %dma_wait3A_446] : memref<32768x128xf32, #tpu.memory_space<hbm>> -> memref<128x128xf32, #tpu.memory_space<hbm>>
      %dma_wait3A_448 = arith.constant 0 : i32
      %dma_wait3A_449 = tpu.memref_slice %arg6[%add3A_379, %dma_wait3A_448] : memref<32768x128xf32, #tpu.memory_space<hbm>> -> memref<128x128xf32, #tpu.memory_space<hbm>>
      %dma_wait3A_450 = arith.constant 0 : i32
      %dma_wait3A_451 = arith.constant 0 : i32
      %dma_wait3A_452 = tpu.memref_slice %arg8[%dma_wait3A_441, %dma_wait3A_450, %dma_wait3A_451] : memref<7x128x128xf32, #tpu.memory_space<vmem>> -> memref<1x128x128xf32, #tpu.memory_space<vmem>>
      %dma_wait3A_453 = tpu.memref_squeeze %dma_wait3A_452 : memref<1x128x128xf32, #tpu.memory_space<vmem>> -> memref<128x128xf32, #tpu.memory_space<vmem>>
      tpu.wait_dma2 semaphore(%arg10 : memref<!tpu.dma_semaphore, #tpu.memory_space<semaphore_mem>>) src(%dma_wait3A_453 : memref<128x128xf32, #tpu.memory_space<vmem>>) dst(%dma_wait3A_449 : memref<128x128xf32, #tpu.memory_space<hbm>>)
      %dma_start3A_454 = arith.constant 5 : i32
      %dma_start3A_455 = arith.constant 0 : i32
      %dma_start3A_456 = arith.constant 0 : i32
      %dma_start3A_457 = tpu.memref_slice %arg8[%dma_start3A_454, %dma_start3A_455, %dma_start3A_456] : memref<7x128x128xf32, #tpu.memory_space<vmem>> -> memref<1x128x128xf32, #tpu.memory_space<vmem>>
      %dma_start3A_458 = tpu.memref_squeeze %dma_start3A_457 : memref<1x128x128xf32, #tpu.memory_space<vmem>> -> memref<128x128xf32, #tpu.memory_space<vmem>>
      %dma_start3A_459 = arith.constant 1536 : i32
      %dma_start3A_460 = tpu.memref_slice %arg7[%dma_start3A_459] : memref<2048xi32, #tpu.memory_space<vmem>> -> memref<128xi32, #tpu.memory_space<vmem>>
      %dma_start3A_461 = arith.constant 0 : i32
      %dma_start3A_462 = arith.constant 0 : i32
      %dma_start3A_463 = tpu.memref_slice %arg4[%dma_start3A_461, %dma_start3A_462] : memref<32768x128xf32, #tpu.memory_space<hbm>> -> memref<32768x128xf32, #tpu.memory_space<hbm>>
      tpu.enqueue_indirect_dma source(%dma_start3A_463 : memref<32768x128xf32, #tpu.memory_space<hbm>>) target(%dma_start3A_458 : memref<128x128xf32, #tpu.memory_space<vmem>>) offsets(%dma_start3A_460 : memref<128xi32, #tpu.memory_space<vmem>>) semaphore(%arg9 : memref<!tpu.dma_semaphore, #tpu.memory_space<semaphore_mem>>)
      %dma_wait3A_464 = arith.constant 0 : i32
      %dma_wait3A_465 = arith.constant 0 : i32
      %dma_wait3A_466 = arith.constant 0 : i32
      %dma_wait3A_467 = tpu.memref_slice %arg8[%dma_wait3A_464, %dma_wait3A_465, %dma_wait3A_466] : memref<7x128x128xf32, #tpu.memory_space<vmem>> -> memref<1x128x128xf32, #tpu.memory_space<vmem>>
      %dma_wait3A_468 = tpu.memref_squeeze %dma_wait3A_467 : memref<1x128x128xf32, #tpu.memory_space<vmem>> -> memref<128x128xf32, #tpu.memory_space<vmem>>
      %dma_wait3A_469 = arith.constant 896 : i32
      %dma_wait3A_470 = tpu.memref_slice %arg7[%dma_wait3A_469] : memref<2048xi32, #tpu.memory_space<vmem>> -> memref<128xi32, #tpu.memory_space<vmem>>
      %dma_wait3A_471 = arith.constant 0 : i32
      %dma_wait3A_472 = arith.constant 0 : i32
      %dma_wait3A_473 = tpu.memref_slice %arg4[%dma_wait3A_471, %dma_wait3A_472] : memref<32768x128xf32, #tpu.memory_space<hbm>> -> memref<32768x128xf32, #tpu.memory_space<hbm>>
      tpu.wait_indirect_dma semaphore(%arg9 : memref<!tpu.dma_semaphore, #tpu.memory_space<semaphore_mem>>) src(%dma_wait3A_473 : memref<32768x128xf32, #tpu.memory_space<hbm>>) dst(%dma_wait3A_468 : memref<128x128xf32, #tpu.memory_space<vmem>>)
      %add3A_474 = arith.constant 896 : i32
      %add3A_475 = arith.addi %mul3A_32, %add3A_474 : i32
      %dma_start3A_476 = arith.constant 0 : i32
      %dma_start3A_477 = arith.constant 0 : i32
      %dma_start3A_478 = arith.constant 0 : i32
      %dma_start3A_479 = tpu.memref_slice %arg8[%dma_start3A_476, %dma_start3A_477, %dma_start3A_478] : memref<7x128x128xf32, #tpu.memory_space<vmem>> -> memref<1x128x128xf32, #tpu.memory_space<vmem>>
      %dma_start3A_480 = tpu.memref_squeeze %dma_start3A_479 : memref<1x128x128xf32, #tpu.memory_space<vmem>> -> memref<128x128xf32, #tpu.memory_space<vmem>>
      %dma_start3A_481 = arith.constant 0 : i32
      %dma_start3A_482 = tpu.memref_slice %arg6[%add3A_475, %dma_start3A_481] : memref<32768x128xf32, #tpu.memory_space<hbm>> -> memref<128x128xf32, #tpu.memory_space<hbm>>
      %dma_start3A_483 = arith.constant 0 : i32
      %dma_start3A_484 = tpu.memref_slice %arg6[%add3A_475, %dma_start3A_483] : memref<32768x128xf32, #tpu.memory_space<hbm>> -> memref<128x128xf32, #tpu.memory_space<hbm>>
      %dma_start3A_485 = arith.constant 0 : i32
      %dma_start3A_486 = arith.constant 0 : i32
      %dma_start3A_487 = tpu.memref_slice %arg8[%dma_start3A_476, %dma_start3A_485, %dma_start3A_486] : memref<7x128x128xf32, #tpu.memory_space<vmem>> -> memref<1x128x128xf32, #tpu.memory_space<vmem>>
      %dma_start3A_488 = tpu.memref_squeeze %dma_start3A_487 : memref<1x128x128xf32, #tpu.memory_space<vmem>> -> memref<128x128xf32, #tpu.memory_space<vmem>>
      tpu.enqueue_dma source(%dma_start3A_488 : memref<128x128xf32, #tpu.memory_space<vmem>>) target(%dma_start3A_484 : memref<128x128xf32, #tpu.memory_space<hbm>>) target_semaphore(%arg10 : memref<!tpu.dma_semaphore, #tpu.memory_space<semaphore_mem>>)
      %dma_wait3A_489 = arith.constant 6 : i32
      %dma_wait3A_490 = arith.constant 0 : i32
      %dma_wait3A_491 = arith.constant 0 : i32
      %dma_wait3A_492 = tpu.memref_slice %arg8[%dma_wait3A_489, %dma_wait3A_490, %dma_wait3A_491] : memref<7x128x128xf32, #tpu.memory_space<vmem>> -> memref<1x128x128xf32, #tpu.memory_space<vmem>>
      %dma_wait3A_493 = tpu.memref_squeeze %dma_wait3A_492 : memref<1x128x128xf32, #tpu.memory_space<vmem>> -> memref<128x128xf32, #tpu.memory_space<vmem>>
      %dma_wait3A_494 = arith.constant 0 : i32
      %dma_wait3A_495 = tpu.memref_slice %arg6[%add3A_427, %dma_wait3A_494] : memref<32768x128xf32, #tpu.memory_space<hbm>> -> memref<128x128xf32, #tpu.memory_space<hbm>>
      %dma_wait3A_496 = arith.constant 0 : i32
      %dma_wait3A_497 = tpu.memref_slice %arg6[%add3A_427, %dma_wait3A_496] : memref<32768x128xf32, #tpu.memory_space<hbm>> -> memref<128x128xf32, #tpu.memory_space<hbm>>
      %dma_wait3A_498 = arith.constant 0 : i32
      %dma_wait3A_499 = arith.constant 0 : i32
      %dma_wait3A_500 = tpu.memref_slice %arg8[%dma_wait3A_489, %dma_wait3A_498, %dma_wait3A_499] : memref<7x128x128xf32, #tpu.memory_space<vmem>> -> memref<1x128x128xf32, #tpu.memory_space<vmem>>
      %dma_wait3A_501 = tpu.memref_squeeze %dma_wait3A_500 : memref<1x128x128xf32, #tpu.memory_space<vmem>> -> memref<128x128xf32, #tpu.memory_space<vmem>>
      tpu.wait_dma2 semaphore(%arg10 : memref<!tpu.dma_semaphore, #tpu.memory_space<semaphore_mem>>) src(%dma_wait3A_501 : memref<128x128xf32, #tpu.memory_space<vmem>>) dst(%dma_wait3A_497 : memref<128x128xf32, #tpu.memory_space<hbm>>)
      %dma_start3A_502 = arith.constant 6 : i32
      %dma_start3A_503 = arith.constant 0 : i32
      %dma_start3A_504 = arith.constant 0 : i32
      %dma_start3A_505 = tpu.memref_slice %arg8[%dma_start3A_502, %dma_start3A_503, %dma_start3A_504] : memref<7x128x128xf32, #tpu.memory_space<vmem>> -> memref<1x128x128xf32, #tpu.memory_space<vmem>>
      %dma_start3A_506 = tpu.memref_squeeze %dma_start3A_505 : memref<1x128x128xf32, #tpu.memory_space<vmem>> -> memref<128x128xf32, #tpu.memory_space<vmem>>
      %dma_start3A_507 = arith.constant 1664 : i32
      %dma_start3A_508 = tpu.memref_slice %arg7[%dma_start3A_507] : memref<2048xi32, #tpu.memory_space<vmem>> -> memref<128xi32, #tpu.memory_space<vmem>>
      %dma_start3A_509 = arith.constant 0 : i32
      %dma_start3A_510 = arith.constant 0 : i32
      %dma_start3A_511 = tpu.memref_slice %arg4[%dma_start3A_509, %dma_start3A_510] : memref<32768x128xf32, #tpu.memory_space<hbm>> -> memref<32768x128xf32, #tpu.memory_space<hbm>>
      tpu.enqueue_indirect_dma source(%dma_start3A_511 : memref<32768x128xf32, #tpu.memory_space<hbm>>) target(%dma_start3A_506 : memref<128x128xf32, #tpu.memory_space<vmem>>) offsets(%dma_start3A_508 : memref<128xi32, #tpu.memory_space<vmem>>) semaphore(%arg9 : memref<!tpu.dma_semaphore, #tpu.memory_space<semaphore_mem>>)
      %dma_wait3A_512 = arith.constant 1 : i32
      %dma_wait3A_513 = arith.constant 0 : i32
      %dma_wait3A_514 = arith.constant 0 : i32
      %dma_wait3A_515 = tpu.memref_slice %arg8[%dma_wait3A_512, %dma_wait3A_513, %dma_wait3A_514] : memref<7x128x128xf32, #tpu.memory_space<vmem>> -> memref<1x128x128xf32, #tpu.memory_space<vmem>>
      %dma_wait3A_516 = tpu.memref_squeeze %dma_wait3A_515 : memref<1x128x128xf32, #tpu.memory_space<vmem>> -> memref<128x128xf32, #tpu.memory_space<vmem>>
      %dma_wait3A_517 = arith.constant 1024 : i32
      %dma_wait3A_518 = tpu.memref_slice %arg7[%dma_wait3A_517] : memref<2048xi32, #tpu.memory_space<vmem>> -> memref<128xi32, #tpu.memory_space<vmem>>
      %dma_wait3A_519 = arith.constant 0 : i32
      %dma_wait3A_520 = arith.constant 0 : i32
      %dma_wait3A_521 = tpu.memref_slice %arg4[%dma_wait3A_519, %dma_wait3A_520] : memref<32768x128xf32, #tpu.memory_space<hbm>> -> memref<32768x128xf32, #tpu.memory_space<hbm>>
      tpu.wait_indirect_dma semaphore(%arg9 : memref<!tpu.dma_semaphore, #tpu.memory_space<semaphore_mem>>) src(%dma_wait3A_521 : memref<32768x128xf32, #tpu.memory_space<hbm>>) dst(%dma_wait3A_516 : memref<128x128xf32, #tpu.memory_space<vmem>>)
      %add3A_522 = arith.constant 1024 : i32
      %add3A_523 = arith.addi %mul3A_32, %add3A_522 : i32
      %dma_start3A_524 = arith.constant 1 : i32
      %dma_start3A_525 = arith.constant 0 : i32
      %dma_start3A_526 = arith.constant 0 : i32
      %dma_start3A_527 = tpu.memref_slice %arg8[%dma_start3A_524, %dma_start3A_525, %dma_start3A_526] : memref<7x128x128xf32, #tpu.memory_space<vmem>> -> memref<1x128x128xf32, #tpu.memory_space<vmem>>
      %dma_start3A_528 = tpu.memref_squeeze %dma_start3A_527 : memref<1x128x128xf32, #tpu.memory_space<vmem>> -> memref<128x128xf32, #tpu.memory_space<vmem>>
      %dma_start3A_529 = arith.constant 0 : i32
      %dma_start3A_530 = tpu.memref_slice %arg6[%add3A_523, %dma_start3A_529] : memref<32768x128xf32, #tpu.memory_space<hbm>> -> memref<128x128xf32, #tpu.memory_space<hbm>>
      %dma_start3A_531 = arith.constant 0 : i32
      %dma_start3A_532 = tpu.memref_slice %arg6[%add3A_523, %dma_start3A_531] : memref<32768x128xf32, #tpu.memory_space<hbm>> -> memref<128x128xf32, #tpu.memory_space<hbm>>
      %dma_start3A_533 = arith.constant 0 : i32
      %dma_start3A_534 = arith.constant 0 : i32
      %dma_start3A_535 = tpu.memref_slice %arg8[%dma_start3A_524, %dma_start3A_533, %dma_start3A_534] : memref<7x128x128xf32, #tpu.memory_space<vmem>> -> memref<1x128x128xf32, #tpu.memory_space<vmem>>
      %dma_start3A_536 = tpu.memref_squeeze %dma_start3A_535 : memref<1x128x128xf32, #tpu.memory_space<vmem>> -> memref<128x128xf32, #tpu.memory_space<vmem>>
      tpu.enqueue_dma source(%dma_start3A_536 : memref<128x128xf32, #tpu.memory_space<vmem>>) target(%dma_start3A_532 : memref<128x128xf32, #tpu.memory_space<hbm>>) target_semaphore(%arg10 : memref<!tpu.dma_semaphore, #tpu.memory_space<semaphore_mem>>)
      %dma_wait3A_537 = arith.constant 0 : i32
      %dma_wait3A_538 = arith.constant 0 : i32
      %dma_wait3A_539 = arith.constant 0 : i32
      %dma_wait3A_540 = tpu.memref_slice %arg8[%dma_wait3A_537, %dma_wait3A_538, %dma_wait3A_539] : memref<7x128x128xf32, #tpu.memory_space<vmem>> -> memref<1x128x128xf32, #tpu.memory_space<vmem>>
      %dma_wait3A_541 = tpu.memref_squeeze %dma_wait3A_540 : memref<1x128x128xf32, #tpu.memory_space<vmem>> -> memref<128x128xf32, #tpu.memory_space<vmem>>
      %dma_wait3A_542 = arith.constant 0 : i32
      %dma_wait3A_543 = tpu.memref_slice %arg6[%add3A_475, %dma_wait3A_542] : memref<32768x128xf32, #tpu.memory_space<hbm>> -> memref<128x128xf32, #tpu.memory_space<hbm>>
      %dma_wait3A_544 = arith.constant 0 : i32
      %dma_wait3A_545 = tpu.memref_slice %arg6[%add3A_475, %dma_wait3A_544] : memref<32768x128xf32, #tpu.memory_space<hbm>> -> memref<128x128xf32, #tpu.memory_space<hbm>>
      %dma_wait3A_546 = arith.constant 0 : i32
      %dma_wait3A_547 = arith.constant 0 : i32
      %dma_wait3A_548 = tpu.memref_slice %arg8[%dma_wait3A_537, %dma_wait3A_546, %dma_wait3A_547] : memref<7x128x128xf32, #tpu.memory_space<vmem>> -> memref<1x128x128xf32, #tpu.memory_space<vmem>>
      %dma_wait3A_549 = tpu.memref_squeeze %dma_wait3A_548 : memref<1x128x128xf32, #tpu.memory_space<vmem>> -> memref<128x128xf32, #tpu.memory_space<vmem>>
      tpu.wait_dma2 semaphore(%arg10 : memref<!tpu.dma_semaphore, #tpu.memory_space<semaphore_mem>>) src(%dma_wait3A_549 : memref<128x128xf32, #tpu.memory_space<vmem>>) dst(%dma_wait3A_545 : memref<128x128xf32, #tpu.memory_space<hbm>>)
      %dma_start3A_550 = arith.constant 0 : i32
      %dma_start3A_551 = arith.constant 0 : i32
      %dma_start3A_552 = arith.constant 0 : i32
      %dma_start3A_553 = tpu.memref_slice %arg8[%dma_start3A_550, %dma_start3A_551, %dma_start3A_552] : memref<7x128x128xf32, #tpu.memory_space<vmem>> -> memref<1x128x128xf32, #tpu.memory_space<vmem>>
      %dma_start3A_554 = tpu.memref_squeeze %dma_start3A_553 : memref<1x128x128xf32, #tpu.memory_space<vmem>> -> memref<128x128xf32, #tpu.memory_space<vmem>>
      %dma_start3A_555 = arith.constant 1792 : i32
      %dma_start3A_556 = tpu.memref_slice %arg7[%dma_start3A_555] : memref<2048xi32, #tpu.memory_space<vmem>> -> memref<128xi32, #tpu.memory_space<vmem>>
      %dma_start3A_557 = arith.constant 0 : i32
      %dma_start3A_558 = arith.constant 0 : i32
      %dma_start3A_559 = tpu.memref_slice %arg4[%dma_start3A_557, %dma_start3A_558] : memref<32768x128xf32, #tpu.memory_space<hbm>> -> memref<32768x128xf32, #tpu.memory_space<hbm>>
      tpu.enqueue_indirect_dma source(%dma_start3A_559 : memref<32768x128xf32, #tpu.memory_space<hbm>>) target(%dma_start3A_554 : memref<128x128xf32, #tpu.memory_space<vmem>>) offsets(%dma_start3A_556 : memref<128xi32, #tpu.memory_space<vmem>>) semaphore(%arg9 : memref<!tpu.dma_semaphore, #tpu.memory_space<semaphore_mem>>)
      %dma_wait3A_560 = arith.constant 2 : i32
      %dma_wait3A_561 = arith.constant 0 : i32
      %dma_wait3A_562 = arith.constant 0 : i32
      %dma_wait3A_563 = tpu.memref_slice %arg8[%dma_wait3A_560, %dma_wait3A_561, %dma_wait3A_562] : memref<7x128x128xf32, #tpu.memory_space<vmem>> -> memref<1x128x128xf32, #tpu.memory_space<vmem>>
      %dma_wait3A_564 = tpu.memref_squeeze %dma_wait3A_563 : memref<1x128x128xf32, #tpu.memory_space<vmem>> -> memref<128x128xf32, #tpu.memory_space<vmem>>
      %dma_wait3A_565 = arith.constant 1152 : i32
      %dma_wait3A_566 = tpu.memref_slice %arg7[%dma_wait3A_565] : memref<2048xi32, #tpu.memory_space<vmem>> -> memref<128xi32, #tpu.memory_space<vmem>>
      %dma_wait3A_567 = arith.constant 0 : i32
      %dma_wait3A_568 = arith.constant 0 : i32
      %dma_wait3A_569 = tpu.memref_slice %arg4[%dma_wait3A_567, %dma_wait3A_568] : memref<32768x128xf32, #tpu.memory_space<hbm>> -> memref<32768x128xf32, #tpu.memory_space<hbm>>
      tpu.wait_indirect_dma semaphore(%arg9 : memref<!tpu.dma_semaphore, #tpu.memory_space<semaphore_mem>>) src(%dma_wait3A_569 : memref<32768x128xf32, #tpu.memory_space<hbm>>) dst(%dma_wait3A_564 : memref<128x128xf32, #tpu.memory_space<vmem>>)
      %add3A_570 = arith.constant 1152 : i32
      %add3A_571 = arith.addi %mul3A_32, %add3A_570 : i32
      %dma_start3A_572 = arith.constant 2 : i32
      %dma_start3A_573 = arith.constant 0 : i32
      %dma_start3A_574 = arith.constant 0 : i32
      %dma_start3A_575 = tpu.memref_slice %arg8[%dma_start3A_572, %dma_start3A_573, %dma_start3A_574] : memref<7x128x128xf32, #tpu.memory_space<vmem>> -> memref<1x128x128xf32, #tpu.memory_space<vmem>>
      %dma_start3A_576 = tpu.memref_squeeze %dma_start3A_575 : memref<1x128x128xf32, #tpu.memory_space<vmem>> -> memref<128x128xf32, #tpu.memory_space<vmem>>
      %dma_start3A_577 = arith.constant 0 : i32
      %dma_start3A_578 = tpu.memref_slice %arg6[%add3A_571, %dma_start3A_577] : memref<32768x128xf32, #tpu.memory_space<hbm>> -> memref<128x128xf32, #tpu.memory_space<hbm>>
      %dma_start3A_579 = arith.constant 0 : i32
      %dma_start3A_580 = tpu.memref_slice %arg6[%add3A_571, %dma_start3A_579] : memref<32768x128xf32, #tpu.memory_space<hbm>> -> memref<128x128xf32, #tpu.memory_space<hbm>>
      %dma_start3A_581 = arith.constant 0 : i32
      %dma_start3A_582 = arith.constant 0 : i32
      %dma_start3A_583 = tpu.memref_slice %arg8[%dma_start3A_572, %dma_start3A_581, %dma_start3A_582] : memref<7x128x128xf32, #tpu.memory_space<vmem>> -> memref<1x128x128xf32, #tpu.memory_space<vmem>>
      %dma_start3A_584 = tpu.memref_squeeze %dma_start3A_583 : memref<1x128x128xf32, #tpu.memory_space<vmem>> -> memref<128x128xf32, #tpu.memory_space<vmem>>
      tpu.enqueue_dma source(%dma_start3A_584 : memref<128x128xf32, #tpu.memory_space<vmem>>) target(%dma_start3A_580 : memref<128x128xf32, #tpu.memory_space<hbm>>) target_semaphore(%arg10 : memref<!tpu.dma_semaphore, #tpu.memory_space<semaphore_mem>>)
      %dma_wait3A_585 = arith.constant 1 : i32
      %dma_wait3A_586 = arith.constant 0 : i32
      %dma_wait3A_587 = arith.constant 0 : i32
      %dma_wait3A_588 = tpu.memref_slice %arg8[%dma_wait3A_585, %dma_wait3A_586, %dma_wait3A_587] : memref<7x128x128xf32, #tpu.memory_space<vmem>> -> memref<1x128x128xf32, #tpu.memory_space<vmem>>
      %dma_wait3A_589 = tpu.memref_squeeze %dma_wait3A_588 : memref<1x128x128xf32, #tpu.memory_space<vmem>> -> memref<128x128xf32, #tpu.memory_space<vmem>>
      %dma_wait3A_590 = arith.constant 0 : i32
      %dma_wait3A_591 = tpu.memref_slice %arg6[%add3A_523, %dma_wait3A_590] : memref<32768x128xf32, #tpu.memory_space<hbm>> -> memref<128x128xf32, #tpu.memory_space<hbm>>
      %dma_wait3A_592 = arith.constant 0 : i32
      %dma_wait3A_593 = tpu.memref_slice %arg6[%add3A_523, %dma_wait3A_592] : memref<32768x128xf32, #tpu.memory_space<hbm>> -> memref<128x128xf32, #tpu.memory_space<hbm>>
      %dma_wait3A_594 = arith.constant 0 : i32
      %dma_wait3A_595 = arith.constant 0 : i32
      %dma_wait3A_596 = tpu.memref_slice %arg8[%dma_wait3A_585, %dma_wait3A_594, %dma_wait3A_595] : memref<7x128x128xf32, #tpu.memory_space<vmem>> -> memref<1x128x128xf32, #tpu.memory_space<vmem>>
      %dma_wait3A_597 = tpu.memref_squeeze %dma_wait3A_596 : memref<1x128x128xf32, #tpu.memory_space<vmem>> -> memref<128x128xf32, #tpu.memory_space<vmem>>
      tpu.wait_dma2 semaphore(%arg10 : memref<!tpu.dma_semaphore, #tpu.memory_space<semaphore_mem>>) src(%dma_wait3A_597 : memref<128x128xf32, #tpu.memory_space<vmem>>) dst(%dma_wait3A_593 : memref<128x128xf32, #tpu.memory_space<hbm>>)
      %dma_start3A_598 = arith.constant 1 : i32
      %dma_start3A_599 = arith.constant 0 : i32
      %dma_start3A_600 = arith.constant 0 : i32
      %dma_start3A_601 = tpu.memref_slice %arg8[%dma_start3A_598, %dma_start3A_599, %dma_start3A_600] : memref<7x128x128xf32, #tpu.memory_space<vmem>> -> memref<1x128x128xf32, #tpu.memory_space<vmem>>
      %dma_start3A_602 = tpu.memref_squeeze %dma_start3A_601 : memref<1x128x128xf32, #tpu.memory_space<vmem>> -> memref<128x128xf32, #tpu.memory_space<vmem>>
      %dma_start3A_603 = arith.constant 1920 : i32
      %dma_start3A_604 = tpu.memref_slice %arg7[%dma_start3A_603] : memref<2048xi32, #tpu.memory_space<vmem>> -> memref<128xi32, #tpu.memory_space<vmem>>
      %dma_start3A_605 = arith.constant 0 : i32
      %dma_start3A_606 = arith.constant 0 : i32
      %dma_start3A_607 = tpu.memref_slice %arg4[%dma_start3A_605, %dma_start3A_606] : memref<32768x128xf32, #tpu.memory_space<hbm>> -> memref<32768x128xf32, #tpu.memory_space<hbm>>
      tpu.enqueue_indirect_dma source(%dma_start3A_607 : memref<32768x128xf32, #tpu.memory_space<hbm>>) target(%dma_start3A_602 : memref<128x128xf32, #tpu.memory_space<vmem>>) offsets(%dma_start3A_604 : memref<128xi32, #tpu.memory_space<vmem>>) semaphore(%arg9 : memref<!tpu.dma_semaphore, #tpu.memory_space<semaphore_mem>>)
      %dma_wait3A_608 = arith.constant 3 : i32
      %dma_wait3A_609 = arith.constant 0 : i32
      %dma_wait3A_610 = arith.constant 0 : i32
      %dma_wait3A_611 = tpu.memref_slice %arg8[%dma_wait3A_608, %dma_wait3A_609, %dma_wait3A_610] : memref<7x128x128xf32, #tpu.memory_space<vmem>> -> memref<1x128x128xf32, #tpu.memory_space<vmem>>
      %dma_wait3A_612 = tpu.memref_squeeze %dma_wait3A_611 : memref<1x128x128xf32, #tpu.memory_space<vmem>> -> memref<128x128xf32, #tpu.memory_space<vmem>>
      %dma_wait3A_613 = arith.constant 1280 : i32
      %dma_wait3A_614 = tpu.memref_slice %arg7[%dma_wait3A_613] : memref<2048xi32, #tpu.memory_space<vmem>> -> memref<128xi32, #tpu.memory_space<vmem>>
      %dma_wait3A_615 = arith.constant 0 : i32
      %dma_wait3A_616 = arith.constant 0 : i32
      %dma_wait3A_617 = tpu.memref_slice %arg4[%dma_wait3A_615, %dma_wait3A_616] : memref<32768x128xf32, #tpu.memory_space<hbm>> -> memref<32768x128xf32, #tpu.memory_space<hbm>>
      tpu.wait_indirect_dma semaphore(%arg9 : memref<!tpu.dma_semaphore, #tpu.memory_space<semaphore_mem>>) src(%dma_wait3A_617 : memref<32768x128xf32, #tpu.memory_space<hbm>>) dst(%dma_wait3A_612 : memref<128x128xf32, #tpu.memory_space<vmem>>)
      %add3A_618 = arith.constant 1280 : i32
      %add3A_619 = arith.addi %mul3A_32, %add3A_618 : i32
      %dma_start3A_620 = arith.constant 3 : i32
      %dma_start3A_621 = arith.constant 0 : i32
      %dma_start3A_622 = arith.constant 0 : i32
      %dma_start3A_623 = tpu.memref_slice %arg8[%dma_start3A_620, %dma_start3A_621, %dma_start3A_622] : memref<7x128x128xf32, #tpu.memory_space<vmem>> -> memref<1x128x128xf32, #tpu.memory_space<vmem>>
      %dma_start3A_624 = tpu.memref_squeeze %dma_start3A_623 : memref<1x128x128xf32, #tpu.memory_space<vmem>> -> memref<128x128xf32, #tpu.memory_space<vmem>>
      %dma_start3A_625 = arith.constant 0 : i32
      %dma_start3A_626 = tpu.memref_slice %arg6[%add3A_619, %dma_start3A_625] : memref<32768x128xf32, #tpu.memory_space<hbm>> -> memref<128x128xf32, #tpu.memory_space<hbm>>
      %dma_start3A_627 = arith.constant 0 : i32
      %dma_start3A_628 = tpu.memref_slice %arg6[%add3A_619, %dma_start3A_627] : memref<32768x128xf32, #tpu.memory_space<hbm>> -> memref<128x128xf32, #tpu.memory_space<hbm>>
      %dma_start3A_629 = arith.constant 0 : i32
      %dma_start3A_630 = arith.constant 0 : i32
      %dma_start3A_631 = tpu.memref_slice %arg8[%dma_start3A_620, %dma_start3A_629, %dma_start3A_630] : memref<7x128x128xf32, #tpu.memory_space<vmem>> -> memref<1x128x128xf32, #tpu.memory_space<vmem>>
      %dma_start3A_632 = tpu.memref_squeeze %dma_start3A_631 : memref<1x128x128xf32, #tpu.memory_space<vmem>> -> memref<128x128xf32, #tpu.memory_space<vmem>>
      tpu.enqueue_dma source(%dma_start3A_632 : memref<128x128xf32, #tpu.memory_space<vmem>>) target(%dma_start3A_628 : memref<128x128xf32, #tpu.memory_space<hbm>>) target_semaphore(%arg10 : memref<!tpu.dma_semaphore, #tpu.memory_space<semaphore_mem>>)
      %dma_wait3A_633 = arith.constant 4 : i32
      %dma_wait3A_634 = arith.constant 0 : i32
      %dma_wait3A_635 = arith.constant 0 : i32
      %dma_wait3A_636 = tpu.memref_slice %arg8[%dma_wait3A_633, %dma_wait3A_634, %dma_wait3A_635] : memref<7x128x128xf32, #tpu.memory_space<vmem>> -> memref<1x128x128xf32, #tpu.memory_space<vmem>>
      %dma_wait3A_637 = tpu.memref_squeeze %dma_wait3A_636 : memref<1x128x128xf32, #tpu.memory_space<vmem>> -> memref<128x128xf32, #tpu.memory_space<vmem>>
      %dma_wait3A_638 = arith.constant 1408 : i32
      %dma_wait3A_639 = tpu.memref_slice %arg7[%dma_wait3A_638] : memref<2048xi32, #tpu.memory_space<vmem>> -> memref<128xi32, #tpu.memory_space<vmem>>
      %dma_wait3A_640 = arith.constant 0 : i32
      %dma_wait3A_641 = arith.constant 0 : i32
      %dma_wait3A_642 = tpu.memref_slice %arg4[%dma_wait3A_640, %dma_wait3A_641] : memref<32768x128xf32, #tpu.memory_space<hbm>> -> memref<32768x128xf32, #tpu.memory_space<hbm>>
      tpu.wait_indirect_dma semaphore(%arg9 : memref<!tpu.dma_semaphore, #tpu.memory_space<semaphore_mem>>) src(%dma_wait3A_642 : memref<32768x128xf32, #tpu.memory_space<hbm>>) dst(%dma_wait3A_637 : memref<128x128xf32, #tpu.memory_space<vmem>>)
      %add3A_643 = arith.constant 1408 : i32
      %add3A_644 = arith.addi %mul3A_32, %add3A_643 : i32
      %dma_start3A_645 = arith.constant 4 : i32
      %dma_start3A_646 = arith.constant 0 : i32
      %dma_start3A_647 = arith.constant 0 : i32
      %dma_start3A_648 = tpu.memref_slice %arg8[%dma_start3A_645, %dma_start3A_646, %dma_start3A_647] : memref<7x128x128xf32, #tpu.memory_space<vmem>> -> memref<1x128x128xf32, #tpu.memory_space<vmem>>
      %dma_start3A_649 = tpu.memref_squeeze %dma_start3A_648 : memref<1x128x128xf32, #tpu.memory_space<vmem>> -> memref<128x128xf32, #tpu.memory_space<vmem>>
      %dma_start3A_650 = arith.constant 0 : i32
      %dma_start3A_651 = tpu.memref_slice %arg6[%add3A_644, %dma_start3A_650] : memref<32768x128xf32, #tpu.memory_space<hbm>> -> memref<128x128xf32, #tpu.memory_space<hbm>>
      %dma_start3A_652 = arith.constant 0 : i32
      %dma_start3A_653 = tpu.memref_slice %arg6[%add3A_644, %dma_start3A_652] : memref<32768x128xf32, #tpu.memory_space<hbm>> -> memref<128x128xf32, #tpu.memory_space<hbm>>
      %dma_start3A_654 = arith.constant 0 : i32
      %dma_start3A_655 = arith.constant 0 : i32
      %dma_start3A_656 = tpu.memref_slice %arg8[%dma_start3A_645, %dma_start3A_654, %dma_start3A_655] : memref<7x128x128xf32, #tpu.memory_space<vmem>> -> memref<1x128x128xf32, #tpu.memory_space<vmem>>
      %dma_start3A_657 = tpu.memref_squeeze %dma_start3A_656 : memref<1x128x128xf32, #tpu.memory_space<vmem>> -> memref<128x128xf32, #tpu.memory_space<vmem>>
      tpu.enqueue_dma source(%dma_start3A_657 : memref<128x128xf32, #tpu.memory_space<vmem>>) target(%dma_start3A_653 : memref<128x128xf32, #tpu.memory_space<hbm>>) target_semaphore(%arg10 : memref<!tpu.dma_semaphore, #tpu.memory_space<semaphore_mem>>)
      %dma_wait3A_658 = arith.constant 5 : i32
      %dma_wait3A_659 = arith.constant 0 : i32
      %dma_wait3A_660 = arith.constant 0 : i32
      %dma_wait3A_661 = tpu.memref_slice %arg8[%dma_wait3A_658, %dma_wait3A_659, %dma_wait3A_660] : memref<7x128x128xf32, #tpu.memory_space<vmem>> -> memref<1x128x128xf32, #tpu.memory_space<vmem>>
      %dma_wait3A_662 = tpu.memref_squeeze %dma_wait3A_661 : memref<1x128x128xf32, #tpu.memory_space<vmem>> -> memref<128x128xf32, #tpu.memory_space<vmem>>
      %dma_wait3A_663 = arith.constant 1536 : i32
      %dma_wait3A_664 = tpu.memref_slice %arg7[%dma_wait3A_663] : memref<2048xi32, #tpu.memory_space<vmem>> -> memref<128xi32, #tpu.memory_space<vmem>>
      %dma_wait3A_665 = arith.constant 0 : i32
      %dma_wait3A_666 = arith.constant 0 : i32
      %dma_wait3A_667 = tpu.memref_slice %arg4[%dma_wait3A_665, %dma_wait3A_666] : memref<32768x128xf32, #tpu.memory_space<hbm>> -> memref<32768x128xf32, #tpu.memory_space<hbm>>
      tpu.wait_indirect_dma semaphore(%arg9 : memref<!tpu.dma_semaphore, #tpu.memory_space<semaphore_mem>>) src(%dma_wait3A_667 : memref<32768x128xf32, #tpu.memory_space<hbm>>) dst(%dma_wait3A_662 : memref<128x128xf32, #tpu.memory_space<vmem>>)
      %add3A_668 = arith.constant 1536 : i32
      %add3A_669 = arith.addi %mul3A_32, %add3A_668 : i32
      %dma_start3A_670 = arith.constant 5 : i32
      %dma_start3A_671 = arith.constant 0 : i32
      %dma_start3A_672 = arith.constant 0 : i32
      %dma_start3A_673 = tpu.memref_slice %arg8[%dma_start3A_670, %dma_start3A_671, %dma_start3A_672] : memref<7x128x128xf32, #tpu.memory_space<vmem>> -> memref<1x128x128xf32, #tpu.memory_space<vmem>>
      %dma_start3A_674 = tpu.memref_squeeze %dma_start3A_673 : memref<1x128x128xf32, #tpu.memory_space<vmem>> -> memref<128x128xf32, #tpu.memory_space<vmem>>
      %dma_start3A_675 = arith.constant 0 : i32
      %dma_start3A_676 = tpu.memref_slice %arg6[%add3A_669, %dma_start3A_675] : memref<32768x128xf32, #tpu.memory_space<hbm>> -> memref<128x128xf32, #tpu.memory_space<hbm>>
      %dma_start3A_677 = arith.constant 0 : i32
      %dma_start3A_678 = tpu.memref_slice %arg6[%add3A_669, %dma_start3A_677] : memref<32768x128xf32, #tpu.memory_space<hbm>> -> memref<128x128xf32, #tpu.memory_space<hbm>>
      %dma_start3A_679 = arith.constant 0 : i32
      %dma_start3A_680 = arith.constant 0 : i32
      %dma_start3A_681 = tpu.memref_slice %arg8[%dma_start3A_670, %dma_start3A_679, %dma_start3A_680] : memref<7x128x128xf32, #tpu.memory_space<vmem>> -> memref<1x128x128xf32, #tpu.memory_space<vmem>>
      %dma_start3A_682 = tpu.memref_squeeze %dma_start3A_681 : memref<1x128x128xf32, #tpu.memory_space<vmem>> -> memref<128x128xf32, #tpu.memory_space<vmem>>
      tpu.enqueue_dma source(%dma_start3A_682 : memref<128x128xf32, #tpu.memory_space<vmem>>) target(%dma_start3A_678 : memref<128x128xf32, #tpu.memory_space<hbm>>) target_semaphore(%arg10 : memref<!tpu.dma_semaphore, #tpu.memory_space<semaphore_mem>>)
      %dma_wait3A_683 = arith.constant 6 : i32
      %dma_wait3A_684 = arith.constant 0 : i32
      %dma_wait3A_685 = arith.constant 0 : i32
      %dma_wait3A_686 = tpu.memref_slice %arg8[%dma_wait3A_683, %dma_wait3A_684, %dma_wait3A_685] : memref<7x128x128xf32, #tpu.memory_space<vmem>> -> memref<1x128x128xf32, #tpu.memory_space<vmem>>
      %dma_wait3A_687 = tpu.memref_squeeze %dma_wait3A_686 : memref<1x128x128xf32, #tpu.memory_space<vmem>> -> memref<128x128xf32, #tpu.memory_space<vmem>>
      %dma_wait3A_688 = arith.constant 1664 : i32
      %dma_wait3A_689 = tpu.memref_slice %arg7[%dma_wait3A_688] : memref<2048xi32, #tpu.memory_space<vmem>> -> memref<128xi32, #tpu.memory_space<vmem>>
      %dma_wait3A_690 = arith.constant 0 : i32
      %dma_wait3A_691 = arith.constant 0 : i32
      %dma_wait3A_692 = tpu.memref_slice %arg4[%dma_wait3A_690, %dma_wait3A_691] : memref<32768x128xf32, #tpu.memory_space<hbm>> -> memref<32768x128xf32, #tpu.memory_space<hbm>>
      tpu.wait_indirect_dma semaphore(%arg9 : memref<!tpu.dma_semaphore, #tpu.memory_space<semaphore_mem>>) src(%dma_wait3A_692 : memref<32768x128xf32, #tpu.memory_space<hbm>>) dst(%dma_wait3A_687 : memref<128x128xf32, #tpu.memory_space<vmem>>)
      %add3A_693 = arith.constant 1664 : i32
      %add3A_694 = arith.addi %mul3A_32, %add3A_693 : i32
      %dma_start3A_695 = arith.constant 6 : i32
      %dma_start3A_696 = arith.constant 0 : i32
      %dma_start3A_697 = arith.constant 0 : i32
      %dma_start3A_698 = tpu.memref_slice %arg8[%dma_start3A_695, %dma_start3A_696, %dma_start3A_697] : memref<7x128x128xf32, #tpu.memory_space<vmem>> -> memref<1x128x128xf32, #tpu.memory_space<vmem>>
      %dma_start3A_699 = tpu.memref_squeeze %dma_start3A_698 : memref<1x128x128xf32, #tpu.memory_space<vmem>> -> memref<128x128xf32, #tpu.memory_space<vmem>>
      %dma_start3A_700 = arith.constant 0 : i32
      %dma_start3A_701 = tpu.memref_slice %arg6[%add3A_694, %dma_start3A_700] : memref<32768x128xf32, #tpu.memory_space<hbm>> -> memref<128x128xf32, #tpu.memory_space<hbm>>
      %dma_start3A_702 = arith.constant 0 : i32
      %dma_start3A_703 = tpu.memref_slice %arg6[%add3A_694, %dma_start3A_702] : memref<32768x128xf32, #tpu.memory_space<hbm>> -> memref<128x128xf32, #tpu.memory_space<hbm>>
      %dma_start3A_704 = arith.constant 0 : i32
      %dma_start3A_705 = arith.constant 0 : i32
      %dma_start3A_706 = tpu.memref_slice %arg8[%dma_start3A_695, %dma_start3A_704, %dma_start3A_705] : memref<7x128x128xf32, #tpu.memory_space<vmem>> -> memref<1x128x128xf32, #tpu.memory_space<vmem>>
      %dma_start3A_707 = tpu.memref_squeeze %dma_start3A_706 : memref<1x128x128xf32, #tpu.memory_space<vmem>> -> memref<128x128xf32, #tpu.memory_space<vmem>>
      tpu.enqueue_dma source(%dma_start3A_707 : memref<128x128xf32, #tpu.memory_space<vmem>>) target(%dma_start3A_703 : memref<128x128xf32, #tpu.memory_space<hbm>>) target_semaphore(%arg10 : memref<!tpu.dma_semaphore, #tpu.memory_space<semaphore_mem>>)
      %dma_wait3A_708 = arith.constant 0 : i32
      %dma_wait3A_709 = arith.constant 0 : i32
      %dma_wait3A_710 = arith.constant 0 : i32
      %dma_wait3A_711 = tpu.memref_slice %arg8[%dma_wait3A_708, %dma_wait3A_709, %dma_wait3A_710] : memref<7x128x128xf32, #tpu.memory_space<vmem>> -> memref<1x128x128xf32, #tpu.memory_space<vmem>>
      %dma_wait3A_712 = tpu.memref_squeeze %dma_wait3A_711 : memref<1x128x128xf32, #tpu.memory_space<vmem>> -> memref<128x128xf32, #tpu.memory_space<vmem>>
      %dma_wait3A_713 = arith.constant 1792 : i32
      %dma_wait3A_714 = tpu.memref_slice %arg7[%dma_wait3A_713] : memref<2048xi32, #tpu.memory_space<vmem>> -> memref<128xi32, #tpu.memory_space<vmem>>
      %dma_wait3A_715 = arith.constant 0 : i32
      %dma_wait3A_716 = arith.constant 0 : i32
      %dma_wait3A_717 = tpu.memref_slice %arg4[%dma_wait3A_715, %dma_wait3A_716] : memref<32768x128xf32, #tpu.memory_space<hbm>> -> memref<32768x128xf32, #tpu.memory_space<hbm>>
      tpu.wait_indirect_dma semaphore(%arg9 : memref<!tpu.dma_semaphore, #tpu.memory_space<semaphore_mem>>) src(%dma_wait3A_717 : memref<32768x128xf32, #tpu.memory_space<hbm>>) dst(%dma_wait3A_712 : memref<128x128xf32, #tpu.memory_space<vmem>>)
      %add3A_718 = arith.constant 1792 : i32
      %add3A_719 = arith.addi %mul3A_32, %add3A_718 : i32
      %dma_start3A_720 = arith.constant 0 : i32
      %dma_start3A_721 = arith.constant 0 : i32
      %dma_start3A_722 = arith.constant 0 : i32
      %dma_start3A_723 = tpu.memref_slice %arg8[%dma_start3A_720, %dma_start3A_721, %dma_start3A_722] : memref<7x128x128xf32, #tpu.memory_space<vmem>> -> memref<1x128x128xf32, #tpu.memory_space<vmem>>
      %dma_start3A_724 = tpu.memref_squeeze %dma_start3A_723 : memref<1x128x128xf32, #tpu.memory_space<vmem>> -> memref<128x128xf32, #tpu.memory_space<vmem>>
      %dma_start3A_725 = arith.constant 0 : i32
      %dma_start3A_726 = tpu.memref_slice %arg6[%add3A_719, %dma_start3A_725] : memref<32768x128xf32, #tpu.memory_space<hbm>> -> memref<128x128xf32, #tpu.memory_space<hbm>>
      %dma_start3A_727 = arith.constant 0 : i32
      %dma_start3A_728 = tpu.memref_slice %arg6[%add3A_719, %dma_start3A_727] : memref<32768x128xf32, #tpu.memory_space<hbm>> -> memref<128x128xf32, #tpu.memory_space<hbm>>
      %dma_start3A_729 = arith.constant 0 : i32
      %dma_start3A_730 = arith.constant 0 : i32
      %dma_start3A_731 = tpu.memref_slice %arg8[%dma_start3A_720, %dma_start3A_729, %dma_start3A_730] : memref<7x128x128xf32, #tpu.memory_space<vmem>> -> memref<1x128x128xf32, #tpu.memory_space<vmem>>
      %dma_start3A_732 = tpu.memref_squeeze %dma_start3A_731 : memref<1x128x128xf32, #tpu.memory_space<vmem>> -> memref<128x128xf32, #tpu.memory_space<vmem>>
      tpu.enqueue_dma source(%dma_start3A_732 : memref<128x128xf32, #tpu.memory_space<vmem>>) target(%dma_start3A_728 : memref<128x128xf32, #tpu.memory_space<hbm>>) target_semaphore(%arg10 : memref<!tpu.dma_semaphore, #tpu.memory_space<semaphore_mem>>)
      %dma_wait3A_733 = arith.constant 1 : i32
      %dma_wait3A_734 = arith.constant 0 : i32
      %dma_wait3A_735 = arith.constant 0 : i32
      %dma_wait3A_736 = tpu.memref_slice %arg8[%dma_wait3A_733, %dma_wait3A_734, %dma_wait3A_735] : memref<7x128x128xf32, #tpu.memory_space<vmem>> -> memref<1x128x128xf32, #tpu.memory_space<vmem>>
      %dma_wait3A_737 = tpu.memref_squeeze %dma_wait3A_736 : memref<1x128x128xf32, #tpu.memory_space<vmem>> -> memref<128x128xf32, #tpu.memory_space<vmem>>
      %dma_wait3A_738 = arith.constant 1920 : i32
      %dma_wait3A_739 = tpu.memref_slice %arg7[%dma_wait3A_738] : memref<2048xi32, #tpu.memory_space<vmem>> -> memref<128xi32, #tpu.memory_space<vmem>>
      %dma_wait3A_740 = arith.constant 0 : i32
      %dma_wait3A_741 = arith.constant 0 : i32
      %dma_wait3A_742 = tpu.memref_slice %arg4[%dma_wait3A_740, %dma_wait3A_741] : memref<32768x128xf32, #tpu.memory_space<hbm>> -> memref<32768x128xf32, #tpu.memory_space<hbm>>
      tpu.wait_indirect_dma semaphore(%arg9 : memref<!tpu.dma_semaphore, #tpu.memory_space<semaphore_mem>>) src(%dma_wait3A_742 : memref<32768x128xf32, #tpu.memory_space<hbm>>) dst(%dma_wait3A_737 : memref<128x128xf32, #tpu.memory_space<vmem>>)
      %add3A_743 = arith.constant 1920 : i32
      %add3A_744 = arith.addi %mul3A_32, %add3A_743 : i32
      %dma_start3A_745 = arith.constant 1 : i32
      %dma_start3A_746 = arith.constant 0 : i32
      %dma_start3A_747 = arith.constant 0 : i32
      %dma_start3A_748 = tpu.memref_slice %arg8[%dma_start3A_745, %dma_start3A_746, %dma_start3A_747] : memref<7x128x128xf32, #tpu.memory_space<vmem>> -> memref<1x128x128xf32, #tpu.memory_space<vmem>>
      %dma_start3A_749 = tpu.memref_squeeze %dma_start3A_748 : memref<1x128x128xf32, #tpu.memory_space<vmem>> -> memref<128x128xf32, #tpu.memory_space<vmem>>
      %dma_start3A_750 = arith.constant 0 : i32
      %dma_start3A_751 = tpu.memref_slice %arg6[%add3A_744, %dma_start3A_750] : memref<32768x128xf32, #tpu.memory_space<hbm>> -> memref<128x128xf32, #tpu.memory_space<hbm>>
      %dma_start3A_752 = arith.constant 0 : i32
      %dma_start3A_753 = tpu.memref_slice %arg6[%add3A_744, %dma_start3A_752] : memref<32768x128xf32, #tpu.memory_space<hbm>> -> memref<128x128xf32, #tpu.memory_space<hbm>>
      %dma_start3A_754 = arith.constant 0 : i32
      %dma_start3A_755 = arith.constant 0 : i32
      %dma_start3A_756 = tpu.memref_slice %arg8[%dma_start3A_745, %dma_start3A_754, %dma_start3A_755] : memref<7x128x128xf32, #tpu.memory_space<vmem>> -> memref<1x128x128xf32, #tpu.memory_space<vmem>>
      %dma_start3A_757 = tpu.memref_squeeze %dma_start3A_756 : memref<1x128x128xf32, #tpu.memory_space<vmem>> -> memref<128x128xf32, #tpu.memory_space<vmem>>
      tpu.enqueue_dma source(%dma_start3A_757 : memref<128x128xf32, #tpu.memory_space<vmem>>) target(%dma_start3A_753 : memref<128x128xf32, #tpu.memory_space<hbm>>) target_semaphore(%arg10 : memref<!tpu.dma_semaphore, #tpu.memory_space<semaphore_mem>>)
      %dma_wait3A_758 = arith.constant 2 : i32
      %dma_wait3A_759 = arith.constant 0 : i32
      %dma_wait3A_760 = arith.constant 0 : i32
      %dma_wait3A_761 = tpu.memref_slice %arg8[%dma_wait3A_758, %dma_wait3A_759, %dma_wait3A_760] : memref<7x128x128xf32, #tpu.memory_space<vmem>> -> memref<1x128x128xf32, #tpu.memory_space<vmem>>
      %dma_wait3A_762 = tpu.memref_squeeze %dma_wait3A_761 : memref<1x128x128xf32, #tpu.memory_space<vmem>> -> memref<128x128xf32, #tpu.memory_space<vmem>>
      %dma_wait3A_763 = arith.constant 0 : i32
      %dma_wait3A_764 = tpu.memref_slice %arg6[%add3A_571, %dma_wait3A_763] : memref<32768x128xf32, #tpu.memory_space<hbm>> -> memref<128x128xf32, #tpu.memory_space<hbm>>
      %dma_wait3A_765 = arith.constant 0 : i32
      %dma_wait3A_766 = tpu.memref_slice %arg6[%add3A_571, %dma_wait3A_765] : memref<32768x128xf32, #tpu.memory_space<hbm>> -> memref<128x128xf32, #tpu.memory_space<hbm>>
      %dma_wait3A_767 = arith.constant 0 : i32
      %dma_wait3A_768 = arith.constant 0 : i32
      %dma_wait3A_769 = tpu.memref_slice %arg8[%dma_wait3A_758, %dma_wait3A_767, %dma_wait3A_768] : memref<7x128x128xf32, #tpu.memory_space<vmem>> -> memref<1x128x128xf32, #tpu.memory_space<vmem>>
      %dma_wait3A_770 = tpu.memref_squeeze %dma_wait3A_769 : memref<1x128x128xf32, #tpu.memory_space<vmem>> -> memref<128x128xf32, #tpu.memory_space<vmem>>
      tpu.wait_dma2 semaphore(%arg10 : memref<!tpu.dma_semaphore, #tpu.memory_space<semaphore_mem>>) src(%dma_wait3A_770 : memref<128x128xf32, #tpu.memory_space<vmem>>) dst(%dma_wait3A_766 : memref<128x128xf32, #tpu.memory_space<hbm>>)
      %dma_wait3A_771 = arith.constant 3 : i32
      %dma_wait3A_772 = arith.constant 0 : i32
      %dma_wait3A_773 = arith.constant 0 : i32
      %dma_wait3A_774 = tpu.memref_slice %arg8[%dma_wait3A_771, %dma_wait3A_772, %dma_wait3A_773] : memref<7x128x128xf32, #tpu.memory_space<vmem>> -> memref<1x128x128xf32, #tpu.memory_space<vmem>>
      %dma_wait3A_775 = tpu.memref_squeeze %dma_wait3A_774 : memref<1x128x128xf32, #tpu.memory_space<vmem>> -> memref<128x128xf32, #tpu.memory_space<vmem>>
      %dma_wait3A_776 = arith.constant 0 : i32
      %dma_wait3A_777 = tpu.memref_slice %arg6[%add3A_619, %dma_wait3A_776] : memref<32768x128xf32, #tpu.memory_space<hbm>> -> memref<128x128xf32, #tpu.memory_space<hbm>>
      %dma_wait3A_778 = arith.constant 0 : i32
      %dma_wait3A_779 = tpu.memref_slice %arg6[%add3A_619, %dma_wait3A_778] : memref<32768x128xf32, #tpu.memory_space<hbm>> -> memref<128x128xf32, #tpu.memory_space<hbm>>
      %dma_wait3A_780 = arith.constant 0 : i32
      %dma_wait3A_781 = arith.constant 0 : i32
      %dma_wait3A_782 = tpu.memref_slice %arg8[%dma_wait3A_771, %dma_wait3A_780, %dma_wait3A_781] : memref<7x128x128xf32, #tpu.memory_space<vmem>> -> memref<1x128x128xf32, #tpu.memory_space<vmem>>
      %dma_wait3A_783 = tpu.memref_squeeze %dma_wait3A_782 : memref<1x128x128xf32, #tpu.memory_space<vmem>> -> memref<128x128xf32, #tpu.memory_space<vmem>>
      tpu.wait_dma2 semaphore(%arg10 : memref<!tpu.dma_semaphore, #tpu.memory_space<semaphore_mem>>) src(%dma_wait3A_783 : memref<128x128xf32, #tpu.memory_space<vmem>>) dst(%dma_wait3A_779 : memref<128x128xf32, #tpu.memory_space<hbm>>)
      %dma_wait3A_784 = arith.constant 4 : i32
      %dma_wait3A_785 = arith.constant 0 : i32
      %dma_wait3A_786 = arith.constant 0 : i32
      %dma_wait3A_787 = tpu.memref_slice %arg8[%dma_wait3A_784, %dma_wait3A_785, %dma_wait3A_786] : memref<7x128x128xf32, #tpu.memory_space<vmem>> -> memref<1x128x128xf32, #tpu.memory_space<vmem>>
      %dma_wait3A_788 = tpu.memref_squeeze %dma_wait3A_787 : memref<1x128x128xf32, #tpu.memory_space<vmem>> -> memref<128x128xf32, #tpu.memory_space<vmem>>
      %dma_wait3A_789 = arith.constant 0 : i32
      %dma_wait3A_790 = tpu.memref_slice %arg6[%add3A_644, %dma_wait3A_789] : memref<32768x128xf32, #tpu.memory_space<hbm>> -> memref<128x128xf32, #tpu.memory_space<hbm>>
      %dma_wait3A_791 = arith.constant 0 : i32
      %dma_wait3A_792 = tpu.memref_slice %arg6[%add3A_644, %dma_wait3A_791] : memref<32768x128xf32, #tpu.memory_space<hbm>> -> memref<128x128xf32, #tpu.memory_space<hbm>>
      %dma_wait3A_793 = arith.constant 0 : i32
      %dma_wait3A_794 = arith.constant 0 : i32
      %dma_wait3A_795 = tpu.memref_slice %arg8[%dma_wait3A_784, %dma_wait3A_793, %dma_wait3A_794] : memref<7x128x128xf32, #tpu.memory_space<vmem>> -> memref<1x128x128xf32, #tpu.memory_space<vmem>>
      %dma_wait3A_796 = tpu.memref_squeeze %dma_wait3A_795 : memref<1x128x128xf32, #tpu.memory_space<vmem>> -> memref<128x128xf32, #tpu.memory_space<vmem>>
      tpu.wait_dma2 semaphore(%arg10 : memref<!tpu.dma_semaphore, #tpu.memory_space<semaphore_mem>>) src(%dma_wait3A_796 : memref<128x128xf32, #tpu.memory_space<vmem>>) dst(%dma_wait3A_792 : memref<128x128xf32, #tpu.memory_space<hbm>>)
      %dma_wait3A_797 = arith.constant 5 : i32
      %dma_wait3A_798 = arith.constant 0 : i32
      %dma_wait3A_799 = arith.constant 0 : i32
      %dma_wait3A_800 = tpu.memref_slice %arg8[%dma_wait3A_797, %dma_wait3A_798, %dma_wait3A_799] : memref<7x128x128xf32, #tpu.memory_space<vmem>> -> memref<1x128x128xf32, #tpu.memory_space<vmem>>
      %dma_wait3A_801 = tpu.memref_squeeze %dma_wait3A_800 : memref<1x128x128xf32, #tpu.memory_space<vmem>> -> memref<128x128xf32, #tpu.memory_space<vmem>>
      %dma_wait3A_802 = arith.constant 0 : i32
      %dma_wait3A_803 = tpu.memref_slice %arg6[%add3A_669, %dma_wait3A_802] : memref<32768x128xf32, #tpu.memory_space<hbm>> -> memref<128x128xf32, #tpu.memory_space<hbm>>
      %dma_wait3A_804 = arith.constant 0 : i32
      %dma_wait3A_805 = tpu.memref_slice %arg6[%add3A_669, %dma_wait3A_804] : memref<32768x128xf32, #tpu.memory_space<hbm>> -> memref<128x128xf32, #tpu.memory_space<hbm>>
      %dma_wait3A_806 = arith.constant 0 : i32
      %dma_wait3A_807 = arith.constant 0 : i32
      %dma_wait3A_808 = tpu.memref_slice %arg8[%dma_wait3A_797, %dma_wait3A_806, %dma_wait3A_807] : memref<7x128x128xf32, #tpu.memory_space<vmem>> -> memref<1x128x128xf32, #tpu.memory_space<vmem>>
      %dma_wait3A_809 = tpu.memref_squeeze %dma_wait3A_808 : memref<1x128x128xf32, #tpu.memory_space<vmem>> -> memref<128x128xf32, #tpu.memory_space<vmem>>
      tpu.wait_dma2 semaphore(%arg10 : memref<!tpu.dma_semaphore, #tpu.memory_space<semaphore_mem>>) src(%dma_wait3A_809 : memref<128x128xf32, #tpu.memory_space<vmem>>) dst(%dma_wait3A_805 : memref<128x128xf32, #tpu.memory_space<hbm>>)
      %dma_wait3A_810 = arith.constant 6 : i32
      %dma_wait3A_811 = arith.constant 0 : i32
      %dma_wait3A_812 = arith.constant 0 : i32
      %dma_wait3A_813 = tpu.memref_slice %arg8[%dma_wait3A_810, %dma_wait3A_811, %dma_wait3A_812] : memref<7x128x128xf32, #tpu.memory_space<vmem>> -> memref<1x128x128xf32, #tpu.memory_space<vmem>>
      %dma_wait3A_814 = tpu.memref_squeeze %dma_wait3A_813 : memref<1x128x128xf32, #tpu.memory_space<vmem>> -> memref<128x128xf32, #tpu.memory_space<vmem>>
      %dma_wait3A_815 = arith.constant 0 : i32
      %dma_wait3A_816 = tpu.memref_slice %arg6[%add3A_694, %dma_wait3A_815] : memref<32768x128xf32, #tpu.memory_space<hbm>> -> memref<128x128xf32, #tpu.memory_space<hbm>>
      %dma_wait3A_817 = arith.constant 0 : i32
      %dma_wait3A_818 = tpu.memref_slice %arg6[%add3A_694, %dma_wait3A_817] : memref<32768x128xf32, #tpu.memory_space<hbm>> -> memref<128x128xf32, #tpu.memory_space<hbm>>
      %dma_wait3A_819 = arith.constant 0 : i32
      %dma_wait3A_820 = arith.constant 0 : i32
      %dma_wait3A_821 = tpu.memref_slice %arg8[%dma_wait3A_810, %dma_wait3A_819, %dma_wait3A_820] : memref<7x128x128xf32, #tpu.memory_space<vmem>> -> memref<1x128x128xf32, #tpu.memory_space<vmem>>
      %dma_wait3A_822 = tpu.memref_squeeze %dma_wait3A_821 : memref<1x128x128xf32, #tpu.memory_space<vmem>> -> memref<128x128xf32, #tpu.memory_space<vmem>>
      tpu.wait_dma2 semaphore(%arg10 : memref<!tpu.dma_semaphore, #tpu.memory_space<semaphore_mem>>) src(%dma_wait3A_822 : memref<128x128xf32, #tpu.memory_space<vmem>>) dst(%dma_wait3A_818 : memref<128x128xf32, #tpu.memory_space<hbm>>)
      %dma_wait3A_823 = arith.constant 0 : i32
      %dma_wait3A_824 = arith.constant 0 : i32
      %dma_wait3A_825 = arith.constant 0 : i32
      %dma_wait3A_826 = tpu.memref_slice %arg8[%dma_wait3A_823, %dma_wait3A_824, %dma_wait3A_825] : memref<7x128x128xf32, #tpu.memory_space<vmem>> -> memref<1x128x128xf32, #tpu.memory_space<vmem>>
      %dma_wait3A_827 = tpu.memref_squeeze %dma_wait3A_826 : memref<1x128x128xf32, #tpu.memory_space<vmem>> -> memref<128x128xf32, #tpu.memory_space<vmem>>
      %dma_wait3A_828 = arith.constant 0 : i32
      %dma_wait3A_829 = tpu.memref_slice %arg6[%add3A_719, %dma_wait3A_828] : memref<32768x128xf32, #tpu.memory_space<hbm>> -> memref<128x128xf32, #tpu.memory_space<hbm>>
      %dma_wait3A_830 = arith.constant 0 : i32
      %dma_wait3A_831 = tpu.memref_slice %arg6[%add3A_719, %dma_wait3A_830] : memref<32768x128xf32, #tpu.memory_space<hbm>> -> memref<128x128xf32, #tpu.memory_space<hbm>>
      %dma_wait3A_832 = arith.constant 0 : i32
      %dma_wait3A_833 = arith.constant 0 : i32
      %dma_wait3A_834 = tpu.memref_slice %arg8[%dma_wait3A_823, %dma_wait3A_832, %dma_wait3A_833] : memref<7x128x128xf32, #tpu.memory_space<vmem>> -> memref<1x128x128xf32, #tpu.memory_space<vmem>>
      %dma_wait3A_835 = tpu.memref_squeeze %dma_wait3A_834 : memref<1x128x128xf32, #tpu.memory_space<vmem>> -> memref<128x128xf32, #tpu.memory_space<vmem>>
      tpu.wait_dma2 semaphore(%arg10 : memref<!tpu.dma_semaphore, #tpu.memory_space<semaphore_mem>>) src(%dma_wait3A_835 : memref<128x128xf32, #tpu.memory_space<vmem>>) dst(%dma_wait3A_831 : memref<128x128xf32, #tpu.memory_space<hbm>>)
      %dma_wait3A_836 = arith.constant 1 : i32
      %dma_wait3A_837 = arith.constant 0 : i32
      %dma_wait3A_838 = arith.constant 0 : i32
      %dma_wait3A_839 = tpu.memref_slice %arg8[%dma_wait3A_836, %dma_wait3A_837, %dma_wait3A_838] : memref<7x128x128xf32, #tpu.memory_space<vmem>> -> memref<1x128x128xf32, #tpu.memory_space<vmem>>
      %dma_wait3A_840 = tpu.memref_squeeze %dma_wait3A_839 : memref<1x128x128xf32, #tpu.memory_space<vmem>> -> memref<128x128xf32, #tpu.memory_space<vmem>>
      %dma_wait3A_841 = arith.constant 0 : i32
      %dma_wait3A_842 = tpu.memref_slice %arg6[%add3A_744, %dma_wait3A_841] : memref<32768x128xf32, #tpu.memory_space<hbm>> -> memref<128x128xf32, #tpu.memory_space<hbm>>
      %dma_wait3A_843 = arith.constant 0 : i32
      %dma_wait3A_844 = tpu.memref_slice %arg6[%add3A_744, %dma_wait3A_843] : memref<32768x128xf32, #tpu.memory_space<hbm>> -> memref<128x128xf32, #tpu.memory_space<hbm>>
      %dma_wait3A_845 = arith.constant 0 : i32
      %dma_wait3A_846 = arith.constant 0 : i32
      %dma_wait3A_847 = tpu.memref_slice %arg8[%dma_wait3A_836, %dma_wait3A_845, %dma_wait3A_846] : memref<7x128x128xf32, #tpu.memory_space<vmem>> -> memref<1x128x128xf32, #tpu.memory_space<vmem>>
      %dma_wait3A_848 = tpu.memref_squeeze %dma_wait3A_847 : memref<1x128x128xf32, #tpu.memory_space<vmem>> -> memref<128x128xf32, #tpu.memory_space<vmem>>
      tpu.wait_dma2 semaphore(%arg10 : memref<!tpu.dma_semaphore, #tpu.memory_space<semaphore_mem>>) src(%dma_wait3A_848 : memref<128x128xf32, #tpu.memory_space<vmem>>) dst(%dma_wait3A_844 : memref<128x128xf32, #tpu.memory_space<hbm>>)
    } else {
    }
    return
  }
}

</mosaic_0001>

<sc_bundles>
// kernel: kernel.3.cloned.1.call-start
scs
__scs_entry_jumppad:
0x0: {  	(pc) =	sbr.rel $0x88, $3  }
0x1: {  	(tag) =	ssettag $0x0;
	lr =	simm.s32 $0x1  }
0x2: {  	[smem:$0x3F9E] =	sst lr;
	_ =	strace $0xD0000000  }
0x3: {  	_ = 	snop  }
0x4: {  	_ = 	snop  }
0x5: {  	_ = 	snop  }
0x6: {  	_ = 	snop  }
0x7: {  	_ = 	snop  }
__scs_overlays_trampoline_lowered:
0x8: {  	[smem:$0x3FAD] =	sst s0  }
0x9: {  	[smem:$0x3FAE] =	sst s1  }
0xa: {  	[smem:$0x3FAF] =	sst s2  }
0xb: {  	[smem:$0x3FB0] =	sst s3  }
0xc: {  	[smem:$0x3FB1] =	sst s4  }
0xd: {  	[smem:$0x3FB2] =	sst s5  }
0xe: {  	[smem:$0x3FB3] =	sst s6  }
0xf: {  	[smem:$0x3FB4] =	sst s7  }
0x10: {  	[smem:$0x3FB5] =	sst s8  }
0x11: {  	[smem:$0x3FB6] =	sst s9;
	s0 =	simm.s32 @!p0 $0x0  }
0x12: {  	s1 =	sld [smem:$0x3F9C];
	s0 =	simm.s32 @p0 $0x1  }
0x13: {  	[smem:$0x3FB7] =	sst s0;
	s0 =	simm.s32 @!p1 $0x0  }
0x14: {  	s2 =	sld [smem:$0x3F9B];
	s0 =	simm.s32 @p1 $0x1  }
0x15: {  	[smem:$0x3FB8] =	sst s0;
	s0 =	simm.s32 @!p2 $0x0  }
0x16: {  	s3 =	sld [smem:$0x3FDB];
	s0 =	simm.s32 @p2 $0x1  }
0x17: {  	s4 =	simm.s32 $0x1BF5;
	[smem:$0x3FBA] =	sst s0  }
0x18: {  	s0 =	sld [smem:$0x3F9D];
	_ =	swait.ge [sflag:s4], $0x0  }
0x19: {  	s7 =	sld [smem:$0x3F9E]  }
0x1a: {  	s8 =	sadd.s32 $0xFFFFE003, lr  }
0x1b: {  	s9 =	sadd.s32 $0xFFFFFEF7, lr;
	s5 =	simm.s32 $0xFFFFFFFF;
	p2 =	slt.u32 s8, $0xFFFFF086  }
0x1c: {  	p1 =	slt.u32 s9, $0xF7A;
	s5 =	simm.s32 @!p2 $0x0  }
0x1d: {  	s5 =	simm.s32 @p1 $0x1;
	p0 =	seq.s32 s7, s2  }
0x1e: {  	s7 =	smul.u32 @!p0 $0xF7A, s2;
	p2 =	seq.s32 @!p0 s5, $0x0  }
0x1f: {  	s9 =	smul.u32 $0xF7A, s1;
	s8 =	simm.s32 @!p0 $0x1BF5;
	p2 =	por !p2, p0  }
0x20: {  	[sflag:s8] =	ssyncset.s32 @!p0 $0xFFFFF086;
	s6 =	sadd.s32 @!p0 s3, s7;
	s7 =	simm.s32 @!p0 $0x108  }
0x21: {  	s3 =	sadd.s32 s3, s9;
	s6 =	sadd.s32 @!p0 $0x88, s6;
	s7 =	simm.s32 @p2 $0x1082  }
0x22: {  	[simem:s7], [sflag:s8] =	dma.local @!p0 [hbm:s6], $0xF7A  }
0x23: {  	s9 =	sor.u32 $0xD0000000, s2;
	s6 =	simm.s32 $0x108;
	_ =	swait.ge @!p0 [sflag:s8], $0x0  }
0x24: {  	s3 =	sadd.s32 $0x88, s3;
	s6 =	simm.s32 @!p1 $0x1082;
	[sflag:s4] =	ssyncset.s32 $0xFFFFF086  }
0x25: {  	[simem:s6], [sflag:s4] =	dma.local [hbm:s3], $0xF7A  }
0x26: {  	[smem:$0x3F9E] =	sst s1;
	(tag) =	ssettag s2;
	_ =	strace s9  }
0x27: {  	s1 =	sld [smem:$0x3FAE]  }
0x28: {  	s2 =	sld [smem:$0x3FAF]  }
0x29: {  	s4 =	sld [smem:$0x3FB1]  }
0x2a: {  	p0 =	seq.s32 s5, $0x0;
	s5 =	sld [smem:$0x3FB2]  }
0x2b: {  	s6 =	sld [smem:$0x3FB3]  }
0x2c: {  	s7 =	sld [smem:$0x3FB4]  }
0x2d: {  	s3 =	simm.s32 $0x108;
	s8 =	sld [smem:$0x3FB5]  }
0x2e: {  	s3 =	simm.s32 @!p0 $0x1082;
	s9 =	sld [smem:$0x3FB6]  }
0x2f: {  	lr =	sadd.s32 s0, s3;
	s0 =	sld [smem:$0x3FAD]  }
0x30: {  	s3 =	sld [smem:$0x3FB0]  }
0x31: {  	[smem:$0x3FB9] =	sst s10  }
0x32: {  	s10 =	sld [smem:$0x3FB7];
	_ =	sdelay $0x3  }
0x33: {  	p0 =	seq.s32 s10, $0x1;
	s10 =	sld [smem:$0x3FB9];
	_ =	sdelay $0x3  }
0x34: {  	[smem:$0x3FB9] =	sst s10  }
0x35: {  	s10 =	sld [smem:$0x3FB8];
	_ =	sdelay $0x3  }
0x36: {  	p1 =	seq.s32 s10, $0x1;
	s10 =	sld [smem:$0x3FB9];
	_ =	sdelay $0x3  }
0x37: {  	[smem:$0x3FB9] =	sst s10  }
0x38: {  	s10 =	sld [smem:$0x3FBA]  }
0x39: {  	_ = 	snop;
	(pc) =	sbr.ind lr, $3  }
0x3a: {  	_ = 	snop  }
0x3b: {  	_ = 	snop  }
0x3c: {  	p2 =	seq.s32 s10, $0x1;
	s10 =	sld [smem:$0x3FB9]  }
0x3d: {  	_ =	shalt  }
0x3e: {  	_ =	shalt  }
0x3f: {  	_ =	shalt  }
0x40: {  	_ =	shalt  }
0x41: {  	_ =	shalt  }
0x42: {  	_ =	shalt  }
0x43: {  	_ =	shalt  }
0x44: {  	_ =	shalt  }
0x45: {  	_ =	shalt  }
0x46: {  	_ =	shalt  }
0x47: {  	_ =	shalt  }
0x48: {  	_ =	shalt  }
0x49: {  	_ =	shalt  }
0x4a: {  	_ =	shalt  }
0x4b: {  	_ =	shalt  }
0x4c: {  	_ =	shalt  }
0x4d: {  	_ =	shalt  }
0x4e: {  	_ =	shalt  }
0x4f: {  	_ =	shalt  }
0x50: {  	_ =	shalt  }
0x51: {  	_ =	shalt  }
0x52: {  	_ =	shalt  }
0x53: {  	_ =	shalt  }
0x54: {  	_ =	shalt  }
0x55: {  	_ =	shalt  }
0x56: {  	_ =	shalt  }
0x57: {  	_ =	shalt  }
0x58: {  	_ =	shalt  }
0x59: {  	_ =	shalt  }
0x5a: {  	_ =	shalt  }
0x5b: {  	_ =	shalt  }
0x5c: {  	_ =	shalt  }
0x5d: {  	_ =	shalt  }
0x5e: {  	_ =	shalt  }
0x5f: {  	_ =	shalt  }
0x60: {  	_ =	shalt  }
0x61: {  	_ =	shalt  }
0x62: {  	_ =	shalt  }
0x63: {  	_ =	shalt  }
0x64: {  	_ =	shalt  }
0x65: {  	_ =	shalt  }
0x66: {  	_ =	shalt  }
0x67: {  	_ =	shalt  }
0x68: {  	_ =	shalt  }
0x69: {  	_ =	shalt  }
0x6a: {  	_ =	shalt  }
0x6b: {  	_ =	shalt  }
0x6c: {  	_ =	shalt  }
0x6d: {  	_ =	shalt  }
0x6e: {  	_ =	shalt  }
0x6f: {  	_ =	shalt  }
0x70: {  	_ =	shalt  }
0x71: {  	_ =	shalt  }
0x72: {  	_ =	shalt  }
0x73: {  	_ =	shalt  }
0x74: {  	_ =	shalt  }
0x75: {  	_ =	shalt  }
0x76: {  	_ =	shalt  }
0x77: {  	_ =	shalt  }
0x78: {  	_ =	shalt  }
0x79: {  	_ =	shalt  }
0x7a: {  	_ =	shalt  }
0x7b: {  	_ =	shalt  }
0x7c: {  	_ =	shalt  }
0x7d: {  	_ =	shalt  }
0x7e: {  	_ =	shalt  }
0x7f: {  	_ =	shalt  }
0x80: {  	_ =	shalt  }
0x81: {  	_ =	shalt  }
0x82: {  	_ =	shalt  }
0x83: {  	_ =	shalt  }
0x84: {  	_ =	shalt  }
0x85: {  	_ =	shalt  }
0x86: {  	_ =	shalt  }
0x87: {  	_ =	shalt  }
.Lfunc_end0:
.L_simem_size_0:
called_computation_lowered:
.L_overlay_start_0:
0x88: {  	s2 =	sld [smem:$0x3FD9]  }
0x89: {  	s3 =	sld [smem:$0x3FFE];
	_ =	sdelay $0x1  }
0x8a: {  	s1 =	srdreg.scid  }
0x8b: {  	s0 =	sand.u32 $0x1, s1  }
0x8c: {  	s15 =	sshll.u32 s0, $0xA;
	s2 =	sadd.s32 s3, s2  }
0x8d: {  	s2 =	sadd.s32 s2, s15  }
0x8e: {  	[smem:$0x3FC5] =	sst s2  }
0x8f: {  	_ = 	snop  }
0x90: {  	s2 =	sld [smem:$0x3FD0]  }
0x91: {  	s16 =	sld [smem:$0x3FC9]  }
0x92: {  	s4 =	sld [smem:$0x3FC8]  }
0x93: {  	s6 =	simm.s32 $0xA;
	s7 =	simm.s32 $0x10;
	s5 =	sld [smem:$0x3FC7]  }
0x94: {  	[smem:s7], [sflag:s6] =	dma.local [hbm:s2], $0x1  }
0x95: {  	_ =	swait.eq [sflag:s6], $0x1  }
0x96: {  	[sflag:s6] =	ssyncset.done $0x0  }
0x97: {  	s17 =	sld [smem:$0x10];
	[sflag:s6] =	ssyncadd.s32 $0xFFFFFFFF  }
0x98: {  	s18 =	sld [smem:$0x11];
	(tm) =	ssettm $0x1  }
0x99: {  	s19 =	sld [smem:$0x3FFB];
	_ =	sdelay $0x3  }
0x9a: {  	_ =	strace s19  }
0x9b: {  	s7 =	sld [smem:$0x3FFC];
	_ =	sdelay $0x3  }
0x9c: {  	_ =	strace s7  }
0x9d: {  	s7 =	sld [smem:$0x3FFD];
	_ =	sdelay $0x3  }
0x9e: {  	_ =	strace s7  }
0x9f: {  	_ =	strace $0x8FFFFFFF  }
0xa0: {  	s20 =	sld [smem:$0x3FDB];
	_ =	sdelay $0x1  }
0xa1: {  	s8 =	simm.s32 $_scs_section_size  }
0xa2: {  	s9 =	simm.s32 $_size__tile_overlayer_lowered;
	s10 =	simm.s32 $_tile_overlayer_lowered  }
0xa3: {  	s23 =	simm.s32 $0x1BFF;
	s22 =	sshll.u32 s10, $0x1;
	s7 =	sadd.s32 s8, s20  }
0xa4: {  	s11 =	simm.s32 $0x0;
	s21 =	sshll.u32 s9, $0x1;
	s9 =	sadd.s32 s22, s7  }
0xa5: {  	[timem:s11], [sflag:s23] =	dma.local [hbm:s9], s21  }
0xa6: {  	_ =	swait.ge [sflag:s23], s21  }
0xa7: {  	s8 =	ssub.s32 $0x0, s21;
	[sflag:s23] =	ssyncset.done $0x0  }
0xa8: {  	[sflag:s23] =	ssyncadd.s32 s8;
	_ =	sdelay $0x1  }
0xa9: {  	s24 =	simm.s32 $0x1B8B  }
0xaa: {  	_ =	swait.ge [sflag:s24], $0x1  }
0xab: {  	[sflag:s24] =	ssyncset.done $0x0  }
0xac: {  	s25 =	simm.s32 $0x1B8E;
	[sflag:s24] =	ssyncadd.s32 $0xFFFFFFFF  }
0xad: {  	s26 =	simm.s32 $execute0_lowered;
	[smem:$0x3FD2] =	sst s25  }
0xae: {  	s8 =	sshll.u32 s26, $0x1;
	_ =	strace $0x80000046;
	[dreg:$0x1] =	wrdreg $0xFFFFFFFF  }
0xaf: {  	s28 =	simm.s32 $_size_execute0_lowered;
	s7 =	sadd.s32 s7, s8;
	[dreg:$0x0] =	wrdreg $0x0  }
0xb0: {  	s8 =	sshll.u32 s28, $0x1;
	[dreg:$0x2] =	wrdreg s7  }
0xb1: {  	[dreg:$0x3] =	wrdreg s8  }
0xb2: {  	[dreg:$0x4] =	wrdreg $0xC0  }
0xb3: {  	_ =	task [dreg:s11], $0x5FFFF  }
0xb4: {  	[dreg:$0x1] =	wrdreg $0xFFFFFFFF  }
0xb5: {  	[dreg:$0x0] =	wrdreg $0x60  }
0xb6: {  	[dreg:$0x2] =	wrdreg s16  }
0xb7: {  	[dreg:$0x3] =	wrdreg s4  }
0xb8: {  	[dreg:$0x4] =	wrdreg s5  }
0xb9: {  	[dreg:$0x5] =	wrdreg s17  }
0xba: {  	[dreg:$0x6] =	wrdreg s18  }
0xbb: {  	[dreg:$0x7] =	wrdreg $0x9  }
0xbc: {  	_ =	task.clear_ibuf [dreg:s11], $0x8FFFF;
	_ =	strace $0x90000046  }
0xbd: {  	s29 =	simm.s32 $0x9;
	_ =	strace $0x80000048  }
0xbe: {  	_ =	swait.ge [sflag:s29], $0x1  }
0xbf: {  	[sflag:s29] =	ssyncadd.s32 $0xFFFFFFFF  }
0xc0: {  	_ =	strace $0x90000048  }
0xc1: {  	_ =	sfence  }
0xc2: {  	s30 =	sld [smem:$0x0];
	_ =	sdelay $0x2  }
0xc3: {  	s31 =	sshll.u32 s1, $0xD;
	s1 =	sshrl.u32 s1, $0x2  }
0xc4: {  	s3 =	sand.u32 $0x4000, s31;
	s1 =	sadd.s32 s1, s30  }
0xc5: {  	s0 =	sor.u32 s3, s0;
	s1 =	sshll.u32 s1, $0x11  }
0xc6: {  	s0 =	sor.u32 s1, s0  }
0xc7: {  	s0 =	sadd.s32 $0x8F2B, s0  }
0xc8: {  	[sflag:s0] =	ssyncadd.remote.s32 $0x1  }
0xc9: {  	_ =	sfence.sel $0xFFFF  }
0xca: {  	[dreg:$0x0] =	wrdreg $0xFFFFFFFF;
	(pc) =	sbr.abs _section_cstart, $3  }
0xcb: {  	[dreg:$0x1] =	wrdreg $0xFFFFFFFF  }
0xcc: {  	_ =	task.clear_ibuf [dreg:s11], $0x2FFFF;
	_ =	strace $0x9FFFFFFF  }
0xcd: {  	(tm) =	ssettm $0x7FFFFFFF  }
tec
execute0_lowered:
.L_overlay_start_1:
0x0: {  	(tag) =	ssettag $0x1  }
0x1: {  	s0 =	rddreg [dreg:$0x0]  }
0x2: {  	s1 =	rddreg [dreg:$0x1]  }
0x3: {  	s2 =	rddreg [dreg:$0x2]  }
0x4: {  	s3 =	rddreg [dreg:$0x3]  }
0x5: {  	s7 =	rddreg [dreg:$0x4];
	s5 =	srdreg.scid  }
0x6: {  	s4 =	simm.s32 $0x0;
	s11 =	stileid.u32;
	s5 =	sand.u32 $0x1, s5  }
0x7: {  	s8 =	sshrl.u32 s11, $0x1;
	s6 =	ssub.s32 $0x2, s5;
	s5 =	sshll.u32 s5, $0x3  }
0x8: {  	[smem:$0x7FF] =	sst s4;
	s25 =	sshll.u32 s11, $0x9;
	s5 =	sor.u32 s8, s5  }
0x9: {  	_ =	strace $0x80000047;
	s9 =	sshrl.u32 s6, $0x1;
	s10 =	sshll.u32 s5, $0xF  }
0xa: {  	s8 =	ssub.s32 s6, s9;
	s26 =	sshll.u32 s5, $0x2;
	s5 =	sadd.s32 s3, s10  }
0xb: {  	s6 =	sand.u32 $0xC00, s25;
	s9 =	sand.u32 $0x30, s26;
	s28 =	sadd.s32 $0x800, s5  }
0xc: {  	s0 =	sadd.s32 s0, s6;
	s3 =	sadd.s32 $0x1000, s5;
	[dreg:$0x6] =	wrdreg s28  }
0xd: {  	s6 =	sadd.s32 s9, s0;
	s9 =	sadd.s32 $0x1800, s5;
	[dreg:$0x7] =	wrdreg s3  }
0xe: {  	s12 =	sadd.s32 $0x2000, s5;
	[dreg:$0x8] =	wrdreg s9  }
0xf: {  	s13 =	sadd.s32 $0x2800, s5;
	[dreg:$0x9] =	wrdreg s12  }
0x10: {  	s14 =	sadd.s32 $0x3000, s5;
	[dreg:$0xa] =	wrdreg s13  }
0x11: {  	s15 =	sadd.s32 $0x3800, s5;
	[dreg:$0xb] =	wrdreg s14  }
0x12: {  	s16 =	sadd.s32 $0x4000, s5;
	[dreg:$0xc] =	wrdreg s15  }
0x13: {  	s17 =	sadd.s32 $0x4800, s5;
	[dreg:$0xd] =	wrdreg s16  }
0x14: {  	s18 =	sadd.s32 $0x5000, s5;
	[dreg:$0xe] =	wrdreg s17  }
0x15: {  	s19 =	sadd.s32 $0x5800, s5;
	[dreg:$0xf] =	wrdreg s18  }
0x16: {  	s20 =	sadd.s32 $0x6000, s5;
	[dreg:$0x10] =	wrdreg s19  }
0x17: {  	s21 =	sadd.s32 $0x6800, s5;
	[dreg:$0x11] =	wrdreg s20  }
0x18: {  	s11 =	sand.u32 $0x1, s11;
	s22 =	sadd.s32 $0x7000, s5;
	[dreg:$0x12] =	wrdreg s21  }
0x19: {  	p0 =	seq.s32 s11, $0x1;
	s23 =	sadd.s32 $0x7800, s5;
	[dreg:$0x13] =	wrdreg s22  }
0x1a: {  	p1 =	seq.s32 s11, $0x0;
	[dreg:$0x14] =	wrdreg s23;
	s22 =	sadd.s32 s7, s10  }
0x1b: {  	s13 =	simm.s32 $0x80;
	s14 =	simm.s32 $0x200;
	s15 =	simm.s32 $0x3  }
0x1c: {  	s16 =	simm.s32 $0x800;
	s17 =	simm.s32 $0x4800;
	s19 =	simm.s32 $0x8800  }
0x1d: {  	s21 =	simm.s32 $0xC800;
	s18 =	simm.s32 $0x10800;
	s20 =	simm.s32 $0x14800  }
0x1e: {  	s23 =	simm.s32 $0x1;
	s24 =	sadd.s32 $0x800, s22;
	s25 =	sadd.s32 $0x1000, s22  }
0x1f: {  	s26 =	sadd.s32 $0x1800, s22;
	s28 =	sadd.s32 $0x2000, s22;
	s29 =	sadd.s32 $0x2800, s22  }
0x20: {  	s30 =	sadd.s32 $0x3000, s22;
	s31 =	sadd.s32 $0x3800, s22;
	s0 =	sadd.s32 $0x4000, s22  }
.Ltmp0:
0x21: {  	s3 =	sadd.s32 $0x4800, s22;
	[dreg:$0x15] =	wrdreg s24;
	(pc) =	sbr.rel .LBB2_1-.Ltmp0, $4  }
0x22: {  	s7 =	sadd.s32 $0x5000, s22;
	s9 =	sadd.s32 $0x6000, s22;
	[dreg:$0x16] =	wrdreg s25  }
0x23: {  	s10 =	sadd.s32 $0x6800, s22;
	s11 =	sadd.s32 $0x7000, s22;
	[dreg:$0x17] =	wrdreg s26  }
0x24: {  	s12 =	sadd.s32 $0x7800, s22;
	s25 =	smax.u32 s8, $0x1;
	[dreg:$0x18] =	wrdreg s28  }
0x25: {  	s8 =	sadd.s32 $0x5800, s22;
	s24 =	simm.s32 $0x18800;
	s26 =	simm.s32 $0x2  }
.LBB2_3:
0x26: {  	[tilespmem:s16], [sflag:$0x1] =	stream.indirect.gather [hbm4b:s2+s13], $0x80, s4, s13, $0xb8;
	[tilespmem:$0x1C800] =	vst v63  }
0x27: {  	_ = 	snop  }
0x28: {  	[tilespmem:s17], [sflag:$0x1] =	stream.indirect.gather [hbm4b:s2+s13], $0x80, s13, s13, $0xb8;
	[tilespmem:$0x1C800] =	vst v63  }
0x29: {  	s28 =	simm.s32 $0x100  }
0x2a: {  	[tilespmem:s19], [sflag:$0x1] =	stream.indirect.gather [hbm4b:s2+s13], $0x80, s28, s13, $0xb8;
	[tilespmem:$0x1C800] =	vst v63  }
0x2b: {  	s28 =	simm.s32 $0x180  }
0x2c: {  	[tilespmem:s21], [sflag:$0x1] =	stream.indirect.gather [hbm4b:s2+s13], $0x80, s28, s13, $0xb8;
	[tilespmem:$0x1C800] =	vst v63  }
0x2d: {  	_ = 	snop  }
0x2e: {  	[tilespmem:s18], [sflag:$0x1] =	stream.indirect.gather [hbm4b:s2+s13], $0x80, s14, s13, $0xb8;
	[tilespmem:$0x1C800] =	vst v63  }
0x2f: {  	s28 =	simm.s32 $0x280  }
0x30: {  	[tilespmem:s20], [sflag:$0x1] =	stream.indirect.gather [hbm4b:s2+s13], $0x80, s28, s13, $0xb8;
	[tilespmem:$0x1C800] =	vst v63  }
0x31: {  	_ =	swait.ge [sflag:s23], $0x4000  }
0x32: {  	[sflag:s23] =	ssyncset.done $0x0  }
0x33: {  	[sflag:s23] =	ssyncadd.s32 $0xFFFFC000  }
0x34: {  	[hbm4b:s22+s4] =	stream.linear.scatter [tilespmem:s16], [sflag:$0x2], $0x4000, $0x38;
	[tilespmem:$0x1C800] =	vst v63  }
0x35: {  	s28 =	simm.s32 $0x300  }
0x36: {  	[tilespmem:s24], [sflag:$0x1] =	stream.indirect.gather [hbm4b:s2+s13], $0x80, s28, s13, $0xb8;
	[tilespmem:$0x1C800] =	vst v63  }
0x37: {  	_ =	swait.ge [sflag:s23], $0x4000  }
0x38: {  	[sflag:s23] =	ssyncset.done $0x0  }
0x39: {  	s28 =	rddreg [dreg:$0x15];
	[sflag:s23] =	ssyncadd.s32 $0xFFFFC000  }
0x3a: {  	[hbm4b:s28+s4] =	stream.linear.scatter [tilespmem:s17], [sflag:$0x2], $0x4000, $0x38;
	[tilespmem:$0x1C800] =	vst v63  }
0x3b: {  	_ =	swait.ge [sflag:s26], $0x4000  }
0x3c: {  	[sflag:s26] =	ssyncset.done $0x0  }
0x3d: {  	s28 =	simm.s32 $0x380;
	[sflag:s26] =	ssyncadd.s32 $0xFFFFC000  }
0x3e: {  	[tilespmem:s16], [sflag:$0x1] =	stream.indirect.gather [hbm4b:s2+s13], $0x80, s28, s13, $0xb8;
	[tilespmem:$0x1C800] =	vst v63  }
0x3f: {  	_ =	swait.ge [sflag:s23], $0x4000  }
0x40: {  	[sflag:s23] =	ssyncset.done $0x0  }
0x41: {  	s28 =	rddreg [dreg:$0x16];
	[sflag:s23] =	ssyncadd.s32 $0xFFFFC000  }
0x42: {  	[hbm4b:s28+s4] =	stream.linear.scatter [tilespmem:s19], [sflag:$0x2], $0x4000, $0x38;
	[tilespmem:$0x1C800] =	vst v63  }
0x43: {  	_ =	swait.ge [sflag:s26], $0x4000  }
0x44: {  	[sflag:s26] =	ssyncset.done $0x0  }
0x45: {  	s28 =	simm.s32 $0x400;
	[sflag:s26] =	ssyncadd.s32 $0xFFFFC000  }
0x46: {  	[tilespmem:s17], [sflag:$0x1] =	stream.indirect.gather [hbm4b:s2+s13], $0x80, s28, s13, $0xb8;
	[tilespmem:$0x1C800] =	vst v63  }
0x47: {  	_ =	swait.ge [sflag:s23], $0x4000  }
0x48: {  	[sflag:s23] =	ssyncset.done $0x0  }
0x49: {  	s28 =	rddreg [dreg:$0x17];
	[sflag:s23] =	ssyncadd.s32 $0xFFFFC000  }
0x4a: {  	[hbm4b:s28+s4] =	stream.linear.scatter [tilespmem:s21], [sflag:$0x2], $0x4000, $0x38;
	[tilespmem:$0x1C800] =	vst v63  }
0x4b: {  	_ =	swait.ge [sflag:s26], $0x4000  }
0x4c: {  	[sflag:s26] =	ssyncset.done $0x0  }
0x4d: {  	s28 =	simm.s32 $0x480;
	[sflag:s26] =	ssyncadd.s32 $0xFFFFC000  }
0x4e: {  	[tilespmem:s19], [sflag:$0x1] =	stream.indirect.gather [hbm4b:s2+s13], $0x80, s28, s13, $0xb8;
	[tilespmem:$0x1C800] =	vst v63  }
0x4f: {  	_ =	swait.ge [sflag:s23], $0x4000  }
0x50: {  	[sflag:s23] =	ssyncset.done $0x0  }
0x51: {  	s28 =	rddreg [dreg:$0x18];
	[sflag:s23] =	ssyncadd.s32 $0xFFFFC000  }
0x52: {  	[hbm4b:s28+s4] =	stream.linear.scatter [tilespmem:s18], [sflag:$0x2], $0x4000, $0x38;
	[tilespmem:$0x1C800] =	vst v63  }
0x53: {  	_ =	swait.ge [sflag:s26], $0x4000  }
0x54: {  	[sflag:s26] =	ssyncset.done $0x0  }
0x55: {  	s28 =	simm.s32 $0x500;
	[sflag:s26] =	ssyncadd.s32 $0xFFFFC000  }
0x56: {  	[tilespmem:s21], [sflag:$0x1] =	stream.indirect.gather [hbm4b:s2+s13], $0x80, s28, s13, $0xb8;
	[tilespmem:$0x1C800] =	vst v63  }
0x57: {  	_ =	swait.ge [sflag:s23], $0x4000  }
0x58: {  	[sflag:s23] =	ssyncset.done $0x0  }
0x59: {  	[sflag:s23] =	ssyncadd.s32 $0xFFFFC000  }
0x5a: {  	[hbm4b:s29+s4] =	stream.linear.scatter [tilespmem:s20], [sflag:$0x2], $0x4000, $0x38;
	[tilespmem:$0x1C800] =	vst v63  }
0x5b: {  	_ =	swait.ge [sflag:s26], $0x4000  }
0x5c: {  	[sflag:s26] =	ssyncset.done $0x0  }
0x5d: {  	s28 =	simm.s32 $0x580;
	[sflag:s26] =	ssyncadd.s32 $0xFFFFC000  }
0x5e: {  	[tilespmem:s18], [sflag:$0x1] =	stream.indirect.gather [hbm4b:s2+s13], $0x80, s28, s13, $0xb8;
	[tilespmem:$0x1C800] =	vst v63  }
0x5f: {  	_ =	swait.ge [sflag:s23], $0x4000  }
0x60: {  	[sflag:s23] =	ssyncset.done $0x0  }
0x61: {  	[sflag:s23] =	ssyncadd.s32 $0xFFFFC000  }
0x62: {  	[hbm4b:s30+s4] =	stream.linear.scatter [tilespmem:s24], [sflag:$0x2], $0x4000, $0x38;
	[tilespmem:$0x1C800] =	vst v63  }
0x63: {  	_ =	swait.ge [sflag:s26], $0x4000  }
0x64: {  	[sflag:s26] =	ssyncset.done $0x0  }
0x65: {  	s28 =	simm.s32 $0x600;
	[sflag:s26] =	ssyncadd.s32 $0xFFFFC000  }
0x66: {  	[tilespmem:s20], [sflag:$0x1] =	stream.indirect.gather [hbm4b:s2+s13], $0x80, s28, s13, $0xb8;
	[tilespmem:$0x1C800] =	vst v63  }
0x67: {  	_ =	swait.ge [sflag:s23], $0x4000  }
0x68: {  	[sflag:s23] =	ssyncset.done $0x0  }
0x69: {  	[sflag:s23] =	ssyncadd.s32 $0xFFFFC000  }
0x6a: {  	[hbm4b:s31+s4] =	stream.linear.scatter [tilespmem:s16], [sflag:$0x2], $0x4000, $0x38;
	[tilespmem:$0x1C800] =	vst v63  }
0x6b: {  	_ =	swait.ge [sflag:s26], $0x4000  }
0x6c: {  	[sflag:s26] =	ssyncset.done $0x0  }
0x6d: {  	s28 =	simm.s32 $0x680;
	[sflag:s26] =	ssyncadd.s32 $0xFFFFC000  }
0x6e: {  	[tilespmem:s24], [sflag:$0x1] =	stream.indirect.gather [hbm4b:s2+s13], $0x80, s28, s13, $0xb8;
	[tilespmem:$0x1C800] =	vst v63  }
0x6f: {  	_ =	swait.ge [sflag:s23], $0x4000  }
0x70: {  	[sflag:s23] =	ssyncset.done $0x0  }
0x71: {  	[sflag:s23] =	ssyncadd.s32 $0xFFFFC000  }
0x72: {  	[hbm4b:s0+s4] =	stream.linear.scatter [tilespmem:s17], [sflag:$0x2], $0x4000, $0x38;
	[tilespmem:$0x1C800] =	vst v63  }
0x73: {  	_ =	swait.ge [sflag:s26], $0x4000  }
0x74: {  	[sflag:s26] =	ssyncset.done $0x0  }
0x75: {  	s28 =	simm.s32 $0x700;
	[sflag:s26] =	ssyncadd.s32 $0xFFFFC000  }
0x76: {  	[tilespmem:s16], [sflag:$0x1] =	stream.indirect.gather [hbm4b:s2+s13], $0x80, s28, s13, $0xb8;
	[tilespmem:$0x1C800] =	vst v63  }
0x77: {  	_ =	swait.ge [sflag:s23], $0x4000  }
0x78: {  	[sflag:s23] =	ssyncset.done $0x0  }
0x79: {  	[sflag:s23] =	ssyncadd.s32 $0xFFFFC000  }
0x7a: {  	[hbm4b:s3+s4] =	stream.linear.scatter [tilespmem:s19], [sflag:$0x2], $0x4000, $0x38;
	[tilespmem:$0x1C800] =	vst v63  }
0x7b: {  	_ =	swait.ge [sflag:s26], $0x4000  }
0x7c: {  	[sflag:s26] =	ssyncset.done $0x0  }
0x7d: {  	s28 =	simm.s32 $0x780;
	[sflag:s26] =	ssyncadd.s32 $0xFFFFC000  }
0x7e: {  	[tilespmem:s17], [sflag:$0x1] =	stream.indirect.gather [hbm4b:s2+s13], $0x80, s28, s13, $0xb8;
	[tilespmem:$0x1C800] =	vst v63  }
0x7f: {  	_ =	swait.ge [sflag:s23], $0x4000  }
0x80: {  	[sflag:s23] =	ssyncset.done $0x0  }
0x81: {  	[sflag:s23] =	ssyncadd.s32 $0xFFFFC000  }
0x82: {  	[hbm4b:s7+s4] =	stream.linear.scatter [tilespmem:s21], [sflag:$0x2], $0x4000, $0x38;
	[tilespmem:$0x1C800] =	vst v63  }
0x83: {  	_ =	swait.ge [sflag:s23], $0x4000  }
0x84: {  	[sflag:s23] =	ssyncset.done $0x0  }
0x85: {  	[sflag:s23] =	ssyncadd.s32 $0xFFFFC000  }
0x86: {  	[hbm4b:s8+s4] =	stream.linear.scatter [tilespmem:s18], [sflag:$0x2], $0x4000, $0x38;
	[tilespmem:$0x1C800] =	vst v63  }
0x87: {  	_ =	swait.ge [sflag:s23], $0x4000  }
0x88: {  	[sflag:s23] =	ssyncset.done $0x0  }
0x89: {  	[sflag:s23] =	ssyncadd.s32 $0xFFFFC000  }
0x8a: {  	[hbm4b:s9+s4] =	stream.linear.scatter [tilespmem:s20], [sflag:$0x2], $0x4000, $0x38;
	[tilespmem:$0x1C800] =	vst v63  }
0x8b: {  	_ =	swait.ge [sflag:s23], $0x4000  }
0x8c: {  	[sflag:s23] =	ssyncset.done $0x0  }
0x8d: {  	[sflag:s23] =	ssyncadd.s32 $0xFFFFC000  }
0x8e: {  	[hbm4b:s10+s4] =	stream.linear.scatter [tilespmem:s24], [sflag:$0x2], $0x4000, $0x38;
	[tilespmem:$0x1C800] =	vst v63  }
0x8f: {  	_ =	swait.ge [sflag:s23], $0x4000  }
0x90: {  	[sflag:s23] =	ssyncset.done $0x0  }
0x91: {  	[sflag:s23] =	ssyncadd.s32 $0xFFFFC000  }
0x92: {  	[hbm4b:s11+s4] =	stream.linear.scatter [tilespmem:s16], [sflag:$0x2], $0x4000, $0x38;
	[tilespmem:$0x1C800] =	vst v63  }
0x93: {  	_ =	swait.ge [sflag:s23], $0x4000  }
0x94: {  	[sflag:s23] =	ssyncset.done $0x0  }
0x95: {  	[sflag:s23] =	ssyncadd.s32 $0xFFFFC000  }
0x96: {  	[hbm4b:s12+s4] =	stream.linear.scatter [tilespmem:s17], [sflag:$0x2], $0x4000, $0x38;
	[tilespmem:$0x1C800] =	vst v63  }
0x97: {  	_ =	swait.ge [sflag:s26], $0x4000  }
0x98: {  	[sflag:s26] =	ssyncset.done $0x0  }
0x99: {  	[sflag:s26] =	ssyncadd.s32 $0xFFFFC000  }
0x9a: {  	_ =	swait.ge [sflag:s26], $0x4000  }
0x9b: {  	[sflag:s26] =	ssyncset.done $0x0  }
0x9c: {  	[sflag:s26] =	ssyncadd.s32 $0xFFFFC000  }
0x9d: {  	_ =	swait.ge [sflag:s26], $0x4000  }
0x9e: {  	[sflag:s26] =	ssyncset.done $0x0  }
0x9f: {  	[sflag:s26] =	ssyncadd.s32 $0xFFFFC000  }
0xa0: {  	_ =	swait.ge [sflag:s26], $0x4000  }
0xa1: {  	[sflag:s26] =	ssyncset.done $0x0  }
0xa2: {  	[sflag:s26] =	ssyncadd.s32 $0xFFFFC000  }
0xa3: {  	_ =	swait.ge [sflag:s26], $0x4000  }
0xa4: {  	[sflag:s26] =	ssyncset.done $0x0  }
0xa5: {  	[sflag:s26] =	ssyncadd.s32 $0xFFFFC000  }
0xa6: {  	_ =	swait.ge [sflag:s26], $0x4000  }
0xa7: {  	[sflag:s26] =	ssyncset.done $0x0  }
0xa8: {  	[sflag:s26] =	ssyncadd.s32 $0xFFFFC000  }
0xa9: {  	_ =	swait.ge [sflag:s26], $0x4000  }
0xaa: {  	[sflag:s26] =	ssyncset.done $0x0  }
0xab: {  	[sflag:s26] =	ssyncadd.s32 $0xFFFFC000  }
.LBB2_4:
0xac: {  	s25 =	sadd.s32 $0xFFFFFFFF, s25  }
0xad: {  	p2 =	sne.s32 s25, $0x0  }
.Ltmp1:
0xae: {  	_ = 	snop;
	(pc) =	sbr.rel @!p2 .LBB2_5-.Ltmp1, $1  }
0xaf: {  	_ =	sdelay $0x3  }
.LBB2_1:
.Ltmp2:
0xb0: {  	(pc) =	sbr.rel @p0 .LBB2_3-.Ltmp2, $4  }
0xb1: {  	[tilespmem:s4], [sflag:$0x3] =	stream.strided.gather [hbm4b:s6+s13], $0x800, s14, s13, $0x38;
	[tilespmem:$0x1C800] =	vst v63  }
0xb2: {  	_ =	swait.ge [sflag:s15], $0x800  }
0xb3: {  	[sflag:s15] =	ssyncset.done $0x0  }
0xb4: {  	[sflag:s15] =	ssyncadd.s32 $0xFFFFF800  }
0xb5: {  	[tilespmem:s16], [sflag:$0x1] =	stream.indirect.gather [hbm4b:s1+s13], $0x80, s4, s13, $0xb8;
	[tilespmem:$0x1C800] =	vst v63  }
0xb6: {  	_ = 	snop  }
0xb7: {  	[tilespmem:s17], [sflag:$0x1] =	stream.indirect.gather [hbm4b:s1+s13], $0x80, s13, s13, $0xb8;
	[tilespmem:$0x1C800] =	vst v63  }
0xb8: {  	s28 =	simm.s32 $0x100  }
0xb9: {  	[tilespmem:s19], [sflag:$0x1] =	stream.indirect.gather [hbm4b:s1+s13], $0x80, s28, s13, $0xb8;
	[tilespmem:$0x1C800] =	vst v63  }
0xba: {  	s28 =	simm.s32 $0x180  }
0xbb: {  	[tilespmem:s21], [sflag:$0x1] =	stream.indirect.gather [hbm4b:s1+s13], $0x80, s28, s13, $0xb8;
	[tilespmem:$0x1C800] =	vst v63  }
0xbc: {  	_ = 	snop  }
0xbd: {  	[tilespmem:s18], [sflag:$0x1] =	stream.indirect.gather [hbm4b:s1+s13], $0x80, s14, s13, $0xb8;
	[tilespmem:$0x1C800] =	vst v63  }
0xbe: {  	s28 =	simm.s32 $0x280  }
0xbf: {  	[tilespmem:s20], [sflag:$0x1] =	stream.indirect.gather [hbm4b:s1+s13], $0x80, s28, s13, $0xb8;
	[tilespmem:$0x1C800] =	vst v63  }
0xc0: {  	_ =	swait.ge [sflag:s23], $0x4000  }
0xc1: {  	[sflag:s23] =	ssyncset.done $0x0  }
0xc2: {  	[sflag:s23] =	ssyncadd.s32 $0xFFFFC000  }
0xc3: {  	[hbm4b:s5+s4] =	stream.linear.scatter [tilespmem:s16], [sflag:$0x2], $0x4000, $0x38;
	[tilespmem:$0x1C800] =	vst v63  }
0xc4: {  	s28 =	simm.s32 $0x300  }
0xc5: {  	[tilespmem:s24], [sflag:$0x1] =	stream.indirect.gather [hbm4b:s1+s13], $0x80, s28, s13, $0xb8;
	[tilespmem:$0x1C800] =	vst v63  }
0xc6: {  	_ =	swait.ge [sflag:s23], $0x4000  }
0xc7: {  	[sflag:s23] =	ssyncset.done $0x0  }
0xc8: {  	s28 =	rddreg [dreg:$0x6];
	[sflag:s23] =	ssyncadd.s32 $0xFFFFC000  }
0xc9: {  	[hbm4b:s28+s4] =	stream.linear.scatter [tilespmem:s17], [sflag:$0x2], $0x4000, $0x38;
	[tilespmem:$0x1C800] =	vst v63  }
0xca: {  	_ =	swait.ge [sflag:s26], $0x4000  }
0xcb: {  	[sflag:s26] =	ssyncset.done $0x0  }
0xcc: {  	s28 =	simm.s32 $0x380;
	[sflag:s26] =	ssyncadd.s32 $0xFFFFC000  }
0xcd: {  	[tilespmem:s16], [sflag:$0x1] =	stream.indirect.gather [hbm4b:s1+s13], $0x80, s28, s13, $0xb8;
	[tilespmem:$0x1C800] =	vst v63  }
0xce: {  	_ =	swait.ge [sflag:s23], $0x4000  }
0xcf: {  	[sflag:s23] =	ssyncset.done $0x0  }
0xd0: {  	s28 =	rddreg [dreg:$0x7];
	[sflag:s23] =	ssyncadd.s32 $0xFFFFC000  }
0xd1: {  	[hbm4b:s28+s4] =	stream.linear.scatter [tilespmem:s19], [sflag:$0x2], $0x4000, $0x38;
	[tilespmem:$0x1C800] =	vst v63  }
0xd2: {  	_ =	swait.ge [sflag:s26], $0x4000  }
0xd3: {  	[sflag:s26] =	ssyncset.done $0x0  }
0xd4: {  	s28 =	simm.s32 $0x400;
	[sflag:s26] =	ssyncadd.s32 $0xFFFFC000  }
0xd5: {  	[tilespmem:s17], [sflag:$0x1] =	stream.indirect.gather [hbm4b:s1+s13], $0x80, s28, s13, $0xb8;
	[tilespmem:$0x1C800] =	vst v63  }
0xd6: {  	_ =	swait.ge [sflag:s23], $0x4000  }
0xd7: {  	[sflag:s23] =	ssyncset.done $0x0  }
0xd8: {  	s28 =	rddreg [dreg:$0x8];
	[sflag:s23] =	ssyncadd.s32 $0xFFFFC000  }
0xd9: {  	[hbm4b:s28+s4] =	stream.linear.scatter [tilespmem:s21], [sflag:$0x2], $0x4000, $0x38;
	[tilespmem:$0x1C800] =	vst v63  }
0xda: {  	_ =	swait.ge [sflag:s26], $0x4000  }
0xdb: {  	[sflag:s26] =	ssyncset.done $0x0  }
0xdc: {  	s28 =	simm.s32 $0x480;
	[sflag:s26] =	ssyncadd.s32 $0xFFFFC000  }
0xdd: {  	[tilespmem:s19], [sflag:$0x1] =	stream.indirect.gather [hbm4b:s1+s13], $0x80, s28, s13, $0xb8;
	[tilespmem:$0x1C800] =	vst v63  }
0xde: {  	_ =	swait.ge [sflag:s23], $0x4000  }
0xdf: {  	[sflag:s23] =	ssyncset.done $0x0  }
0xe0: {  	s28 =	rddreg [dreg:$0x9];
	[sflag:s23] =	ssyncadd.s32 $0xFFFFC000  }
0xe1: {  	[hbm4b:s28+s4] =	stream.linear.scatter [tilespmem:s18], [sflag:$0x2], $0x4000, $0x38;
	[tilespmem:$0x1C800] =	vst v63  }
0xe2: {  	_ =	swait.ge [sflag:s26], $0x4000  }
0xe3: {  	[sflag:s26] =	ssyncset.done $0x0  }
0xe4: {  	s28 =	simm.s32 $0x500;
	[sflag:s26] =	ssyncadd.s32 $0xFFFFC000  }
0xe5: {  	[tilespmem:s21], [sflag:$0x1] =	stream.indirect.gather [hbm4b:s1+s13], $0x80, s28, s13, $0xb8;
	[tilespmem:$0x1C800] =	vst v63  }
0xe6: {  	_ =	swait.ge [sflag:s23], $0x4000  }
0xe7: {  	[sflag:s23] =	ssyncset.done $0x0  }
0xe8: {  	s28 =	rddreg [dreg:$0xa];
	[sflag:s23] =	ssyncadd.s32 $0xFFFFC000  }
0xe9: {  	[hbm4b:s28+s4] =	stream.linear.scatter [tilespmem:s20], [sflag:$0x2], $0x4000, $0x38;
	[tilespmem:$0x1C800] =	vst v63  }
0xea: {  	_ =	swait.ge [sflag:s26], $0x4000  }
0xeb: {  	[sflag:s26] =	ssyncset.done $0x0  }
0xec: {  	s28 =	simm.s32 $0x580;
	[sflag:s26] =	ssyncadd.s32 $0xFFFFC000  }
0xed: {  	[tilespmem:s18], [sflag:$0x1] =	stream.indirect.gather [hbm4b:s1+s13], $0x80, s28, s13, $0xb8;
	[tilespmem:$0x1C800] =	vst v63  }
0xee: {  	_ =	swait.ge [sflag:s23], $0x4000  }
0xef: {  	[sflag:s23] =	ssyncset.done $0x0  }
0xf0: {  	s28 =	rddreg [dreg:$0xb];
	[sflag:s23] =	ssyncadd.s32 $0xFFFFC000  }
0xf1: {  	[hbm4b:s28+s4] =	stream.linear.scatter [tilespmem:s24], [sflag:$0x2], $0x4000, $0x38;
	[tilespmem:$0x1C800] =	vst v63  }
0xf2: {  	_ =	swait.ge [sflag:s26], $0x4000  }
0xf3: {  	[sflag:s26] =	ssyncset.done $0x0  }
0xf4: {  	s28 =	simm.s32 $0x600;
	[sflag:s26] =	ssyncadd.s32 $0xFFFFC000  }
0xf5: {  	[tilespmem:s20], [sflag:$0x1] =	stream.indirect.gather [hbm4b:s1+s13], $0x80, s28, s13, $0xb8;
	[tilespmem:$0x1C800] =	vst v63  }
0xf6: {  	_ =	swait.ge [sflag:s23], $0x4000  }
0xf7: {  	[sflag:s23] =	ssyncset.done $0x0  }
0xf8: {  	s28 =	rddreg [dreg:$0xc];
	[sflag:s23] =	ssyncadd.s32 $0xFFFFC000  }
0xf9: {  	[hbm4b:s28+s4] =	stream.linear.scatter [tilespmem:s16], [sflag:$0x2], $0x4000, $0x38;
	[tilespmem:$0x1C800] =	vst v63  }
0xfa: {  	_ =	swait.ge [sflag:s26], $0x4000  }
0xfb: {  	[sflag:s26] =	ssyncset.done $0x0  }
0xfc: {  	s28 =	simm.s32 $0x680;
	[sflag:s26] =	ssyncadd.s32 $0xFFFFC000  }
0xfd: {  	[tilespmem:s24], [sflag:$0x1] =	stream.indirect.gather [hbm4b:s1+s13], $0x80, s28, s13, $0xb8;
	[tilespmem:$0x1C800] =	vst v63  }
0xfe: {  	_ =	swait.ge [sflag:s23], $0x4000  }
0xff: {  	[sflag:s23] =	ssyncset.done $0x0  }
0x100: {  	s28 =	rddreg [dreg:$0xd];
	[sflag:s23] =	ssyncadd.s32 $0xFFFFC000  }
0x101: {  	[hbm4b:s28+s4] =	stream.linear.scatter [tilespmem:s17], [sflag:$0x2], $0x4000, $0x38;
	[tilespmem:$0x1C800] =	vst v63  }
0x102: {  	_ =	swait.ge [sflag:s26], $0x4000  }
0x103: {  	[sflag:s26] =	ssyncset.done $0x0  }
0x104: {  	s28 =	simm.s32 $0x700;
	[sflag:s26] =	ssyncadd.s32 $0xFFFFC000  }
0x105: {  	[tilespmem:s16], [sflag:$0x1] =	stream.indirect.gather [hbm4b:s1+s13], $0x80, s28, s13, $0xb8;
	[tilespmem:$0x1C800] =	vst v63  }
0x106: {  	_ =	swait.ge [sflag:s23], $0x4000  }
0x107: {  	[sflag:s23] =	ssyncset.done $0x0  }
0x108: {  	s28 =	rddreg [dreg:$0xe];
	[sflag:s23] =	ssyncadd.s32 $0xFFFFC000  }
0x109: {  	[hbm4b:s28+s4] =	stream.linear.scatter [tilespmem:s19], [sflag:$0x2], $0x4000, $0x38;
	[tilespmem:$0x1C800] =	vst v63  }
0x10a: {  	_ =	swait.ge [sflag:s26], $0x4000  }
0x10b: {  	[sflag:s26] =	ssyncset.done $0x0  }
0x10c: {  	s28 =	simm.s32 $0x780;
	[sflag:s26] =	ssyncadd.s32 $0xFFFFC000  }
0x10d: {  	[tilespmem:s17], [sflag:$0x1] =	stream.indirect.gather [hbm4b:s1+s13], $0x80, s28, s13, $0xb8;
	[tilespmem:$0x1C800] =	vst v63  }
0x10e: {  	_ =	swait.ge [sflag:s23], $0x4000  }
0x10f: {  	[sflag:s23] =	ssyncset.done $0x0  }
0x110: {  	s28 =	rddreg [dreg:$0xf];
	[sflag:s23] =	ssyncadd.s32 $0xFFFFC000  }
0x111: {  	[hbm4b:s28+s4] =	stream.linear.scatter [tilespmem:s21], [sflag:$0x2], $0x4000, $0x38;
	[tilespmem:$0x1C800] =	vst v63  }
0x112: {  	_ =	swait.ge [sflag:s23], $0x4000  }
0x113: {  	[sflag:s23] =	ssyncset.done $0x0  }
0x114: {  	s28 =	rddreg [dreg:$0x10];
	[sflag:s23] =	ssyncadd.s32 $0xFFFFC000  }
0x115: {  	[hbm4b:s28+s4] =	stream.linear.scatter [tilespmem:s18], [sflag:$0x2], $0x4000, $0x38;
	[tilespmem:$0x1C800] =	vst v63  }
0x116: {  	_ =	swait.ge [sflag:s23], $0x4000  }
0x117: {  	[sflag:s23] =	ssyncset.done $0x0  }
0x118: {  	s28 =	rddreg [dreg:$0x11];
	[sflag:s23] =	ssyncadd.s32 $0xFFFFC000  }
0x119: {  	[hbm4b:s28+s4] =	stream.linear.scatter [tilespmem:s20], [sflag:$0x2], $0x4000, $0x38;
	[tilespmem:$0x1C800] =	vst v63  }
0x11a: {  	_ =	swait.ge [sflag:s23], $0x4000  }
0x11b: {  	[sflag:s23] =	ssyncset.done $0x0  }
0x11c: {  	s28 =	rddreg [dreg:$0x12];
	[sflag:s23] =	ssyncadd.s32 $0xFFFFC000  }
0x11d: {  	[hbm4b:s28+s4] =	stream.linear.scatter [tilespmem:s24], [sflag:$0x2], $0x4000, $0x38;
	[tilespmem:$0x1C800] =	vst v63  }
0x11e: {  	_ =	swait.ge [sflag:s23], $0x4000  }
0x11f: {  	[sflag:s23] =	ssyncset.done $0x0  }
0x120: {  	s28 =	rddreg [dreg:$0x13];
	[sflag:s23] =	ssyncadd.s32 $0xFFFFC000  }
0x121: {  	[hbm4b:s28+s4] =	stream.linear.scatter [tilespmem:s16], [sflag:$0x2], $0x4000, $0x38;
	[tilespmem:$0x1C800] =	vst v63  }
0x122: {  	_ =	swait.ge [sflag:s23], $0x4000  }
0x123: {  	[sflag:s23] =	ssyncset.done $0x0  }
0x124: {  	s28 =	rddreg [dreg:$0x14];
	[sflag:s23] =	ssyncadd.s32 $0xFFFFC000  }
0x125: {  	[hbm4b:s28+s4] =	stream.linear.scatter [tilespmem:s17], [sflag:$0x2], $0x4000, $0x38;
	[tilespmem:$0x1C800] =	vst v63  }
0x126: {  	_ =	swait.ge [sflag:s26], $0x4000  }
0x127: {  	[sflag:s26] =	ssyncset.done $0x0  }
0x128: {  	[sflag:s26] =	ssyncadd.s32 $0xFFFFC000  }
0x129: {  	_ =	swait.ge [sflag:s26], $0x4000  }
0x12a: {  	[sflag:s26] =	ssyncset.done $0x0  }
0x12b: {  	[sflag:s26] =	ssyncadd.s32 $0xFFFFC000  }
0x12c: {  	_ =	swait.ge [sflag:s26], $0x4000  }
0x12d: {  	[sflag:s26] =	ssyncset.done $0x0  }
0x12e: {  	[sflag:s26] =	ssyncadd.s32 $0xFFFFC000  }
0x12f: {  	_ =	swait.ge [sflag:s26], $0x4000  }
0x130: {  	[sflag:s26] =	ssyncset.done $0x0  }
0x131: {  	[sflag:s26] =	ssyncadd.s32 $0xFFFFC000  }
0x132: {  	_ =	swait.ge [sflag:s26], $0x4000  }
0x133: {  	[sflag:s26] =	ssyncset.done $0x0  }
0x134: {  	[sflag:s26] =	ssyncadd.s32 $0xFFFFC000  }
0x135: {  	_ =	swait.ge [sflag:s26], $0x4000  }
.Ltmp3:
0x136: {  	[sflag:s26] =	ssyncset.done $0x0;
	(pc) =	sbr.rel @p1 .LBB2_4-.Ltmp3, $4  }
.Ltmp4:
0x137: {  	[sflag:s26] =	ssyncadd.s32 $0xFFFFC000;
	(pc) =	sbr.rel @!p1 .LBB2_3-.Ltmp4, $4  }
0x138: {  	_ =	swait.ge [sflag:s26], $0x4000  }
0x139: {  	[sflag:s26] =	ssyncset.done $0x0  }
0x13a: {  	[sflag:s26] =	ssyncadd.s32 $0xFFFFC000  }
0x13b: {  	_ = 	snop  }
.LBB2_5:
0x13c: {  	_ =	sfence.sel $0x180000  }
0x13d: {  	[bflag:$0x0] =	sbarrier.arrive $0xFFFF  }
0x13e: {  	_ =	strace $0x90000047  }
0x13f: {  	s0 =	stileid.u32;
	[bflag:$0x2] =	sbarrier.arrive $0xFFFF  }
0x140: {  	p0 =	sne.s32 s0, $0x0;
	s0 =	rddreg [dreg:$0x5]  }
0x141: {  	s0 =	sadd.s32 @!p0 $0x100000, s0  }
0x142: {  	[sflag:s0] =	ssyncadd.tile.s32 @!p0 $0x1;
	_ =	shalt  }
.Lfunc_end2:
_tile_overlayer_lowered:
.L_overlay_start_2:
0x143: {  	(tag) =	ssettag $0x2  }
0x144: {  	s0 =	rddreg [dreg:$0x0];
	s2 =	stileid.u32  }
0x145: {  	s1 =	rddreg [dreg:$0x1];
	p0 =	sne.s32 s2, $0x0  }
0x146: {  	s3 =	rddreg [dreg:$0x2];
	[bflag:$0x3] =	sbarrier.arrive $0xFFFF;
	s2 =	simm.s32 @!p0 $0x1C03  }
0x147: {  	[timem:s3], [sflag:s2] =	dma.local @!p0 [hbm:s0], s1  }
0x148: {  	s0 =	simm.s32 @!p0 $0x3  }
0x149: {  	_ =	swait.ge @!p0 [sflag:s0], s1  }
0x14a: {  	s1 =	ssub.s32 @!p0 $0x0, s1;
	[sflag:s0] =	ssyncset.done @!p0 $0x0  }
0x14b: {  	[sflag:s0] =	ssyncadd.s32 @!p0 s1  }
0x14c: {  	[bflag:$0x3] =	sbarrier.arrive $0xFFFF  }
0x14d: {  	_ =	shalt  }

</sc_bundles>
